<compile_context>
chip_gen: v7x
topology: tpu7x:2x2x1
jax: 0.10.2.dev20260603
libtpu: 0.0.44.dev20260713+nightly
codegen_flags: <defaults>
</compile_context>

<pallas_src>
import functools

import jax
import jax.numpy as jnp
from jax import lax
from jax.experimental import pallas as pl
from jax.experimental.pallas import tpu as pltpu
from jax.experimental.pallas import tpu_sc as plsc

NN = 512
E_TOT = 16384
NEG = 0.2
HEADS = 4
DH = 32

_HI = lax.Precision.HIGHEST


SC_NC = 2
SC_NS = 16
SC_NW = SC_NC * SC_NS
VCH = 16

_sc_mesh = plsc.VectorSubcoreMesh(core_axis_name="c", subcore_axis_name="s")


ROWS2 = NN // (SC_NW // 2)
UNR = 8


@functools.partial(
    pl.kernel, mesh=_sc_mesh,
    compiler_params=pltpu.CompilerParams(needs_layout_passes=False),
    out_type=(jax.ShapeDtypeStruct((NN * NN,), jnp.float32),
              jax.ShapeDtypeStruct((NN * NN,), jnp.float32)),
    scratch_types=[
        pltpu.VMEM((E_TOT,), jnp.int32),
        pltpu.VMEM((E_TOT,), jnp.int32),
        pltpu.VMEM((ROWS2 * NN,), jnp.float32),
        pltpu.SemaphoreType.DMA,
        pltpu.SemaphoreType.DMA,
    ],
)
def _count_sc(srcf_hbm, dstf_hbm, srcd_hbm, dstd_hbm, cf_hbm, cd_hbm,
              src_v, dst_v, blk, sem_s, sem_d):
    cid = lax.axis_index("c")
    sid = lax.axis_index("s")
    wid = sid * SC_NC + cid
    half = SC_NW // 2
    base = (wid % half) * ROWS2
    ones = jnp.ones((VCH,), jnp.float32)
    zeros = jnp.zeros((VCH,), jnp.float32)

    def one_graph(sh, dh, oh):
        cp_s = pltpu.make_async_copy(sh, src_v, sem_s)
        cp_d = pltpu.make_async_copy(dh, dst_v, sem_d)
        cp_s.start()
        cp_d.start()

        @plsc.parallel_loop(0, ROWS2 * NN // VCH, unroll=UNR)
        def _(j):
            blk[pl.ds(j * VCH, VCH)] = zeros

        cp_s.wait()
        cp_d.wait()

        def body(i, _):
            for k in range(UNR):
                off = (i * UNR + k) * VCH
                s = src_v[pl.ds(off, VCH)]
                d = dst_v[pl.ds(off, VCH)]
                msk = (d >= base) & (d < base + ROWS2)
                idx = (d - base) * NN + s
                plsc.addupdate_scatter(blk, [idx], ones, mask=msk)
            return _
        lax.fori_loop(0, E_TOT // VCH // UNR, body, 0)

        pltpu.sync_copy(blk, oh.at[pl.ds(base * NN, ROWS2 * NN)])

    @pl.when(wid < half)
    def _():
        one_graph(srcf_hbm, dstf_hbm, cf_hbm)

    @pl.when(wid >= half)
    def _():
        one_graph(srcd_hbm, dstd_hbm, cd_hbm)



def _dot16(a, b, dims=None):
    if dims is None:
        dims = (((a.ndim - 1,), (0,)), ((), ()))
    return lax.dot_general(a.astype(jnp.bfloat16), b.astype(jnp.bfloat16),
                           dims, preferred_element_type=jnp.float32)


def _mlp_f(x, p):
    w0, b0, w1, b1, g, be, a1, w2, b2, w3, b3, a2 = p
    x1 = _dot16(x, w0) + b0
    h = _dot16(x1, w1) + b1
    m = jnp.mean(h, axis=-1, keepdims=True)
    v = jnp.mean((h - m) * (h - m), axis=-1, keepdims=True)
    h = (h - m) / jnp.sqrt(v + 1e-5) * g + be
    h = jnp.where(h > 0, h, a1[0, 0] * h)
    h = _dot16(h, w2) + b2
    x2 = h + x1
    x3 = _dot16(x2, w3) + b3
    return jnp.where(x3 > 0, x3, a2[0, 0] * x3)


def _gat_heads(x, W, al, ar, b, C):
    h = _dot16(x, W)
    outs = []
    Mneg = None
    if C is not None:
        Mneg = jnp.where(C > 0.0, 0.0, -jnp.inf)
    for hh in range(HEADS):
        hch = h[:, hh * DH:(hh + 1) * DH]
        al_h = al[:, hh * DH:(hh + 1) * DH]
        ar_h = ar[:, hh * DH:(hh + 1) * DH]
        el = lax.dot_general(al_h, hch, (((1,), (1,)), ((), ())),
                             preferred_element_type=jnp.float32,
                             precision=_HI)
        er = lax.dot_general(hch, ar_h, (((1,), (1,)), ((), ())),
                             preferred_element_type=jnp.float32,
                             precision=_HI)
        e = er + el
        e = jnp.where(e > 0, e, NEG * e)
        if C is None:
            emax = jnp.max(e, axis=1, keepdims=True)
            P = jnp.exp(e - emax)
            denom = jnp.sum(P, axis=1, keepdims=True)
            outs.append(_dot16(P, hch) / denom)
        else:
            emax = jnp.max(e + Mneg, axis=1, keepdims=True)
            emax = jnp.where(emax > -1e38, emax, 0.0)
            P = C * jnp.exp(jnp.minimum(e - emax, 0.0))
            denom = jnp.sum(P, axis=1, keepdims=True)
            outs.append(jnp.dot(P, hch,
                                preferred_element_type=jnp.float32,
                                precision=_HI) / (denom + 1e-9))
    return jnp.concatenate(outs, axis=1) + b


def _gcn_f(x, W, b, C):
    ones = jnp.ones((NN, 1), jnp.float32)
    deg_out = lax.dot_general(C, ones, (((0,), (0,)), ((), ())),
                              preferred_element_type=jnp.float32,
                              precision=_HI)
    deg_in = jnp.dot(C, ones, preferred_element_type=jnp.float32,
                     precision=_HI)
    feat = x * lax.rsqrt(jnp.maximum(deg_out, 1.0))
    agg = jnp.dot(C, feat, preferred_element_type=jnp.float32,
                  precision=_HI)
    rst = agg * lax.rsqrt(jnp.maximum(deg_in, 1.0))
    return _dot16(rst, W) + b


def _kernel_body(*refs):
    (fmri, dti, cf_r, cd_r, Wgf, bgf, Wgd, bgd) = refs[:8]
    it = iter(refs[8:])
    mlp_in = [next(it)[...] for _ in range(12)]
    mlp_mid = [next(it)[...] for _ in range(12)]
    mlp_of = [next(it)[...] for _ in range(12)]
    mlp_od = [next(it)[...] for _ in range(12)]
    gats = []
    for _ in range(4):
        gats.append([next(it)[...] for _ in range(4)])
    ff_o, fd_o, hf_o, hd_o, sh_o = [next(it) for _ in range(5)]

    Cf = cf_r[...]
    Cd = cd_r[...]

    fm = _gcn_f(fmri[...], Wgf[...], bgf[...], Cf)
    dt = _gcn_f(dti[...], Wgd[...], bgd[...], Cd)

    sh_o[...] = (fm + dt) * 0.5

    S1 = _dot16(fm, dt, (((1,), (1,)), ((), ())))
    S2 = _dot16(dt, fm, (((1,), (1,)), ((), ())))
    S0 = (S1 + S2) * 0.5
    S0 = jnp.clip(S0, -1e10, 1e10)
    h_t = _mlp_f(S0, mlp_in)

    d0 = _gat_heads(h_t, *gats[0], None)
    d1 = _gat_heads(d0, *gats[1], None)
    h_t = _mlp_f(d1, mlp_mid)
    h_t = h_t + d1
    h_t = _gat_heads(h_t, *gats[2], None)
    h_t = h_t + d0
    h_f = _gat_heads(h_t, *gats[3], Cf)
    h_d = _gat_heads(h_t, *gats[3], Cd)
    hf_o[...] = h_f
    hd_o[...] = h_d
    ff_o[...] = _mlp_f(h_f, mlp_of)
    fd_o[...] = _mlp_f(h_d, mlp_od)


def _prep_mlp(p):
    w0, b0, w1, b1, g, be, a1, w2, b2, w3, b3, a2 = p
    r = lambda v: jnp.asarray(v, jnp.float32).reshape(1, -1)
    return [w0, r(b0), w1, r(b1), r(g), r(be), r(a1), w2, r(b2), w3, r(b3),
            r(a2)]


def _prep_gat(p):
    W, al, ar, b = p
    return [W, al.reshape(1, -1), ar.reshape(1, -1), b.reshape(1, -1)]


def kernel(fmri_data, dti_data, time_embed, edge_index_fmri, edge_index_dti,
           gcn_fmri, gcn_dti, mlp_in_t, mlp_middle, mlp_out_fmri,
           mlp_out_dti, down_gats, up_gats):
    del time_embed

    cf_flat, cd_flat = _count_sc(
        edge_index_fmri[0], edge_index_fmri[1],
        edge_index_dti[0], edge_index_dti[1])
    Cf = cf_flat.reshape(NN, NN)
    Cd = cd_flat.reshape(NN, NN)

    ops = [fmri_data, dti_data, Cf, Cd,
           gcn_fmri[0], gcn_fmri[1].reshape(1, -1),
           gcn_dti[0], gcn_dti[1].reshape(1, -1)]
    ops += _prep_mlp(mlp_in_t)
    ops += _prep_mlp(mlp_middle)
    ops += _prep_mlp(mlp_out_fmri)
    ops += _prep_mlp(mlp_out_dti)
    for g in (down_gats[0], down_gats[1], up_gats[0], up_gats[1]):
        ops += _prep_gat(g)

    out_shapes = (
        jax.ShapeDtypeStruct((NN, 128), jnp.float32),
        jax.ShapeDtypeStruct((NN, 128), jnp.float32),
        jax.ShapeDtypeStruct((NN, 128), jnp.float32),
        jax.ShapeDtypeStruct((NN, 128), jnp.float32),
        jax.ShapeDtypeStruct((NN, NN), jnp.float32),
    )

    ff, fd, hf, hd, sh = pl.pallas_call(
        _kernel_body,
        out_shape=out_shapes,
    )(*ops)

    out_hidden = jnp.concatenate(
        [hf.reshape(NN, HEADS, DH), hd.reshape(NN, HEADS, DH)], axis=-1)
    return ff, fd, out_hidden, sh

# --- scband reference (transcript-rebuilt; emitter-appended) ---
"""Pipeline reference for scband-denoising-unet-32787780337928 (READ-ONLY COPY).

The authoritative reference and input builder live on the scoring server;
editing this copy changes nothing except your own understanding.
"""

import jax, jax.numpy as jnp
import numpy as np

N = 512
D_IN = 512
NH = 128
OUT = 128
HEADS = 4
DH = 32
E = 16384
NEG = 0.2


def _lin(key, i, o):
    return jax.random.normal(key, (i, o), dtype=jnp.float32) / np.sqrt(i)


def _make_mlp(key, i, h, o):
    ks = jax.random.split(key, 4)
    return (_lin(ks[0], i, h), jnp.zeros((h,), jnp.float32),
            _lin(ks[1], h, h), jnp.zeros((h,), jnp.float32),
            jnp.ones((h,), jnp.float32), jnp.zeros((h,), jnp.float32), jnp.float32(0.25),
            _lin(ks[2], h, h), jnp.zeros((h,), jnp.float32),
            _lin(ks[3], h, o), jnp.zeros((o,), jnp.float32), jnp.float32(0.25))


def _make_gat(key, i, H, D):
    ks = jax.random.split(key, 3)
    return (_lin(ks[0], i, H * D),
            jax.random.normal(ks[1], (H, D), dtype=jnp.float32) * 0.1,
            jax.random.normal(ks[2], (H, D), dtype=jnp.float32) * 0.1,
            jnp.zeros((H * D,), jnp.float32))


def setup_inputs(seed: int = 0):
    key = jax.random.key(seed)
    ks = jax.random.split(key, 16)
    inp = {}
    inp['fmri_data'] = jax.random.normal(ks[0], (N, D_IN), dtype=jnp.float32)
    inp['dti_data'] = jax.random.normal(ks[1], (N, D_IN), dtype=jnp.float32)
    inp['time_embed'] = jax.random.normal(ks[2], (N, NH), dtype=jnp.float32)
    inp['edge_index_fmri'] = jax.random.randint(ks[3], (2, E), 0, N, dtype=jnp.int32)
    inp['edge_index_dti'] = jax.random.randint(ks[4], (2, E), 0, N, dtype=jnp.int32)
    inp['gcn_fmri'] = (_lin(ks[5], D_IN, D_IN), jnp.zeros((D_IN,), jnp.float32))
    inp['gcn_dti'] = (_lin(ks[6], D_IN, D_IN), jnp.zeros((D_IN,), jnp.float32))
    inp['mlp_in_t'] = _make_mlp(ks[7], D_IN, 2 * NH, NH)
    inp['mlp_middle'] = _make_mlp(ks[8], NH, NH, NH)
    inp['mlp_out_fmri'] = _make_mlp(ks[9], NH, OUT, OUT)
    inp['mlp_out_dti'] = _make_mlp(ks[10], NH, OUT, OUT)
    inp['down_gats'] = [_make_gat(ks[11], NH, HEADS, DH), _make_gat(ks[12], NH, HEADS, DH)]
    inp['up_gats'] = [_make_gat(ks[13], NH, HEADS, DH), _make_gat(ks[14], NH, HEADS, DH)]
    return inp


def _prelu(x, a):
    return jnp.where(x > 0, x, a * x)


def _ln(x, g, b):
    m = jnp.mean(x, axis=-1, keepdims=True)
    v = jnp.var(x, axis=-1, keepdims=True)
    return (x - m) / jnp.sqrt(v + 1e-5) * g + b


def _mlp(p, x):
    w0, b0, w1, b1, g, be, a1, w2, b2, w3, b3, a2 = p
    x = x @ w0 + b0
    h = x @ w1 + b1
    h = _ln(h, g, be)
    h = _prelu(h, a1)
    h = h @ w2 + b2
    x = h + x
    x = x @ w3 + b3
    return _prelu(x, a2)


def _gcn(p, x, src, dst):
    W, b = p
    n = x.shape[0]
    ones = jnp.ones((src.shape[0],), jnp.float32)
    deg_out = jnp.maximum(jax.ops.segment_sum(ones, src, num_segments=n), 1.0)
    deg_in = jnp.maximum(jax.ops.segment_sum(ones, dst, num_segments=n), 1.0)
    feat = x * (deg_out ** -0.5)[:, None]
    agg = jax.ops.segment_sum(feat[src], dst, num_segments=n)
    rst = agg * (deg_in ** -0.5)[:, None]
    return rst @ W + b


def _gat_sparse(p, x, src, dst):
    W, al, ar, b = p
    n = x.shape[0]
    H, D = al.shape
    h = (x @ W).reshape(n, H, D)
    el = jnp.sum(h * al, axis=-1)
    er = jnp.sum(h * ar, axis=-1)
    e = el[src] + er[dst]
    e = jnp.where(e > 0, e, NEG * e)
    emax = jax.ops.segment_max(e, dst, num_segments=n)
    emax = jnp.where(jnp.isfinite(emax), emax, 0.0)
    ee = jnp.exp(e - emax[dst])
    denom = jax.ops.segment_sum(ee, dst, num_segments=n)
    alpha = ee / (denom[dst] + 1e-9)
    out = jax.ops.segment_sum(h[src] * alpha[:, :, None], dst, num_segments=n)
    return out + b.reshape(1, H, D)


def _gat_dense(p, x):
    W, al, ar, b = p
    n = x.shape[0]
    H, D = al.shape
    h = (x @ W).reshape(n, H, D)
    el = jnp.sum(h * al, axis=-1)
    er = jnp.sum(h * ar, axis=-1)
    e = el[:, None, :] + er[None, :, :]
    e = jnp.where(e > 0, e, NEG * e)
    alpha = jax.nn.softmax(e, axis=0)
    out = jnp.einsum('uvh,uhd->vhd', alpha, h)
    return out + b.reshape(1, H, D)


def _forward(fmri_data, dti_data, time_embed, gcn_fmri, gcn_dti, mlp_in_t, mlp_middle, mlp_out_fmri, mlp_out_dti, down_gats, up_gats, src_f, dst_f, src_d, dst_d):
    fm = _gcn(gcn_fmri, fmri_data, src_f, dst_f)
    dt = _gcn(gcn_dti, dti_data, src_d, dst_d)
    S1 = fm @ dt.T
    S2 = dt @ fm.T
    S0 = (S1 + S2) / 2.0
    S_hat_G = (fm + dt) / 2.0
    fm2 = _mlp(mlp_in_t, fm)
    dt2 = _mlp(mlp_in_t, dt)
    S0 = jnp.clip(S0, -1e10, 1e10)
    S0 = _mlp(mlp_in_t, S0)
    expert_fmri = _gat_sparse(down_gats[0], fm2, src_f, dst_f).reshape(fm2.shape[0], -1)
    expert_dti = _gat_sparse(down_gats[0], dt2, src_d, dst_d).reshape(dt2.shape[0], -1)
    h_t = S0
    down_hidden = []
    for l in range(2):
        h_t = _gat_dense(down_gats[l], h_t).reshape(h_t.shape[0], -1)
        down_hidden.append(h_t)
    h_t = _mlp(mlp_middle, h_t)
    ff = fd = out_hidden = None
    for l in range(2):
        h_t = h_t + down_hidden[2 - l - 1]
        if l == 1:
            h_f = _gat_sparse(up_gats[l], h_t, src_f, dst_f)
            h_d = _gat_sparse(up_gats[l], h_t, src_d, dst_d)
            ff = _mlp(mlp_out_fmri, h_f.reshape(h_f.shape[0], -1))
            fd = _mlp(mlp_out_dti, h_d.reshape(h_d.shape[0], -1))
            out_hidden = jnp.concatenate([h_f, h_d], axis=-1)
        else:
            h_t = _gat_dense(up_gats[l], h_t).reshape(h_t.shape[0], -1)
    return ff, fd, out_hidden, S_hat_G


def reference(fmri_data, dti_data, time_embed, edge_index_fmri, edge_index_dti, gcn_fmri, gcn_dti, mlp_in_t, mlp_middle, mlp_out_fmri, mlp_out_dti, down_gats, up_gats):
    return _forward(fmri_data, dti_data, time_embed, gcn_fmri, gcn_dti, mlp_in_t, mlp_middle, mlp_out_fmri, mlp_out_dti, down_gats, up_gats, edge_index_fmri[0], edge_index_fmri[1], edge_index_dti[0], edge_index_dti[1])

if __name__ == "__main__":
    import jax
    _d = setup_inputs()
    print(jax.jit(kernel)(*tuple(_d.values())))

</pallas_src>

<mosaic_0001>
#map = affine_map<(d0, d1) -> (0)>
module attributes {stable_mosaic.version = 14 : i64} {
  func.func @_count_sc(%arg0: i32, %arg1: i32, %arg2: memref<16384xi32, #tpu.memory_space<hbm>>, %arg3: memref<16384xi32, #tpu.memory_space<hbm>>, %arg4: memref<16384xi32, #tpu.memory_space<hbm>>, %arg5: memref<16384xi32, #tpu.memory_space<hbm>>, %arg6: memref<262144xf32, #tpu.memory_space<hbm>>, %arg7: memref<262144xf32, #tpu.memory_space<hbm>>, %arg8: memref<16384xi32, #tpu.memory_space<vmem>>, %arg9: memref<16384xi32, #tpu.memory_space<vmem>>, %arg10: memref<16384xf32, #tpu.memory_space<vmem>>, %arg11: memref<!tpu.dma_semaphore, #tpu.memory_space<semaphore_mem>>, %arg12: memref<!tpu.dma_semaphore, #tpu.memory_space<semaphore_mem>>) attributes {dimension_semantics = [#tpu.dimension_semantics<core_parallel>, #tpu.dimension_semantics<subcore_parallel>], iteration_bounds = array<i64: 2, 16>, scalar_prefetch = 0 : i64, scratch_operands = 5 : i64, tpu.core_type = #tpu.core_type<sc_vector_subcore>, window_params = [{transform_indices = #map}, {transform_indices = #map}, {transform_indices = #map}, {transform_indices = #map}, {transform_indices = #map}, {transform_indices = #map}]} {
    %mul3A = arith.constant 2 : i32
    %mul3A_0 = arith.muli %arg1, %mul3A : i32
    %add3A = arith.addi %mul3A_0, %arg0 : i32
    %jit3A = arith.constant 16 : i32
    %eq3A = arith.constant 0 : i32
    %eq3A_1 = arith.cmpi eq, %jit3A, %eq3A : i32
    %jit3A_2 = arith.constant 1 : i32
    %select_n3A = arith.select %eq3A_1, %jit3A_2, %jit3A : i32
    %rem3A = arith.remsi %add3A, %select_n3A : i32
    %ne3A = arith.constant 0 : i32
    %ne3A_3 = arith.cmpi ne, %rem3A, %ne3A : i32
    %lt3A = arith.constant 0 : i32
    %lt3A_4 = arith.cmpi slt, %rem3A, %lt3A : i32
    %lt3A_5 = arith.constant 0 : i32
    %lt3A_6 = arith.cmpi slt, %select_n3A, %lt3A_5 : i32
    %ne3A_7 = arith.xori %lt3A_4, %lt3A_6 : i1
    %and3A = arith.andi %ne3A_7, %ne3A_3 : i1
    %add3A_8 = arith.addi %rem3A, %select_n3A : i32
    %select_n3A_9 = arith.select %and3A, %add3A_8, %rem3A : i32
    %mul3A_10 = arith.constant 32 : i32
    %mul3A_11 = arith.muli %select_n3A_9, %mul3A_10 : i32
    %broadcast_in_dim3A = arith.constant 1.000000e+00 : f32
    %broadcast_in_dim3A_12 = vector.broadcast %broadcast_in_dim3A : f32 to vector<16xf32>
    %broadcast_in_dim3A_13 = arith.constant 0.000000e+00 : f32
    %broadcast_in_dim3A_14 = vector.broadcast %broadcast_in_dim3A_13 : f32 to vector<16xf32>
    %lt3A_15 = arith.constant 16 : i32
    %lt3A_16 = arith.cmpi slt, %add3A, %lt3A_15 : i32
    %convert_element_type3A = arith.extui %lt3A_16 : i1 to i32
    %cond3A = arith.constant 0 : i32
    %cond3A_17 = arith.cmpi ne, %convert_element_type3A, %cond3A : i32
    scf.if %cond3A_17 {
      tpu.enqueue_dma source(%arg2 : memref<16384xi32, #tpu.memory_space<hbm>>) target(%arg8 : memref<16384xi32, #tpu.memory_space<vmem>>) target_semaphore(%arg11 : memref<!tpu.dma_semaphore, #tpu.memory_space<semaphore_mem>>)
      tpu.enqueue_dma source(%arg3 : memref<16384xi32, #tpu.memory_space<hbm>>) target(%arg9 : memref<16384xi32, #tpu.memory_space<vmem>>) target_semaphore(%arg12 : memref<!tpu.dma_semaphore, #tpu.memory_space<semaphore_mem>>)
      %parallel_loop3A = arith.constant 0 : i32
      %parallel_loop3A_22 = arith.constant 1024 : i32
      %parallel_loop3A_23 = arith.constant 1 : i32
      scf.for %parallel_loop3A_31 = %parallel_loop3A to %parallel_loop3A_22 step %parallel_loop3A_23  : i32 {
        %parallel_loop3A_32 = arith.constant 16 : i32
        %parallel_loop3A_33 = arith.muli %parallel_loop3A_31, %parallel_loop3A_32 : i32
        %parallel_loop3A_34 = arith.index_cast %parallel_loop3A_33 : i32 to index
        %parallel_loop3A_35 = tpu.vector_load %arg10[%parallel_loop3A_34] {strides = array<i32>} : memref<16384xf32, #tpu.memory_space<vmem>>, vector<16xf32>,
        tpu.vector_store %arg10[%parallel_loop3A_34], %broadcast_in_dim3A_14 {strides = array<i32>} : memref<16384xf32, #tpu.memory_space<vmem>>, vector<16xf32>,
      } {sc.loop_unroll_factor = 8 : i64, sc.parallel_access}
      tpu.wait_dma2 semaphore(%arg11 : memref<!tpu.dma_semaphore, #tpu.memory_space<semaphore_mem>>) src(%arg2 : memref<16384xi32, #tpu.memory_space<hbm>>) dst(%arg8 : memref<16384xi32, #tpu.memory_space<vmem>>)
      tpu.wait_dma2 semaphore(%arg12 : memref<!tpu.dma_semaphore, #tpu.memory_space<semaphore_mem>>) src(%arg3 : memref<16384xi32, #tpu.memory_space<hbm>>) dst(%arg9 : memref<16384xi32, #tpu.memory_space<vmem>>)
      %scan3A = arith.constant 0 : i32
      %scan3A_24 = arith.constant 0 : i32
      %scan3A_25 = arith.constant 128 : i32
      %scan3A_26 = arith.addi %scan3A_24, %scan3A_25 : i32
      %scan3A_27 = arith.constant 1 : i32
      scf.for %scan3A_31 = %scan3A_24 to %scan3A_26 step %scan3A_27  : i32 {
        %mul3A_32 = arith.constant 8 : i32
        %mul3A_33 = arith.muli %scan3A_31, %mul3A_32 : i32
        %add3A_34 = arith.constant 0 : i32
        %add3A_35 = arith.addi %mul3A_33, %add3A_34 : i32
        %mul3A_36 = arith.constant 16 : i32
        %mul3A_37 = arith.muli %add3A_35, %mul3A_36 : i32
        %get3A = arith.index_cast %mul3A_37 : i32 to index
        %get3A_38 = tpu.vector_load %arg8[%get3A] {strides = array<i32>} : memref<16384xi32, #tpu.memory_space<vmem>>, vector<16xi32>,
        %get3A_39 = arith.index_cast %mul3A_37 : i32 to index
        %get3A_40 = tpu.vector_load %arg9[%get3A_39] {strides = array<i32>} : memref<16384xi32, #tpu.memory_space<vmem>>, vector<16xi32>,
        %ge3A_41 = vector.broadcast %mul3A_11 : i32 to vector<16xi32>
        %ge3A_42 = arith.cmpi sge, %get3A_40, %ge3A_41 : vector<16xi32>
        %add3A_43 = arith.constant 32 : i32
        %add3A_44 = arith.addi %mul3A_11, %add3A_43 : i32
        %lt3A_45 = vector.broadcast %add3A_44 : i32 to vector<16xi32>
        %lt3A_46 = arith.cmpi slt, %get3A_40, %lt3A_45 : vector<16xi32>
        %and3A_47 = arith.andi %ge3A_42, %lt3A_46 : vector<16xi1>
        %sub3A = vector.broadcast %mul3A_11 : i32 to vector<16xi32>
        %sub3A_48 = arith.subi %get3A_40, %sub3A : vector<16xi32>
        %mul3A_49 = arith.constant 512 : i32
        %mul3A_50 = vector.broadcast %mul3A_49 : i32 to vector<16xi32>
        %mul3A_51 = arith.muli %sub3A_48, %mul3A_50 : vector<16xi32>
        %add3A_52 = arith.addi %mul3A_51, %get3A_38 : vector<16xi32>
        tpu.vector_store_idx %arg10[%add3A_52], %broadcast_in_dim3A_12 masked %and3A_47 {add = true} : memref<16384xf32, #tpu.memory_space<vmem>>[vector<16xi32>], vector<16xf32>, vector<16xi1>
        %mul3A_53 = arith.constant 8 : i32
        %mul3A_54 = arith.muli %scan3A_31, %mul3A_53 : i32
        %add3A_55 = arith.constant 1 : i32
        %add3A_56 = arith.addi %mul3A_54, %add3A_55 : i32
        %mul3A_57 = arith.constant 16 : i32
        %mul3A_58 = arith.muli %add3A_56, %mul3A_57 : i32
        %get3A_59 = arith.index_cast %mul3A_58 : i32 to index
        %get3A_60 = tpu.vector_load %arg8[%get3A_59] {strides = array<i32>} : memref<16384xi32, #tpu.memory_space<vmem>>, vector<16xi32>,
        %get3A_61 = arith.index_cast %mul3A_58 : i32 to index
        %get3A_62 = tpu.vector_load %arg9[%get3A_61] {strides = array<i32>} : memref<16384xi32, #tpu.memory_space<vmem>>, vector<16xi32>,
        %ge3A_63 = vector.broadcast %mul3A_11 : i32 to vector<16xi32>
        %ge3A_64 = arith.cmpi sge, %get3A_62, %ge3A_63 : vector<16xi32>
        %add3A_65 = arith.constant 32 : i32
        %add3A_66 = arith.addi %mul3A_11, %add3A_65 : i32
        %lt3A_67 = vector.broadcast %add3A_66 : i32 to vector<16xi32>
        %lt3A_68 = arith.cmpi slt, %get3A_62, %lt3A_67 : vector<16xi32>
        %and3A_69 = arith.andi %ge3A_64, %lt3A_68 : vector<16xi1>
        %sub3A_70 = vector.broadcast %mul3A_11 : i32 to vector<16xi32>
        %sub3A_71 = arith.subi %get3A_62, %sub3A_70 : vector<16xi32>
        %mul3A_72 = arith.constant 512 : i32
        %mul3A_73 = vector.broadcast %mul3A_72 : i32 to vector<16xi32>
        %mul3A_74 = arith.muli %sub3A_71, %mul3A_73 : vector<16xi32>
        %add3A_75 = arith.addi %mul3A_74, %get3A_60 : vector<16xi32>
        tpu.vector_store_idx %arg10[%add3A_75], %broadcast_in_dim3A_12 masked %and3A_69 {add = true} : memref<16384xf32, #tpu.memory_space<vmem>>[vector<16xi32>], vector<16xf32>, vector<16xi1>
        %mul3A_76 = arith.constant 8 : i32
        %mul3A_77 = arith.muli %scan3A_31, %mul3A_76 : i32
        %add3A_78 = arith.constant 2 : i32
        %add3A_79 = arith.addi %mul3A_77, %add3A_78 : i32
        %mul3A_80 = arith.constant 16 : i32
        %mul3A_81 = arith.muli %add3A_79, %mul3A_80 : i32
        %get3A_82 = arith.index_cast %mul3A_81 : i32 to index
        %get3A_83 = tpu.vector_load %arg8[%get3A_82] {strides = array<i32>} : memref<16384xi32, #tpu.memory_space<vmem>>, vector<16xi32>,
        %get3A_84 = arith.index_cast %mul3A_81 : i32 to index
        %get3A_85 = tpu.vector_load %arg9[%get3A_84] {strides = array<i32>} : memref<16384xi32, #tpu.memory_space<vmem>>, vector<16xi32>,
        %ge3A_86 = vector.broadcast %mul3A_11 : i32 to vector<16xi32>
        %ge3A_87 = arith.cmpi sge, %get3A_85, %ge3A_86 : vector<16xi32>
        %add3A_88 = arith.constant 32 : i32
        %add3A_89 = arith.addi %mul3A_11, %add3A_88 : i32
        %lt3A_90 = vector.broadcast %add3A_89 : i32 to vector<16xi32>
        %lt3A_91 = arith.cmpi slt, %get3A_85, %lt3A_90 : vector<16xi32>
        %and3A_92 = arith.andi %ge3A_87, %lt3A_91 : vector<16xi1>
        %sub3A_93 = vector.broadcast %mul3A_11 : i32 to vector<16xi32>
        %sub3A_94 = arith.subi %get3A_85, %sub3A_93 : vector<16xi32>
        %mul3A_95 = arith.constant 512 : i32
        %mul3A_96 = vector.broadcast %mul3A_95 : i32 to vector<16xi32>
        %mul3A_97 = arith.muli %sub3A_94, %mul3A_96 : vector<16xi32>
        %add3A_98 = arith.addi %mul3A_97, %get3A_83 : vector<16xi32>
        tpu.vector_store_idx %arg10[%add3A_98], %broadcast_in_dim3A_12 masked %and3A_92 {add = true} : memref<16384xf32, #tpu.memory_space<vmem>>[vector<16xi32>], vector<16xf32>, vector<16xi1>
        %mul3A_99 = arith.constant 8 : i32
        %mul3A_100 = arith.muli %scan3A_31, %mul3A_99 : i32
        %add3A_101 = arith.constant 3 : i32
        %add3A_102 = arith.addi %mul3A_100, %add3A_101 : i32
        %mul3A_103 = arith.constant 16 : i32
        %mul3A_104 = arith.muli %add3A_102, %mul3A_103 : i32
        %get3A_105 = arith.index_cast %mul3A_104 : i32 to index
        %get3A_106 = tpu.vector_load %arg8[%get3A_105] {strides = array<i32>} : memref<16384xi32, #tpu.memory_space<vmem>>, vector<16xi32>,
        %get3A_107 = arith.index_cast %mul3A_104 : i32 to index
        %get3A_108 = tpu.vector_load %arg9[%get3A_107] {strides = array<i32>} : memref<16384xi32, #tpu.memory_space<vmem>>, vector<16xi32>,
        %ge3A_109 = vector.broadcast %mul3A_11 : i32 to vector<16xi32>
        %ge3A_110 = arith.cmpi sge, %get3A_108, %ge3A_109 : vector<16xi32>
        %add3A_111 = arith.constant 32 : i32
        %add3A_112 = arith.addi %mul3A_11, %add3A_111 : i32
        %lt3A_113 = vector.broadcast %add3A_112 : i32 to vector<16xi32>
        %lt3A_114 = arith.cmpi slt, %get3A_108, %lt3A_113 : vector<16xi32>
        %and3A_115 = arith.andi %ge3A_110, %lt3A_114 : vector<16xi1>
        %sub3A_116 = vector.broadcast %mul3A_11 : i32 to vector<16xi32>
        %sub3A_117 = arith.subi %get3A_108, %sub3A_116 : vector<16xi32>
        %mul3A_118 = arith.constant 512 : i32
        %mul3A_119 = vector.broadcast %mul3A_118 : i32 to vector<16xi32>
        %mul3A_120 = arith.muli %sub3A_117, %mul3A_119 : vector<16xi32>
        %add3A_121 = arith.addi %mul3A_120, %get3A_106 : vector<16xi32>
        tpu.vector_store_idx %arg10[%add3A_121], %broadcast_in_dim3A_12 masked %and3A_115 {add = true} : memref<16384xf32, #tpu.memory_space<vmem>>[vector<16xi32>], vector<16xf32>, vector<16xi1>
        %mul3A_122 = arith.constant 8 : i32
        %mul3A_123 = arith.muli %scan3A_31, %mul3A_122 : i32
        %add3A_124 = arith.constant 4 : i32
        %add3A_125 = arith.addi %mul3A_123, %add3A_124 : i32
        %mul3A_126 = arith.constant 16 : i32
        %mul3A_127 = arith.muli %add3A_125, %mul3A_126 : i32
        %get3A_128 = arith.index_cast %mul3A_127 : i32 to index
        %get3A_129 = tpu.vector_load %arg8[%get3A_128] {strides = array<i32>} : memref<16384xi32, #tpu.memory_space<vmem>>, vector<16xi32>,
        %get3A_130 = arith.index_cast %mul3A_127 : i32 to index
        %get3A_131 = tpu.vector_load %arg9[%get3A_130] {strides = array<i32>} : memref<16384xi32, #tpu.memory_space<vmem>>, vector<16xi32>,
        %ge3A_132 = vector.broadcast %mul3A_11 : i32 to vector<16xi32>
        %ge3A_133 = arith.cmpi sge, %get3A_131, %ge3A_132 : vector<16xi32>
        %add3A_134 = arith.constant 32 : i32
        %add3A_135 = arith.addi %mul3A_11, %add3A_134 : i32
        %lt3A_136 = vector.broadcast %add3A_135 : i32 to vector<16xi32>
        %lt3A_137 = arith.cmpi slt, %get3A_131, %lt3A_136 : vector<16xi32>
        %and3A_138 = arith.andi %ge3A_133, %lt3A_137 : vector<16xi1>
        %sub3A_139 = vector.broadcast %mul3A_11 : i32 to vector<16xi32>
        %sub3A_140 = arith.subi %get3A_131, %sub3A_139 : vector<16xi32>
        %mul3A_141 = arith.constant 512 : i32
        %mul3A_142 = vector.broadcast %mul3A_141 : i32 to vector<16xi32>
        %mul3A_143 = arith.muli %sub3A_140, %mul3A_142 : vector<16xi32>
        %add3A_144 = arith.addi %mul3A_143, %get3A_129 : vector<16xi32>
        tpu.vector_store_idx %arg10[%add3A_144], %broadcast_in_dim3A_12 masked %and3A_138 {add = true} : memref<16384xf32, #tpu.memory_space<vmem>>[vector<16xi32>], vector<16xf32>, vector<16xi1>
        %mul3A_145 = arith.constant 8 : i32
        %mul3A_146 = arith.muli %scan3A_31, %mul3A_145 : i32
        %add3A_147 = arith.constant 5 : i32
        %add3A_148 = arith.addi %mul3A_146, %add3A_147 : i32
        %mul3A_149 = arith.constant 16 : i32
        %mul3A_150 = arith.muli %add3A_148, %mul3A_149 : i32
        %get3A_151 = arith.index_cast %mul3A_150 : i32 to index
        %get3A_152 = tpu.vector_load %arg8[%get3A_151] {strides = array<i32>} : memref<16384xi32, #tpu.memory_space<vmem>>, vector<16xi32>,
        %get3A_153 = arith.index_cast %mul3A_150 : i32 to index
        %get3A_154 = tpu.vector_load %arg9[%get3A_153] {strides = array<i32>} : memref<16384xi32, #tpu.memory_space<vmem>>, vector<16xi32>,
        %ge3A_155 = vector.broadcast %mul3A_11 : i32 to vector<16xi32>
        %ge3A_156 = arith.cmpi sge, %get3A_154, %ge3A_155 : vector<16xi32>
        %add3A_157 = arith.constant 32 : i32
        %add3A_158 = arith.addi %mul3A_11, %add3A_157 : i32
        %lt3A_159 = vector.broadcast %add3A_158 : i32 to vector<16xi32>
        %lt3A_160 = arith.cmpi slt, %get3A_154, %lt3A_159 : vector<16xi32>
        %and3A_161 = arith.andi %ge3A_156, %lt3A_160 : vector<16xi1>
        %sub3A_162 = vector.broadcast %mul3A_11 : i32 to vector<16xi32>
        %sub3A_163 = arith.subi %get3A_154, %sub3A_162 : vector<16xi32>
        %mul3A_164 = arith.constant 512 : i32
        %mul3A_165 = vector.broadcast %mul3A_164 : i32 to vector<16xi32>
        %mul3A_166 = arith.muli %sub3A_163, %mul3A_165 : vector<16xi32>
        %add3A_167 = arith.addi %mul3A_166, %get3A_152 : vector<16xi32>
        tpu.vector_store_idx %arg10[%add3A_167], %broadcast_in_dim3A_12 masked %and3A_161 {add = true} : memref<16384xf32, #tpu.memory_space<vmem>>[vector<16xi32>], vector<16xf32>, vector<16xi1>
        %mul3A_168 = arith.constant 8 : i32
        %mul3A_169 = arith.muli %scan3A_31, %mul3A_168 : i32
        %add3A_170 = arith.constant 6 : i32
        %add3A_171 = arith.addi %mul3A_169, %add3A_170 : i32
        %mul3A_172 = arith.constant 16 : i32
        %mul3A_173 = arith.muli %add3A_171, %mul3A_172 : i32
        %get3A_174 = arith.index_cast %mul3A_173 : i32 to index
        %get3A_175 = tpu.vector_load %arg8[%get3A_174] {strides = array<i32>} : memref<16384xi32, #tpu.memory_space<vmem>>, vector<16xi32>,
        %get3A_176 = arith.index_cast %mul3A_173 : i32 to index
        %get3A_177 = tpu.vector_load %arg9[%get3A_176] {strides = array<i32>} : memref<16384xi32, #tpu.memory_space<vmem>>, vector<16xi32>,
        %ge3A_178 = vector.broadcast %mul3A_11 : i32 to vector<16xi32>
        %ge3A_179 = arith.cmpi sge, %get3A_177, %ge3A_178 : vector<16xi32>
        %add3A_180 = arith.constant 32 : i32
        %add3A_181 = arith.addi %mul3A_11, %add3A_180 : i32
        %lt3A_182 = vector.broadcast %add3A_181 : i32 to vector<16xi32>
        %lt3A_183 = arith.cmpi slt, %get3A_177, %lt3A_182 : vector<16xi32>
        %and3A_184 = arith.andi %ge3A_179, %lt3A_183 : vector<16xi1>
        %sub3A_185 = vector.broadcast %mul3A_11 : i32 to vector<16xi32>
        %sub3A_186 = arith.subi %get3A_177, %sub3A_185 : vector<16xi32>
        %mul3A_187 = arith.constant 512 : i32
        %mul3A_188 = vector.broadcast %mul3A_187 : i32 to vector<16xi32>
        %mul3A_189 = arith.muli %sub3A_186, %mul3A_188 : vector<16xi32>
        %add3A_190 = arith.addi %mul3A_189, %get3A_175 : vector<16xi32>
        tpu.vector_store_idx %arg10[%add3A_190], %broadcast_in_dim3A_12 masked %and3A_184 {add = true} : memref<16384xf32, #tpu.memory_space<vmem>>[vector<16xi32>], vector<16xf32>, vector<16xi1>
        %mul3A_191 = arith.constant 8 : i32
        %mul3A_192 = arith.muli %scan3A_31, %mul3A_191 : i32
        %add3A_193 = arith.constant 7 : i32
        %add3A_194 = arith.addi %mul3A_192, %add3A_193 : i32
        %mul3A_195 = arith.constant 16 : i32
        %mul3A_196 = arith.muli %add3A_194, %mul3A_195 : i32
        %get3A_197 = arith.index_cast %mul3A_196 : i32 to index
        %get3A_198 = tpu.vector_load %arg8[%get3A_197] {strides = array<i32>} : memref<16384xi32, #tpu.memory_space<vmem>>, vector<16xi32>,
        %get3A_199 = arith.index_cast %mul3A_196 : i32 to index
        %get3A_200 = tpu.vector_load %arg9[%get3A_199] {strides = array<i32>} : memref<16384xi32, #tpu.memory_space<vmem>>, vector<16xi32>,
        %ge3A_201 = vector.broadcast %mul3A_11 : i32 to vector<16xi32>
        %ge3A_202 = arith.cmpi sge, %get3A_200, %ge3A_201 : vector<16xi32>
        %add3A_203 = arith.constant 32 : i32
        %add3A_204 = arith.addi %mul3A_11, %add3A_203 : i32
        %lt3A_205 = vector.broadcast %add3A_204 : i32 to vector<16xi32>
        %lt3A_206 = arith.cmpi slt, %get3A_200, %lt3A_205 : vector<16xi32>
        %and3A_207 = arith.andi %ge3A_202, %lt3A_206 : vector<16xi1>
        %sub3A_208 = vector.broadcast %mul3A_11 : i32 to vector<16xi32>
        %sub3A_209 = arith.subi %get3A_200, %sub3A_208 : vector<16xi32>
        %mul3A_210 = arith.constant 512 : i32
        %mul3A_211 = vector.broadcast %mul3A_210 : i32 to vector<16xi32>
        %mul3A_212 = arith.muli %sub3A_209, %mul3A_211 : vector<16xi32>
        %add3A_213 = arith.addi %mul3A_212, %get3A_198 : vector<16xi32>
        tpu.vector_store_idx %arg10[%add3A_213], %broadcast_in_dim3A_12 masked %and3A_207 {add = true} : memref<16384xf32, #tpu.memory_space<vmem>>[vector<16xi32>], vector<16xf32>, vector<16xi1>
      }
      %scan3A_28 = arith.constant 128 : i32
      %mul3A_29 = arith.constant 512 : i32
      %mul3A_30 = arith.muli %mul3A_11, %mul3A_29 : i32
      "tpu.region"() ({
        %run_scoped3A = tpu.sem_alloc : memref<!tpu.dma_semaphore, #tpu.memory_space<semaphore_mem>>
        %dma_start3A = tpu.memref_slice %arg6[%mul3A_30] : memref<262144xf32, #tpu.memory_space<hbm>> -> memref<16384xf32, #tpu.memory_space<hbm>>
        %dma_start3A_31 = tpu.memref_slice %arg6[%mul3A_30] : memref<262144xf32, #tpu.memory_space<hbm>> -> memref<16384xf32, #tpu.memory_space<hbm>>
        tpu.enqueue_dma source(%arg10 : memref<16384xf32, #tpu.memory_space<vmem>>) target(%dma_start3A_31 : memref<16384xf32, #tpu.memory_space<hbm>>) target_semaphore(%run_scoped3A : memref<!tpu.dma_semaphore, #tpu.memory_space<semaphore_mem>>)
        %dma_wait3A = tpu.memref_slice %arg6[%mul3A_30] : memref<262144xf32, #tpu.memory_space<hbm>> -> memref<16384xf32, #tpu.memory_space<hbm>>
        %dma_wait3A_32 = tpu.memref_slice %arg6[%mul3A_30] : memref<262144xf32, #tpu.memory_space<hbm>> -> memref<16384xf32, #tpu.memory_space<hbm>>
        tpu.wait_dma2 semaphore(%run_scoped3A : memref<!tpu.dma_semaphore, #tpu.memory_space<semaphore_mem>>) src(%arg10 : memref<16384xf32, #tpu.memory_space<vmem>>) dst(%dma_wait3A_32 : memref<16384xf32, #tpu.memory_space<hbm>>)
        tpu.yield
      }) : () -> ()
    } else {
    }
    %ge3A = arith.constant 16 : i32
    %ge3A_18 = arith.cmpi sge, %add3A, %ge3A : i32
    %convert_element_type3A_19 = arith.extui %ge3A_18 : i1 to i32
    %cond3A_20 = arith.constant 0 : i32
    %cond3A_21 = arith.cmpi ne, %convert_element_type3A_19, %cond3A_20 : i32
    scf.if %cond3A_21 {
      tpu.enqueue_dma source(%arg4 : memref<16384xi32, #tpu.memory_space<hbm>>) target(%arg8 : memref<16384xi32, #tpu.memory_space<vmem>>) target_semaphore(%arg11 : memref<!tpu.dma_semaphore, #tpu.memory_space<semaphore_mem>>)
      tpu.enqueue_dma source(%arg5 : memref<16384xi32, #tpu.memory_space<hbm>>) target(%arg9 : memref<16384xi32, #tpu.memory_space<vmem>>) target_semaphore(%arg12 : memref<!tpu.dma_semaphore, #tpu.memory_space<semaphore_mem>>)
      %parallel_loop3A = arith.constant 0 : i32
      %parallel_loop3A_22 = arith.constant 1024 : i32
      %parallel_loop3A_23 = arith.constant 1 : i32
      scf.for %parallel_loop3A_31 = %parallel_loop3A to %parallel_loop3A_22 step %parallel_loop3A_23  : i32 {
        %parallel_loop3A_32 = arith.constant 16 : i32
        %parallel_loop3A_33 = arith.muli %parallel_loop3A_31, %parallel_loop3A_32 : i32
        %parallel_loop3A_34 = arith.index_cast %parallel_loop3A_33 : i32 to index
        %parallel_loop3A_35 = tpu.vector_load %arg10[%parallel_loop3A_34] {strides = array<i32>} : memref<16384xf32, #tpu.memory_space<vmem>>, vector<16xf32>,
        tpu.vector_store %arg10[%parallel_loop3A_34], %broadcast_in_dim3A_14 {strides = array<i32>} : memref<16384xf32, #tpu.memory_space<vmem>>, vector<16xf32>,
      } {sc.loop_unroll_factor = 8 : i64, sc.parallel_access}
      tpu.wait_dma2 semaphore(%arg11 : memref<!tpu.dma_semaphore, #tpu.memory_space<semaphore_mem>>) src(%arg4 : memref<16384xi32, #tpu.memory_space<hbm>>) dst(%arg8 : memref<16384xi32, #tpu.memory_space<vmem>>)
      tpu.wait_dma2 semaphore(%arg12 : memref<!tpu.dma_semaphore, #tpu.memory_space<semaphore_mem>>) src(%arg5 : memref<16384xi32, #tpu.memory_space<hbm>>) dst(%arg9 : memref<16384xi32, #tpu.memory_space<vmem>>)
      %scan3A = arith.constant 0 : i32
      %scan3A_24 = arith.constant 0 : i32
      %scan3A_25 = arith.constant 128 : i32
      %scan3A_26 = arith.addi %scan3A_24, %scan3A_25 : i32
      %scan3A_27 = arith.constant 1 : i32
      scf.for %scan3A_31 = %scan3A_24 to %scan3A_26 step %scan3A_27  : i32 {
        %mul3A_32 = arith.constant 8 : i32
        %mul3A_33 = arith.muli %scan3A_31, %mul3A_32 : i32
        %add3A_34 = arith.constant 0 : i32
        %add3A_35 = arith.addi %mul3A_33, %add3A_34 : i32
        %mul3A_36 = arith.constant 16 : i32
        %mul3A_37 = arith.muli %add3A_35, %mul3A_36 : i32
        %get3A = arith.index_cast %mul3A_37 : i32 to index
        %get3A_38 = tpu.vector_load %arg8[%get3A] {strides = array<i32>} : memref<16384xi32, #tpu.memory_space<vmem>>, vector<16xi32>,
        %get3A_39 = arith.index_cast %mul3A_37 : i32 to index
        %get3A_40 = tpu.vector_load %arg9[%get3A_39] {strides = array<i32>} : memref<16384xi32, #tpu.memory_space<vmem>>, vector<16xi32>,
        %ge3A_41 = vector.broadcast %mul3A_11 : i32 to vector<16xi32>
        %ge3A_42 = arith.cmpi sge, %get3A_40, %ge3A_41 : vector<16xi32>
        %add3A_43 = arith.constant 32 : i32
        %add3A_44 = arith.addi %mul3A_11, %add3A_43 : i32
        %lt3A_45 = vector.broadcast %add3A_44 : i32 to vector<16xi32>
        %lt3A_46 = arith.cmpi slt, %get3A_40, %lt3A_45 : vector<16xi32>
        %and3A_47 = arith.andi %ge3A_42, %lt3A_46 : vector<16xi1>
        %sub3A = vector.broadcast %mul3A_11 : i32 to vector<16xi32>
        %sub3A_48 = arith.subi %get3A_40, %sub3A : vector<16xi32>
        %mul3A_49 = arith.constant 512 : i32
        %mul3A_50 = vector.broadcast %mul3A_49 : i32 to vector<16xi32>
        %mul3A_51 = arith.muli %sub3A_48, %mul3A_50 : vector<16xi32>
        %add3A_52 = arith.addi %mul3A_51, %get3A_38 : vector<16xi32>
        tpu.vector_store_idx %arg10[%add3A_52], %broadcast_in_dim3A_12 masked %and3A_47 {add = true} : memref<16384xf32, #tpu.memory_space<vmem>>[vector<16xi32>], vector<16xf32>, vector<16xi1>
        %mul3A_53 = arith.constant 8 : i32
        %mul3A_54 = arith.muli %scan3A_31, %mul3A_53 : i32
        %add3A_55 = arith.constant 1 : i32
        %add3A_56 = arith.addi %mul3A_54, %add3A_55 : i32
        %mul3A_57 = arith.constant 16 : i32
        %mul3A_58 = arith.muli %add3A_56, %mul3A_57 : i32
        %get3A_59 = arith.index_cast %mul3A_58 : i32 to index
        %get3A_60 = tpu.vector_load %arg8[%get3A_59] {strides = array<i32>} : memref<16384xi32, #tpu.memory_space<vmem>>, vector<16xi32>,
        %get3A_61 = arith.index_cast %mul3A_58 : i32 to index
        %get3A_62 = tpu.vector_load %arg9[%get3A_61] {strides = array<i32>} : memref<16384xi32, #tpu.memory_space<vmem>>, vector<16xi32>,
        %ge3A_63 = vector.broadcast %mul3A_11 : i32 to vector<16xi32>
        %ge3A_64 = arith.cmpi sge, %get3A_62, %ge3A_63 : vector<16xi32>
        %add3A_65 = arith.constant 32 : i32
        %add3A_66 = arith.addi %mul3A_11, %add3A_65 : i32
        %lt3A_67 = vector.broadcast %add3A_66 : i32 to vector<16xi32>
        %lt3A_68 = arith.cmpi slt, %get3A_62, %lt3A_67 : vector<16xi32>
        %and3A_69 = arith.andi %ge3A_64, %lt3A_68 : vector<16xi1>
        %sub3A_70 = vector.broadcast %mul3A_11 : i32 to vector<16xi32>
        %sub3A_71 = arith.subi %get3A_62, %sub3A_70 : vector<16xi32>
        %mul3A_72 = arith.constant 512 : i32
        %mul3A_73 = vector.broadcast %mul3A_72 : i32 to vector<16xi32>
        %mul3A_74 = arith.muli %sub3A_71, %mul3A_73 : vector<16xi32>
        %add3A_75 = arith.addi %mul3A_74, %get3A_60 : vector<16xi32>
        tpu.vector_store_idx %arg10[%add3A_75], %broadcast_in_dim3A_12 masked %and3A_69 {add = true} : memref<16384xf32, #tpu.memory_space<vmem>>[vector<16xi32>], vector<16xf32>, vector<16xi1>
        %mul3A_76 = arith.constant 8 : i32
        %mul3A_77 = arith.muli %scan3A_31, %mul3A_76 : i32
        %add3A_78 = arith.constant 2 : i32
        %add3A_79 = arith.addi %mul3A_77, %add3A_78 : i32
        %mul3A_80 = arith.constant 16 : i32
        %mul3A_81 = arith.muli %add3A_79, %mul3A_80 : i32
        %get3A_82 = arith.index_cast %mul3A_81 : i32 to index
        %get3A_83 = tpu.vector_load %arg8[%get3A_82] {strides = array<i32>} : memref<16384xi32, #tpu.memory_space<vmem>>, vector<16xi32>,
        %get3A_84 = arith.index_cast %mul3A_81 : i32 to index
        %get3A_85 = tpu.vector_load %arg9[%get3A_84] {strides = array<i32>} : memref<16384xi32, #tpu.memory_space<vmem>>, vector<16xi32>,
        %ge3A_86 = vector.broadcast %mul3A_11 : i32 to vector<16xi32>
        %ge3A_87 = arith.cmpi sge, %get3A_85, %ge3A_86 : vector<16xi32>
        %add3A_88 = arith.constant 32 : i32
        %add3A_89 = arith.addi %mul3A_11, %add3A_88 : i32
        %lt3A_90 = vector.broadcast %add3A_89 : i32 to vector<16xi32>
        %lt3A_91 = arith.cmpi slt, %get3A_85, %lt3A_90 : vector<16xi32>
        %and3A_92 = arith.andi %ge3A_87, %lt3A_91 : vector<16xi1>
        %sub3A_93 = vector.broadcast %mul3A_11 : i32 to vector<16xi32>
        %sub3A_94 = arith.subi %get3A_85, %sub3A_93 : vector<16xi32>
        %mul3A_95 = arith.constant 512 : i32
        %mul3A_96 = vector.broadcast %mul3A_95 : i32 to vector<16xi32>
        %mul3A_97 = arith.muli %sub3A_94, %mul3A_96 : vector<16xi32>
        %add3A_98 = arith.addi %mul3A_97, %get3A_83 : vector<16xi32>
        tpu.vector_store_idx %arg10[%add3A_98], %broadcast_in_dim3A_12 masked %and3A_92 {add = true} : memref<16384xf32, #tpu.memory_space<vmem>>[vector<16xi32>], vector<16xf32>, vector<16xi1>
        %mul3A_99 = arith.constant 8 : i32
        %mul3A_100 = arith.muli %scan3A_31, %mul3A_99 : i32
        %add3A_101 = arith.constant 3 : i32
        %add3A_102 = arith.addi %mul3A_100, %add3A_101 : i32
        %mul3A_103 = arith.constant 16 : i32
        %mul3A_104 = arith.muli %add3A_102, %mul3A_103 : i32
        %get3A_105 = arith.index_cast %mul3A_104 : i32 to index
        %get3A_106 = tpu.vector_load %arg8[%get3A_105] {strides = array<i32>} : memref<16384xi32, #tpu.memory_space<vmem>>, vector<16xi32>,
        %get3A_107 = arith.index_cast %mul3A_104 : i32 to index
        %get3A_108 = tpu.vector_load %arg9[%get3A_107] {strides = array<i32>} : memref<16384xi32, #tpu.memory_space<vmem>>, vector<16xi32>,
        %ge3A_109 = vector.broadcast %mul3A_11 : i32 to vector<16xi32>
        %ge3A_110 = arith.cmpi sge, %get3A_108, %ge3A_109 : vector<16xi32>
        %add3A_111 = arith.constant 32 : i32
        %add3A_112 = arith.addi %mul3A_11, %add3A_111 : i32
        %lt3A_113 = vector.broadcast %add3A_112 : i32 to vector<16xi32>
        %lt3A_114 = arith.cmpi slt, %get3A_108, %lt3A_113 : vector<16xi32>
        %and3A_115 = arith.andi %ge3A_110, %lt3A_114 : vector<16xi1>
        %sub3A_116 = vector.broadcast %mul3A_11 : i32 to vector<16xi32>
        %sub3A_117 = arith.subi %get3A_108, %sub3A_116 : vector<16xi32>
        %mul3A_118 = arith.constant 512 : i32
        %mul3A_119 = vector.broadcast %mul3A_118 : i32 to vector<16xi32>
        %mul3A_120 = arith.muli %sub3A_117, %mul3A_119 : vector<16xi32>
        %add3A_121 = arith.addi %mul3A_120, %get3A_106 : vector<16xi32>
        tpu.vector_store_idx %arg10[%add3A_121], %broadcast_in_dim3A_12 masked %and3A_115 {add = true} : memref<16384xf32, #tpu.memory_space<vmem>>[vector<16xi32>], vector<16xf32>, vector<16xi1>
        %mul3A_122 = arith.constant 8 : i32
        %mul3A_123 = arith.muli %scan3A_31, %mul3A_122 : i32
        %add3A_124 = arith.constant 4 : i32
        %add3A_125 = arith.addi %mul3A_123, %add3A_124 : i32
        %mul3A_126 = arith.constant 16 : i32
        %mul3A_127 = arith.muli %add3A_125, %mul3A_126 : i32
        %get3A_128 = arith.index_cast %mul3A_127 : i32 to index
        %get3A_129 = tpu.vector_load %arg8[%get3A_128] {strides = array<i32>} : memref<16384xi32, #tpu.memory_space<vmem>>, vector<16xi32>,
        %get3A_130 = arith.index_cast %mul3A_127 : i32 to index
        %get3A_131 = tpu.vector_load %arg9[%get3A_130] {strides = array<i32>} : memref<16384xi32, #tpu.memory_space<vmem>>, vector<16xi32>,
        %ge3A_132 = vector.broadcast %mul3A_11 : i32 to vector<16xi32>
        %ge3A_133 = arith.cmpi sge, %get3A_131, %ge3A_132 : vector<16xi32>
        %add3A_134 = arith.constant 32 : i32
        %add3A_135 = arith.addi %mul3A_11, %add3A_134 : i32
        %lt3A_136 = vector.broadcast %add3A_135 : i32 to vector<16xi32>
        %lt3A_137 = arith.cmpi slt, %get3A_131, %lt3A_136 : vector<16xi32>
        %and3A_138 = arith.andi %ge3A_133, %lt3A_137 : vector<16xi1>
        %sub3A_139 = vector.broadcast %mul3A_11 : i32 to vector<16xi32>
        %sub3A_140 = arith.subi %get3A_131, %sub3A_139 : vector<16xi32>
        %mul3A_141 = arith.constant 512 : i32
        %mul3A_142 = vector.broadcast %mul3A_141 : i32 to vector<16xi32>
        %mul3A_143 = arith.muli %sub3A_140, %mul3A_142 : vector<16xi32>
        %add3A_144 = arith.addi %mul3A_143, %get3A_129 : vector<16xi32>
        tpu.vector_store_idx %arg10[%add3A_144], %broadcast_in_dim3A_12 masked %and3A_138 {add = true} : memref<16384xf32, #tpu.memory_space<vmem>>[vector<16xi32>], vector<16xf32>, vector<16xi1>
        %mul3A_145 = arith.constant 8 : i32
        %mul3A_146 = arith.muli %scan3A_31, %mul3A_145 : i32
        %add3A_147 = arith.constant 5 : i32
        %add3A_148 = arith.addi %mul3A_146, %add3A_147 : i32
        %mul3A_149 = arith.constant 16 : i32
        %mul3A_150 = arith.muli %add3A_148, %mul3A_149 : i32
        %get3A_151 = arith.index_cast %mul3A_150 : i32 to index
        %get3A_152 = tpu.vector_load %arg8[%get3A_151] {strides = array<i32>} : memref<16384xi32, #tpu.memory_space<vmem>>, vector<16xi32>,
        %get3A_153 = arith.index_cast %mul3A_150 : i32 to index
        %get3A_154 = tpu.vector_load %arg9[%get3A_153] {strides = array<i32>} : memref<16384xi32, #tpu.memory_space<vmem>>, vector<16xi32>,
        %ge3A_155 = vector.broadcast %mul3A_11 : i32 to vector<16xi32>
        %ge3A_156 = arith.cmpi sge, %get3A_154, %ge3A_155 : vector<16xi32>
        %add3A_157 = arith.constant 32 : i32
        %add3A_158 = arith.addi %mul3A_11, %add3A_157 : i32
        %lt3A_159 = vector.broadcast %add3A_158 : i32 to vector<16xi32>
        %lt3A_160 = arith.cmpi slt, %get3A_154, %lt3A_159 : vector<16xi32>
        %and3A_161 = arith.andi %ge3A_156, %lt3A_160 : vector<16xi1>
        %sub3A_162 = vector.broadcast %mul3A_11 : i32 to vector<16xi32>
        %sub3A_163 = arith.subi %get3A_154, %sub3A_162 : vector<16xi32>
        %mul3A_164 = arith.constant 512 : i32
        %mul3A_165 = vector.broadcast %mul3A_164 : i32 to vector<16xi32>
        %mul3A_166 = arith.muli %sub3A_163, %mul3A_165 : vector<16xi32>
        %add3A_167 = arith.addi %mul3A_166, %get3A_152 : vector<16xi32>
        tpu.vector_store_idx %arg10[%add3A_167], %broadcast_in_dim3A_12 masked %and3A_161 {add = true} : memref<16384xf32, #tpu.memory_space<vmem>>[vector<16xi32>], vector<16xf32>, vector<16xi1>
        %mul3A_168 = arith.constant 8 : i32
        %mul3A_169 = arith.muli %scan3A_31, %mul3A_168 : i32
        %add3A_170 = arith.constant 6 : i32
        %add3A_171 = arith.addi %mul3A_169, %add3A_170 : i32
        %mul3A_172 = arith.constant 16 : i32
        %mul3A_173 = arith.muli %add3A_171, %mul3A_172 : i32
        %get3A_174 = arith.index_cast %mul3A_173 : i32 to index
        %get3A_175 = tpu.vector_load %arg8[%get3A_174] {strides = array<i32>} : memref<16384xi32, #tpu.memory_space<vmem>>, vector<16xi32>,
        %get3A_176 = arith.index_cast %mul3A_173 : i32 to index
        %get3A_177 = tpu.vector_load %arg9[%get3A_176] {strides = array<i32>} : memref<16384xi32, #tpu.memory_space<vmem>>, vector<16xi32>,
        %ge3A_178 = vector.broadcast %mul3A_11 : i32 to vector<16xi32>
        %ge3A_179 = arith.cmpi sge, %get3A_177, %ge3A_178 : vector<16xi32>
        %add3A_180 = arith.constant 32 : i32
        %add3A_181 = arith.addi %mul3A_11, %add3A_180 : i32
        %lt3A_182 = vector.broadcast %add3A_181 : i32 to vector<16xi32>
        %lt3A_183 = arith.cmpi slt, %get3A_177, %lt3A_182 : vector<16xi32>
        %and3A_184 = arith.andi %ge3A_179, %lt3A_183 : vector<16xi1>
        %sub3A_185 = vector.broadcast %mul3A_11 : i32 to vector<16xi32>
        %sub3A_186 = arith.subi %get3A_177, %sub3A_185 : vector<16xi32>
        %mul3A_187 = arith.constant 512 : i32
        %mul3A_188 = vector.broadcast %mul3A_187 : i32 to vector<16xi32>
        %mul3A_189 = arith.muli %sub3A_186, %mul3A_188 : vector<16xi32>
        %add3A_190 = arith.addi %mul3A_189, %get3A_175 : vector<16xi32>
        tpu.vector_store_idx %arg10[%add3A_190], %broadcast_in_dim3A_12 masked %and3A_184 {add = true} : memref<16384xf32, #tpu.memory_space<vmem>>[vector<16xi32>], vector<16xf32>, vector<16xi1>
        %mul3A_191 = arith.constant 8 : i32
        %mul3A_192 = arith.muli %scan3A_31, %mul3A_191 : i32
        %add3A_193 = arith.constant 7 : i32
        %add3A_194 = arith.addi %mul3A_192, %add3A_193 : i32
        %mul3A_195 = arith.constant 16 : i32
        %mul3A_196 = arith.muli %add3A_194, %mul3A_195 : i32
        %get3A_197 = arith.index_cast %mul3A_196 : i32 to index
        %get3A_198 = tpu.vector_load %arg8[%get3A_197] {strides = array<i32>} : memref<16384xi32, #tpu.memory_space<vmem>>, vector<16xi32>,
        %get3A_199 = arith.index_cast %mul3A_196 : i32 to index
        %get3A_200 = tpu.vector_load %arg9[%get3A_199] {strides = array<i32>} : memref<16384xi32, #tpu.memory_space<vmem>>, vector<16xi32>,
        %ge3A_201 = vector.broadcast %mul3A_11 : i32 to vector<16xi32>
        %ge3A_202 = arith.cmpi sge, %get3A_200, %ge3A_201 : vector<16xi32>
        %add3A_203 = arith.constant 32 : i32
        %add3A_204 = arith.addi %mul3A_11, %add3A_203 : i32
        %lt3A_205 = vector.broadcast %add3A_204 : i32 to vector<16xi32>
        %lt3A_206 = arith.cmpi slt, %get3A_200, %lt3A_205 : vector<16xi32>
        %and3A_207 = arith.andi %ge3A_202, %lt3A_206 : vector<16xi1>
        %sub3A_208 = vector.broadcast %mul3A_11 : i32 to vector<16xi32>
        %sub3A_209 = arith.subi %get3A_200, %sub3A_208 : vector<16xi32>
        %mul3A_210 = arith.constant 512 : i32
        %mul3A_211 = vector.broadcast %mul3A_210 : i32 to vector<16xi32>
        %mul3A_212 = arith.muli %sub3A_209, %mul3A_211 : vector<16xi32>
        %add3A_213 = arith.addi %mul3A_212, %get3A_198 : vector<16xi32>
        tpu.vector_store_idx %arg10[%add3A_213], %broadcast_in_dim3A_12 masked %and3A_207 {add = true} : memref<16384xf32, #tpu.memory_space<vmem>>[vector<16xi32>], vector<16xf32>, vector<16xi1>
      }
      %scan3A_28 = arith.constant 128 : i32
      %mul3A_29 = arith.constant 512 : i32
      %mul3A_30 = arith.muli %mul3A_11, %mul3A_29 : i32
      "tpu.region"() ({
        %run_scoped3A = tpu.sem_alloc : memref<!tpu.dma_semaphore, #tpu.memory_space<semaphore_mem>>
        %dma_start3A = tpu.memref_slice %arg7[%mul3A_30] : memref<262144xf32, #tpu.memory_space<hbm>> -> memref<16384xf32, #tpu.memory_space<hbm>>
        %dma_start3A_31 = tpu.memref_slice %arg7[%mul3A_30] : memref<262144xf32, #tpu.memory_space<hbm>> -> memref<16384xf32, #tpu.memory_space<hbm>>
        tpu.enqueue_dma source(%arg10 : memref<16384xf32, #tpu.memory_space<vmem>>) target(%dma_start3A_31 : memref<16384xf32, #tpu.memory_space<hbm>>) target_semaphore(%run_scoped3A : memref<!tpu.dma_semaphore, #tpu.memory_space<semaphore_mem>>)
        %dma_wait3A = tpu.memref_slice %arg7[%mul3A_30] : memref<262144xf32, #tpu.memory_space<hbm>> -> memref<16384xf32, #tpu.memory_space<hbm>>
        %dma_wait3A_32 = tpu.memref_slice %arg7[%mul3A_30] : memref<262144xf32, #tpu.memory_space<hbm>> -> memref<16384xf32, #tpu.memory_space<hbm>>
        tpu.wait_dma2 semaphore(%run_scoped3A : memref<!tpu.dma_semaphore, #tpu.memory_space<semaphore_mem>>) src(%arg10 : memref<16384xf32, #tpu.memory_space<vmem>>) dst(%dma_wait3A_32 : memref<16384xf32, #tpu.memory_space<hbm>>)
        tpu.yield
      }) : () -> ()
    } else {
    }
    return
  }
}

module attributes {stable_mosaic.version = 14 : i64} {
  func.func @_kernel_body(%arg0: memref<512x512xf32, #tpu.memory_space<vmem>>, %arg1: memref<512x512xf32, #tpu.memory_space<vmem>>, %arg2: memref<512x512xf32, #tpu.memory_space<vmem>>, %arg3: memref<512x512xf32, #tpu.memory_space<vmem>>, %arg4: memref<512x512xf32, #tpu.memory_space<vmem>>, %arg5: memref<1x512xf32, #tpu.memory_space<vmem>>, %arg6: memref<512x512xf32, #tpu.memory_space<vmem>>, %arg7: memref<1x512xf32, #tpu.memory_space<vmem>>, %arg8: memref<512x256xf32, #tpu.memory_space<vmem>>, %arg9: memref<1x256xf32, #tpu.memory_space<vmem>>, %arg10: memref<256x256xf32, #tpu.memory_space<vmem>>, %arg11: memref<1x256xf32, #tpu.memory_space<vmem>>, %arg12: memref<1x256xf32, #tpu.memory_space<vmem>>, %arg13: memref<1x256xf32, #tpu.memory_space<vmem>>, %arg14: memref<1x1xf32, #tpu.memory_space<vmem>>, %arg15: memref<256x256xf32, #tpu.memory_space<vmem>>, %arg16: memref<1x256xf32, #tpu.memory_space<vmem>>, %arg17: memref<256x128xf32, #tpu.memory_space<vmem>>, %arg18: memref<1x128xf32, #tpu.memory_space<vmem>>, %arg19: memref<1x1xf32, #tpu.memory_space<vmem>>, %arg20: memref<128x128xf32, #tpu.memory_space<vmem>>, %arg21: memref<1x128xf32, #tpu.memory_space<vmem>>, %arg22: memref<128x128xf32, #tpu.memory_space<vmem>>, %arg23: memref<1x128xf32, #tpu.memory_space<vmem>>, %arg24: memref<1x128xf32, #tpu.memory_space<vmem>>, %arg25: memref<1x128xf32, #tpu.memory_space<vmem>>, %arg26: memref<1x1xf32, #tpu.memory_space<vmem>>, %arg27: memref<128x128xf32, #tpu.memory_space<vmem>>, %arg28: memref<1x128xf32, #tpu.memory_space<vmem>>, %arg29: memref<128x128xf32, #tpu.memory_space<vmem>>, %arg30: memref<1x128xf32, #tpu.memory_space<vmem>>, %arg31: memref<1x1xf32, #tpu.memory_space<vmem>>, %arg32: memref<128x128xf32, #tpu.memory_space<vmem>>, %arg33: memref<1x128xf32, #tpu.memory_space<vmem>>, %arg34: memref<128x128xf32, #tpu.memory_space<vmem>>, %arg35: memref<1x128xf32, #tpu.memory_space<vmem>>, %arg36: memref<1x128xf32, #tpu.memory_space<vmem>>, %arg37: memref<1x128xf32, #tpu.memory_space<vmem>>, %arg38: memref<1x1xf32, #tpu.memory_space<vmem>>, %arg39: memref<128x128xf32, #tpu.memory_space<vmem>>, %arg40: memref<1x128xf32, #tpu.memory_space<vmem>>, %arg41: memref<128x128xf32, #tpu.memory_space<vmem>>, %arg42: memref<1x128xf32, #tpu.memory_space<vmem>>, %arg43: memref<1x1xf32, #tpu.memory_space<vmem>>, %arg44: memref<128x128xf32, #tpu.memory_space<vmem>>, %arg45: memref<1x128xf32, #tpu.memory_space<vmem>>, %arg46: memref<128x128xf32, #tpu.memory_space<vmem>>, %arg47: memref<1x128xf32, #tpu.memory_space<vmem>>, %arg48: memref<1x128xf32, #tpu.memory_space<vmem>>, %arg49: memref<1x128xf32, #tpu.memory_space<vmem>>, %arg50: memref<1x1xf32, #tpu.memory_space<vmem>>, %arg51: memref<128x128xf32, #tpu.memory_space<vmem>>, %arg52: memref<1x128xf32, #tpu.memory_space<vmem>>, %arg53: memref<128x128xf32, #tpu.memory_space<vmem>>, %arg54: memref<1x128xf32, #tpu.memory_space<vmem>>, %arg55: memref<1x1xf32, #tpu.memory_space<vmem>>, %arg56: memref<128x128xf32, #tpu.memory_space<vmem>>, %arg57: memref<1x128xf32, #tpu.memory_space<vmem>>, %arg58: memref<1x128xf32, #tpu.memory_space<vmem>>, %arg59: memref<1x128xf32, #tpu.memory_space<vmem>>, %arg60: memref<128x128xf32, #tpu.memory_space<vmem>>, %arg61: memref<1x128xf32, #tpu.memory_space<vmem>>, %arg62: memref<1x128xf32, #tpu.memory_space<vmem>>, %arg63: memref<1x128xf32, #tpu.memory_space<vmem>>, %arg64: memref<128x128xf32, #tpu.memory_space<vmem>>, %arg65: memref<1x128xf32, #tpu.memory_space<vmem>>, %arg66: memref<1x128xf32, #tpu.memory_space<vmem>>, %arg67: memref<1x128xf32, #tpu.memory_space<vmem>>, %arg68: memref<128x128xf32, #tpu.memory_space<vmem>>, %arg69: memref<1x128xf32, #tpu.memory_space<vmem>>, %arg70: memref<1x128xf32, #tpu.memory_space<vmem>>, %arg71: memref<1x128xf32, #tpu.memory_space<vmem>>, %arg72: memref<512x128xf32, #tpu.memory_space<vmem>>, %arg73: memref<512x128xf32, #tpu.memory_space<vmem>>, %arg74: memref<512x128xf32, #tpu.memory_space<vmem>>, %arg75: memref<512x128xf32, #tpu.memory_space<vmem>>, %arg76: memref<512x512xf32, #tpu.memory_space<vmem>>) attributes {dimension_semantics = [], scalar_prefetch = 0 : i64, scratch_operands = 0 : i64, tpu.core_type = #tpu.core_type<tc>} {
    %get3A = arith.constant 0 : index
    %get3A_0 = arith.constant 0 : index
    %get3A_1 = vector.load %arg8[%get3A, %get3A_0] : memref<512x256xf32, #tpu.memory_space<vmem>>, vector<512x256xf32>
    %get3A_2 = arith.constant 0 : index
    %get3A_3 = arith.constant 0 : index
    %get3A_4 = vector.load %arg9[%get3A_2, %get3A_3] : memref<1x256xf32, #tpu.memory_space<vmem>>, vector<1x256xf32>
    %get3A_5 = arith.constant 0 : index
    %get3A_6 = arith.constant 0 : index
    %get3A_7 = vector.load %arg10[%get3A_5, %get3A_6] : memref<256x256xf32, #tpu.memory_space<vmem>>, vector<256x256xf32>
    %get3A_8 = arith.constant 0 : index
    %get3A_9 = arith.constant 0 : index
    %get3A_10 = vector.load %arg11[%get3A_8, %get3A_9] : memref<1x256xf32, #tpu.memory_space<vmem>>, vector<1x256xf32>
    %get3A_11 = arith.constant 0 : index
    %get3A_12 = arith.constant 0 : index
    %get3A_13 = vector.load %arg12[%get3A_11, %get3A_12] : memref<1x256xf32, #tpu.memory_space<vmem>>, vector<1x256xf32>
    %get3A_14 = arith.constant 0 : index
    %get3A_15 = arith.constant 0 : index
    %get3A_16 = vector.load %arg13[%get3A_14, %get3A_15] : memref<1x256xf32, #tpu.memory_space<vmem>>, vector<1x256xf32>
    %get3A_17 = arith.constant 0 : index
    %get3A_18 = arith.constant 0 : index
    %get3A_19 = vector.load %arg14[%get3A_17, %get3A_18] : memref<1x1xf32, #tpu.memory_space<vmem>>, vector<1x1xf32>
    %get3A_20 = arith.constant 0 : index
    %get3A_21 = arith.constant 0 : index
    %get3A_22 = vector.load %arg15[%get3A_20, %get3A_21] : memref<256x256xf32, #tpu.memory_space<vmem>>, vector<256x256xf32>
    %get3A_23 = arith.constant 0 : index
    %get3A_24 = arith.constant 0 : index
    %get3A_25 = vector.load %arg16[%get3A_23, %get3A_24] : memref<1x256xf32, #tpu.memory_space<vmem>>, vector<1x256xf32>
    %get3A_26 = arith.constant 0 : index
    %get3A_27 = arith.constant 0 : index
    %get3A_28 = vector.load %arg17[%get3A_26, %get3A_27] : memref<256x128xf32, #tpu.memory_space<vmem>>, vector<256x128xf32>
    %get3A_29 = arith.constant 0 : index
    %get3A_30 = arith.constant 0 : index
    %get3A_31 = vector.load %arg18[%get3A_29, %get3A_30] : memref<1x128xf32, #tpu.memory_space<vmem>>, vector<1x128xf32>
    %get3A_32 = arith.constant 0 : index
    %get3A_33 = arith.constant 0 : index
    %get3A_34 = vector.load %arg19[%get3A_32, %get3A_33] : memref<1x1xf32, #tpu.memory_space<vmem>>, vector<1x1xf32>
    %get3A_35 = arith.constant 0 : index
    %get3A_36 = arith.constant 0 : index
    %get3A_37 = vector.load %arg20[%get3A_35, %get3A_36] : memref<128x128xf32, #tpu.memory_space<vmem>>, vector<128x128xf32>
    %get3A_38 = arith.constant 0 : index
    %get3A_39 = arith.constant 0 : index
    %get3A_40 = vector.load %arg21[%get3A_38, %get3A_39] : memref<1x128xf32, #tpu.memory_space<vmem>>, vector<1x128xf32>
    %get3A_41 = arith.constant 0 : index
    %get3A_42 = arith.constant 0 : index
    %get3A_43 = vector.load %arg22[%get3A_41, %get3A_42] : memref<128x128xf32, #tpu.memory_space<vmem>>, vector<128x128xf32>
    %get3A_44 = arith.constant 0 : index
    %get3A_45 = arith.constant 0 : index
    %get3A_46 = vector.load %arg23[%get3A_44, %get3A_45] : memref<1x128xf32, #tpu.memory_space<vmem>>, vector<1x128xf32>
    %get3A_47 = arith.constant 0 : index
    %get3A_48 = arith.constant 0 : index
    %get3A_49 = vector.load %arg24[%get3A_47, %get3A_48] : memref<1x128xf32, #tpu.memory_space<vmem>>, vector<1x128xf32>
    %get3A_50 = arith.constant 0 : index
    %get3A_51 = arith.constant 0 : index
    %get3A_52 = vector.load %arg25[%get3A_50, %get3A_51] : memref<1x128xf32, #tpu.memory_space<vmem>>, vector<1x128xf32>
    %get3A_53 = arith.constant 0 : index
    %get3A_54 = arith.constant 0 : index
    %get3A_55 = vector.load %arg26[%get3A_53, %get3A_54] : memref<1x1xf32, #tpu.memory_space<vmem>>, vector<1x1xf32>
    %get3A_56 = arith.constant 0 : index
    %get3A_57 = arith.constant 0 : index
    %get3A_58 = vector.load %arg27[%get3A_56, %get3A_57] : memref<128x128xf32, #tpu.memory_space<vmem>>, vector<128x128xf32>
    %get3A_59 = arith.constant 0 : index
    %get3A_60 = arith.constant 0 : index
    %get3A_61 = vector.load %arg28[%get3A_59, %get3A_60] : memref<1x128xf32, #tpu.memory_space<vmem>>, vector<1x128xf32>
    %get3A_62 = arith.constant 0 : index
    %get3A_63 = arith.constant 0 : index
    %get3A_64 = vector.load %arg29[%get3A_62, %get3A_63] : memref<128x128xf32, #tpu.memory_space<vmem>>, vector<128x128xf32>
    %get3A_65 = arith.constant 0 : index
    %get3A_66 = arith.constant 0 : index
    %get3A_67 = vector.load %arg30[%get3A_65, %get3A_66] : memref<1x128xf32, #tpu.memory_space<vmem>>, vector<1x128xf32>
    %get3A_68 = arith.constant 0 : index
    %get3A_69 = arith.constant 0 : index
    %get3A_70 = vector.load %arg31[%get3A_68, %get3A_69] : memref<1x1xf32, #tpu.memory_space<vmem>>, vector<1x1xf32>
    %get3A_71 = arith.constant 0 : index
    %get3A_72 = arith.constant 0 : index
    %get3A_73 = vector.load %arg32[%get3A_71, %get3A_72] : memref<128x128xf32, #tpu.memory_space<vmem>>, vector<128x128xf32>
    %get3A_74 = arith.constant 0 : index
    %get3A_75 = arith.constant 0 : index
    %get3A_76 = vector.load %arg33[%get3A_74, %get3A_75] : memref<1x128xf32, #tpu.memory_space<vmem>>, vector<1x128xf32>
    %get3A_77 = arith.constant 0 : index
    %get3A_78 = arith.constant 0 : index
    %get3A_79 = vector.load %arg34[%get3A_77, %get3A_78] : memref<128x128xf32, #tpu.memory_space<vmem>>, vector<128x128xf32>
    %get3A_80 = arith.constant 0 : index
    %get3A_81 = arith.constant 0 : index
    %get3A_82 = vector.load %arg35[%get3A_80, %get3A_81] : memref<1x128xf32, #tpu.memory_space<vmem>>, vector<1x128xf32>
    %get3A_83 = arith.constant 0 : index
    %get3A_84 = arith.constant 0 : index
    %get3A_85 = vector.load %arg36[%get3A_83, %get3A_84] : memref<1x128xf32, #tpu.memory_space<vmem>>, vector<1x128xf32>
    %get3A_86 = arith.constant 0 : index
    %get3A_87 = arith.constant 0 : index
    %get3A_88 = vector.load %arg37[%get3A_86, %get3A_87] : memref<1x128xf32, #tpu.memory_space<vmem>>, vector<1x128xf32>
    %get3A_89 = arith.constant 0 : index
    %get3A_90 = arith.constant 0 : index
    %get3A_91 = vector.load %arg38[%get3A_89, %get3A_90] : memref<1x1xf32, #tpu.memory_space<vmem>>, vector<1x1xf32>
    %get3A_92 = arith.constant 0 : index
    %get3A_93 = arith.constant 0 : index
    %get3A_94 = vector.load %arg39[%get3A_92, %get3A_93] : memref<128x128xf32, #tpu.memory_space<vmem>>, vector<128x128xf32>
    %get3A_95 = arith.constant 0 : index
    %get3A_96 = arith.constant 0 : index
    %get3A_97 = vector.load %arg40[%get3A_95, %get3A_96] : memref<1x128xf32, #tpu.memory_space<vmem>>, vector<1x128xf32>
    %get3A_98 = arith.constant 0 : index
    %get3A_99 = arith.constant 0 : index
    %get3A_100 = vector.load %arg41[%get3A_98, %get3A_99] : memref<128x128xf32, #tpu.memory_space<vmem>>, vector<128x128xf32>
    %get3A_101 = arith.constant 0 : index
    %get3A_102 = arith.constant 0 : index
    %get3A_103 = vector.load %arg42[%get3A_101, %get3A_102] : memref<1x128xf32, #tpu.memory_space<vmem>>, vector<1x128xf32>
    %get3A_104 = arith.constant 0 : index
    %get3A_105 = arith.constant 0 : index
    %get3A_106 = vector.load %arg43[%get3A_104, %get3A_105] : memref<1x1xf32, #tpu.memory_space<vmem>>, vector<1x1xf32>
    %get3A_107 = arith.constant 0 : index
    %get3A_108 = arith.constant 0 : index
    %get3A_109 = vector.load %arg44[%get3A_107, %get3A_108] : memref<128x128xf32, #tpu.memory_space<vmem>>, vector<128x128xf32>
    %get3A_110 = arith.constant 0 : index
    %get3A_111 = arith.constant 0 : index
    %get3A_112 = vector.load %arg45[%get3A_110, %get3A_111] : memref<1x128xf32, #tpu.memory_space<vmem>>, vector<1x128xf32>
    %get3A_113 = arith.constant 0 : index
    %get3A_114 = arith.constant 0 : index
    %get3A_115 = vector.load %arg46[%get3A_113, %get3A_114] : memref<128x128xf32, #tpu.memory_space<vmem>>, vector<128x128xf32>
    %get3A_116 = arith.constant 0 : index
    %get3A_117 = arith.constant 0 : index
    %get3A_118 = vector.load %arg47[%get3A_116, %get3A_117] : memref<1x128xf32, #tpu.memory_space<vmem>>, vector<1x128xf32>
    %get3A_119 = arith.constant 0 : index
    %get3A_120 = arith.constant 0 : index
    %get3A_121 = vector.load %arg48[%get3A_119, %get3A_120] : memref<1x128xf32, #tpu.memory_space<vmem>>, vector<1x128xf32>
    %get3A_122 = arith.constant 0 : index
    %get3A_123 = arith.constant 0 : index
    %get3A_124 = vector.load %arg49[%get3A_122, %get3A_123] : memref<1x128xf32, #tpu.memory_space<vmem>>, vector<1x128xf32>
    %get3A_125 = arith.constant 0 : index
    %get3A_126 = arith.constant 0 : index
    %get3A_127 = vector.load %arg50[%get3A_125, %get3A_126] : memref<1x1xf32, #tpu.memory_space<vmem>>, vector<1x1xf32>
    %get3A_128 = arith.constant 0 : index
    %get3A_129 = arith.constant 0 : index
    %get3A_130 = vector.load %arg51[%get3A_128, %get3A_129] : memref<128x128xf32, #tpu.memory_space<vmem>>, vector<128x128xf32>
    %get3A_131 = arith.constant 0 : index
    %get3A_132 = arith.constant 0 : index
    %get3A_133 = vector.load %arg52[%get3A_131, %get3A_132] : memref<1x128xf32, #tpu.memory_space<vmem>>, vector<1x128xf32>
    %get3A_134 = arith.constant 0 : index
    %get3A_135 = arith.constant 0 : index
    %get3A_136 = vector.load %arg53[%get3A_134, %get3A_135] : memref<128x128xf32, #tpu.memory_space<vmem>>, vector<128x128xf32>
    %get3A_137 = arith.constant 0 : index
    %get3A_138 = arith.constant 0 : index
    %get3A_139 = vector.load %arg54[%get3A_137, %get3A_138] : memref<1x128xf32, #tpu.memory_space<vmem>>, vector<1x128xf32>
    %get3A_140 = arith.constant 0 : index
    %get3A_141 = arith.constant 0 : index
    %get3A_142 = vector.load %arg55[%get3A_140, %get3A_141] : memref<1x1xf32, #tpu.memory_space<vmem>>, vector<1x1xf32>
    %get3A_143 = arith.constant 0 : index
    %get3A_144 = arith.constant 0 : index
    %get3A_145 = vector.load %arg56[%get3A_143, %get3A_144] : memref<128x128xf32, #tpu.memory_space<vmem>>, vector<128x128xf32>
    %get3A_146 = arith.constant 0 : index
    %get3A_147 = arith.constant 0 : index
    %get3A_148 = vector.load %arg57[%get3A_146, %get3A_147] : memref<1x128xf32, #tpu.memory_space<vmem>>, vector<1x128xf32>
    %get3A_149 = arith.constant 0 : index
    %get3A_150 = arith.constant 0 : index
    %get3A_151 = vector.load %arg58[%get3A_149, %get3A_150] : memref<1x128xf32, #tpu.memory_space<vmem>>, vector<1x128xf32>
    %get3A_152 = arith.constant 0 : index
    %get3A_153 = arith.constant 0 : index
    %get3A_154 = vector.load %arg59[%get3A_152, %get3A_153] : memref<1x128xf32, #tpu.memory_space<vmem>>, vector<1x128xf32>
    %get3A_155 = arith.constant 0 : index
    %get3A_156 = arith.constant 0 : index
    %get3A_157 = vector.load %arg60[%get3A_155, %get3A_156] : memref<128x128xf32, #tpu.memory_space<vmem>>, vector<128x128xf32>
    %get3A_158 = arith.constant 0 : index
    %get3A_159 = arith.constant 0 : index
    %get3A_160 = vector.load %arg61[%get3A_158, %get3A_159] : memref<1x128xf32, #tpu.memory_space<vmem>>, vector<1x128xf32>
    %get3A_161 = arith.constant 0 : index
    %get3A_162 = arith.constant 0 : index
    %get3A_163 = vector.load %arg62[%get3A_161, %get3A_162] : memref<1x128xf32, #tpu.memory_space<vmem>>, vector<1x128xf32>
    %get3A_164 = arith.constant 0 : index
    %get3A_165 = arith.constant 0 : index
    %get3A_166 = vector.load %arg63[%get3A_164, %get3A_165] : memref<1x128xf32, #tpu.memory_space<vmem>>, vector<1x128xf32>
    %get3A_167 = arith.constant 0 : index
    %get3A_168 = arith.constant 0 : index
    %get3A_169 = vector.load %arg64[%get3A_167, %get3A_168] : memref<128x128xf32, #tpu.memory_space<vmem>>, vector<128x128xf32>
    %get3A_170 = arith.constant 0 : index
    %get3A_171 = arith.constant 0 : index
    %get3A_172 = vector.load %arg65[%get3A_170, %get3A_171] : memref<1x128xf32, #tpu.memory_space<vmem>>, vector<1x128xf32>
    %get3A_173 = arith.constant 0 : index
    %get3A_174 = arith.constant 0 : index
    %get3A_175 = vector.load %arg66[%get3A_173, %get3A_174] : memref<1x128xf32, #tpu.memory_space<vmem>>, vector<1x128xf32>
    %get3A_176 = arith.constant 0 : index
    %get3A_177 = arith.constant 0 : index
    %get3A_178 = vector.load %arg67[%get3A_176, %get3A_177] : memref<1x128xf32, #tpu.memory_space<vmem>>, vector<1x128xf32>
    %get3A_179 = arith.constant 0 : index
    %get3A_180 = arith.constant 0 : index
    %get3A_181 = vector.load %arg68[%get3A_179, %get3A_180] : memref<128x128xf32, #tpu.memory_space<vmem>>, vector<128x128xf32>
    %get3A_182 = arith.constant 0 : index
    %get3A_183 = arith.constant 0 : index
    %get3A_184 = vector.load %arg69[%get3A_182, %get3A_183] : memref<1x128xf32, #tpu.memory_space<vmem>>, vector<1x128xf32>
    %get3A_185 = arith.constant 0 : index
    %get3A_186 = arith.constant 0 : index
    %get3A_187 = vector.load %arg70[%get3A_185, %get3A_186] : memref<1x128xf32, #tpu.memory_space<vmem>>, vector<1x128xf32>
    %get3A_188 = arith.constant 0 : index
    %get3A_189 = arith.constant 0 : index
    %get3A_190 = vector.load %arg71[%get3A_188, %get3A_189] : memref<1x128xf32, #tpu.memory_space<vmem>>, vector<1x128xf32>
    %get3A_191 = arith.constant 0 : index
    %get3A_192 = arith.constant 0 : index
    %get3A_193 = vector.load %arg2[%get3A_191, %get3A_192] : memref<512x512xf32, #tpu.memory_space<vmem>>, vector<512x512xf32>
    %get3A_194 = arith.constant 0 : index
    %get3A_195 = arith.constant 0 : index
    %get3A_196 = vector.load %arg3[%get3A_194, %get3A_195] : memref<512x512xf32, #tpu.memory_space<vmem>>, vector<512x512xf32>
    %get3A_197 = arith.constant 0 : index
    %get3A_198 = arith.constant 0 : index
    %get3A_199 = vector.load %arg0[%get3A_197, %get3A_198] : memref<512x512xf32, #tpu.memory_space<vmem>>, vector<512x512xf32>
    %get3A_200 = arith.constant 0 : index
    %get3A_201 = arith.constant 0 : index
    %get3A_202 = vector.load %arg4[%get3A_200, %get3A_201] : memref<512x512xf32, #tpu.memory_space<vmem>>, vector<512x512xf32>
    %get3A_203 = arith.constant 0 : index
    %get3A_204 = arith.constant 0 : index
    %get3A_205 = vector.load %arg5[%get3A_203, %get3A_204] : memref<1x512xf32, #tpu.memory_space<vmem>>, vector<1x512xf32>
    %broadcast_in_dim3A = arith.constant 1.000000e+00 : f32
    %broadcast_in_dim3A_206 = vector.broadcast %broadcast_in_dim3A : f32 to vector<512x1xf32>
    %dot_general3A = arith.constant dense<0.000000e+00> : vector<512x1xf32>
    %dot_general3A_207 = tpu.matmul %get3A_193, %broadcast_in_dim3A_206, %dot_general3A {dimension_numbers = #tpu.dot_dimension_numbers<[0], [0], [1], [1], [0, 1, 1, 1], [], []>, precision = #tpu.contract_precision<fp32>, transpose_lhs_hint = false} : vector<512x512xf32>, vector<512x1xf32>, vector<512x1xf32> -> vector<512x1xf32>
    %dot_general3A_208 = arith.constant dense<0.000000e+00> : vector<512x1xf32>
    %dot_general3A_209 = tpu.matmul %get3A_193, %broadcast_in_dim3A_206, %dot_general3A_208 {dimension_numbers = #tpu.dot_dimension_numbers<[1], [0], [0], [1], [0, 0, 1, 1], [], []>, precision = #tpu.contract_precision<fp32>, transpose_lhs_hint = false} : vector<512x512xf32>, vector<512x1xf32>, vector<512x1xf32> -> vector<512x1xf32>
    %max3A = arith.constant 1.000000e+00 : f32
    %max3A_210 = vector.broadcast %max3A : f32 to vector<512x1xf32>
    %max3A_211 = arith.maximumf %dot_general3A_207, %max3A_210 : vector<512x1xf32>
    %rsqrt3A = math.rsqrt %max3A_211 : vector<512x1xf32>
    %mul3A = vector.broadcast %rsqrt3A : vector<512x1xf32> to vector<512x512xf32>
    %mul3A_212 = arith.mulf %get3A_199, %mul3A : vector<512x512xf32>
    %dot_general3A_213 = arith.constant dense<0.000000e+00> : vector<512x512xf32>
    %dot_general3A_214 = tpu.matmul %get3A_193, %mul3A_212, %dot_general3A_213 {dimension_numbers = #tpu.dot_dimension_numbers<[1], [0], [0], [1], [0, 0, 1, 1], [], []>, precision = #tpu.contract_precision<fp32>, transpose_lhs_hint = false} : vector<512x512xf32>, vector<512x512xf32>, vector<512x512xf32> -> vector<512x512xf32>
    %max3A_215 = arith.constant 1.000000e+00 : f32
    %max3A_216 = vector.broadcast %max3A_215 : f32 to vector<512x1xf32>
    %max3A_217 = arith.maximumf %dot_general3A_209, %max3A_216 : vector<512x1xf32>
    %rsqrt3A_218 = math.rsqrt %max3A_217 : vector<512x1xf32>
    %mul3A_219 = vector.broadcast %rsqrt3A_218 : vector<512x1xf32> to vector<512x512xf32>
    %mul3A_220 = arith.mulf %dot_general3A_214, %mul3A_219 : vector<512x512xf32>
    %convert_element_type3A = arith.truncf %mul3A_220 : vector<512x512xf32> to vector<512x512xbf16>
    %convert_element_type3A_221 = arith.truncf %get3A_202 : vector<512x512xf32> to vector<512x512xbf16>
    %dot_general3A_222 = arith.constant dense<0.000000e+00> : vector<512x512xf32>
    %dot_general3A_223 = tpu.matmul %convert_element_type3A, %convert_element_type3A_221, %dot_general3A_222 {dimension_numbers = #tpu.dot_dimension_numbers<[1], [0], [0], [1], [0, 0, 1, 1], [], []>, transpose_lhs_hint = false} : vector<512x512xbf16>, vector<512x512xbf16>, vector<512x512xf32> -> vector<512x512xf32>
    %add3A = vector.broadcast %get3A_205 : vector<1x512xf32> to vector<512x512xf32>
    %add3A_224 = arith.addf %dot_general3A_223, %add3A : vector<512x512xf32>
    %get3A_225 = arith.constant 0 : index
    %get3A_226 = arith.constant 0 : index
    %get3A_227 = vector.load %arg1[%get3A_225, %get3A_226] : memref<512x512xf32, #tpu.memory_space<vmem>>, vector<512x512xf32>
    %get3A_228 = arith.constant 0 : index
    %get3A_229 = arith.constant 0 : index
    %get3A_230 = vector.load %arg6[%get3A_228, %get3A_229] : memref<512x512xf32, #tpu.memory_space<vmem>>, vector<512x512xf32>
    %get3A_231 = arith.constant 0 : index
    %get3A_232 = arith.constant 0 : index
    %get3A_233 = vector.load %arg7[%get3A_231, %get3A_232] : memref<1x512xf32, #tpu.memory_space<vmem>>, vector<1x512xf32>
    %broadcast_in_dim3A_234 = arith.constant 1.000000e+00 : f32
    %broadcast_in_dim3A_235 = vector.broadcast %broadcast_in_dim3A_234 : f32 to vector<512x1xf32>
    %dot_general3A_236 = arith.constant dense<0.000000e+00> : vector<512x1xf32>
    %dot_general3A_237 = tpu.matmul %get3A_196, %broadcast_in_dim3A_235, %dot_general3A_236 {dimension_numbers = #tpu.dot_dimension_numbers<[0], [0], [1], [1], [0, 1, 1, 1], [], []>, precision = #tpu.contract_precision<fp32>, transpose_lhs_hint = false} : vector<512x512xf32>, vector<512x1xf32>, vector<512x1xf32> -> vector<512x1xf32>
    %dot_general3A_238 = arith.constant dense<0.000000e+00> : vector<512x1xf32>
    %dot_general3A_239 = tpu.matmul %get3A_196, %broadcast_in_dim3A_235, %dot_general3A_238 {dimension_numbers = #tpu.dot_dimension_numbers<[1], [0], [0], [1], [0, 0, 1, 1], [], []>, precision = #tpu.contract_precision<fp32>, transpose_lhs_hint = false} : vector<512x512xf32>, vector<512x1xf32>, vector<512x1xf32> -> vector<512x1xf32>
    %max3A_240 = arith.constant 1.000000e+00 : f32
    %max3A_241 = vector.broadcast %max3A_240 : f32 to vector<512x1xf32>
    %max3A_242 = arith.maximumf %dot_general3A_237, %max3A_241 : vector<512x1xf32>
    %rsqrt3A_243 = math.rsqrt %max3A_242 : vector<512x1xf32>
    %mul3A_244 = vector.broadcast %rsqrt3A_243 : vector<512x1xf32> to vector<512x512xf32>
    %mul3A_245 = arith.mulf %get3A_227, %mul3A_244 : vector<512x512xf32>
    %dot_general3A_246 = arith.constant dense<0.000000e+00> : vector<512x512xf32>
    %dot_general3A_247 = tpu.matmul %get3A_196, %mul3A_245, %dot_general3A_246 {dimension_numbers = #tpu.dot_dimension_numbers<[1], [0], [0], [1], [0, 0, 1, 1], [], []>, precision = #tpu.contract_precision<fp32>, transpose_lhs_hint = false} : vector<512x512xf32>, vector<512x512xf32>, vector<512x512xf32> -> vector<512x512xf32>
    %max3A_248 = arith.constant 1.000000e+00 : f32
    %max3A_249 = vector.broadcast %max3A_248 : f32 to vector<512x1xf32>
    %max3A_250 = arith.maximumf %dot_general3A_239, %max3A_249 : vector<512x1xf32>
    %rsqrt3A_251 = math.rsqrt %max3A_250 : vector<512x1xf32>
    %mul3A_252 = vector.broadcast %rsqrt3A_251 : vector<512x1xf32> to vector<512x512xf32>
    %mul3A_253 = arith.mulf %dot_general3A_247, %mul3A_252 : vector<512x512xf32>
    %convert_element_type3A_254 = arith.truncf %mul3A_253 : vector<512x512xf32> to vector<512x512xbf16>
    %convert_element_type3A_255 = arith.truncf %get3A_230 : vector<512x512xf32> to vector<512x512xbf16>
    %dot_general3A_256 = arith.constant dense<0.000000e+00> : vector<512x512xf32>
    %dot_general3A_257 = tpu.matmul %convert_element_type3A_254, %convert_element_type3A_255, %dot_general3A_256 {dimension_numbers = #tpu.dot_dimension_numbers<[1], [0], [0], [1], [0, 0, 1, 1], [], []>, transpose_lhs_hint = false} : vector<512x512xbf16>, vector<512x512xbf16>, vector<512x512xf32> -> vector<512x512xf32>
    %add3A_258 = vector.broadcast %get3A_233 : vector<1x512xf32> to vector<512x512xf32>
    %add3A_259 = arith.addf %dot_general3A_257, %add3A_258 : vector<512x512xf32>
    %add3A_260 = arith.addf %add3A_224, %add3A_259 : vector<512x512xf32>
    %mul3A_261 = arith.constant 5.000000e-01 : f32
    %mul3A_262 = vector.broadcast %mul3A_261 : f32 to vector<512x512xf32>
    %mul3A_263 = arith.mulf %add3A_260, %mul3A_262 : vector<512x512xf32>
    %swap3A = arith.constant 0 : index
    %swap3A_264 = arith.constant 0 : index
    %swap3A_265 = vector.load %arg76[%swap3A, %swap3A_264] : memref<512x512xf32, #tpu.memory_space<vmem>>, vector<512x512xf32>
    tpu.vector_store %arg76[%swap3A, %swap3A_264], %mul3A_263 {strides = array<i32>} : memref<512x512xf32, #tpu.memory_space<vmem>>, vector<512x512xf32>,
    %convert_element_type3A_266 = arith.truncf %add3A_224 : vector<512x512xf32> to vector<512x512xbf16>
    %convert_element_type3A_267 = arith.truncf %add3A_259 : vector<512x512xf32> to vector<512x512xbf16>
    %dot_general3A_268 = arith.constant dense<0.000000e+00> : vector<512x512xf32>
    %dot_general3A_269 = tpu.matmul %convert_element_type3A_266, %convert_element_type3A_267, %dot_general3A_268 {dimension_numbers = #tpu.dot_dimension_numbers<[1], [1], [0], [0], [0, 0, 1, 0], [], []>, transpose_lhs_hint = false} : vector<512x512xbf16>, vector<512x512xbf16>, vector<512x512xf32> -> vector<512x512xf32>
    %convert_element_type3A_270 = arith.truncf %add3A_259 : vector<512x512xf32> to vector<512x512xbf16>
    %convert_element_type3A_271 = arith.truncf %add3A_224 : vector<512x512xf32> to vector<512x512xbf16>
    %dot_general3A_272 = arith.constant dense<0.000000e+00> : vector<512x512xf32>
    %dot_general3A_273 = tpu.matmul %convert_element_type3A_270, %convert_element_type3A_271, %dot_general3A_272 {dimension_numbers = #tpu.dot_dimension_numbers<[1], [1], [0], [0], [0, 0, 1, 0], [], []>, transpose_lhs_hint = false} : vector<512x512xbf16>, vector<512x512xbf16>, vector<512x512xf32> -> vector<512x512xf32>
    %add3A_274 = arith.addf %dot_general3A_269, %dot_general3A_273 : vector<512x512xf32>
    %mul3A_275 = arith.constant 5.000000e-01 : f32
    %mul3A_276 = vector.broadcast %mul3A_275 : f32 to vector<512x512xf32>
    %mul3A_277 = arith.mulf %add3A_274, %mul3A_276 : vector<512x512xf32>
    %jit3A = arith.constant -1.000000e+10 : f32
    %jit3A_278 = arith.constant 1.000000e+10 : f32
    %max3A_279 = vector.broadcast %jit3A : f32 to vector<512x512xf32>
    %max3A_280 = arith.maximumf %max3A_279, %mul3A_277 : vector<512x512xf32>
    %min3A = vector.broadcast %jit3A_278 : f32 to vector<512x512xf32>
    %min3A_281 = arith.minimumf %min3A, %max3A_280 : vector<512x512xf32>
    %convert_element_type3A_282 = arith.truncf %min3A_281 : vector<512x512xf32> to vector<512x512xbf16>
    %convert_element_type3A_283 = arith.truncf %get3A_1 : vector<512x256xf32> to vector<512x256xbf16>
    %dot_general3A_284 = arith.constant dense<0.000000e+00> : vector<512x256xf32>
    %dot_general3A_285 = tpu.matmul %convert_element_type3A_282, %convert_element_type3A_283, %dot_general3A_284 {dimension_numbers = #tpu.dot_dimension_numbers<[1], [0], [0], [1], [0, 0, 1, 1], [], []>, transpose_lhs_hint = false} : vector<512x512xbf16>, vector<512x256xbf16>, vector<512x256xf32> -> vector<512x256xf32>
    %add3A_286 = vector.broadcast %get3A_4 : vector<1x256xf32> to vector<512x256xf32>
    %add3A_287 = arith.addf %dot_general3A_285, %add3A_286 : vector<512x256xf32>
    %convert_element_type3A_288 = arith.truncf %add3A_287 : vector<512x256xf32> to vector<512x256xbf16>
    %convert_element_type3A_289 = arith.truncf %get3A_7 : vector<256x256xf32> to vector<256x256xbf16>
    %dot_general3A_290 = arith.constant dense<0.000000e+00> : vector<512x256xf32>
    %dot_general3A_291 = tpu.matmul %convert_element_type3A_288, %convert_element_type3A_289, %dot_general3A_290 {dimension_numbers = #tpu.dot_dimension_numbers<[1], [0], [0], [1], [0, 0, 1, 1], [], []>, transpose_lhs_hint = false} : vector<512x256xbf16>, vector<256x256xbf16>, vector<512x256xf32> -> vector<512x256xf32>
    %add3A_292 = vector.broadcast %get3A_10 : vector<1x256xf32> to vector<512x256xf32>
    %add3A_293 = arith.addf %dot_general3A_291, %add3A_292 : vector<512x256xf32>
    %reduce_sum3A = arith.constant dense<0.000000e+00> : vector<512xf32>
    %reduce_sum3A_294 = vector.multi_reduction <add>, %add3A_293, %reduce_sum3A [1] : vector<512x256xf32> to vector<512xf32>
    %broadcast_in_dim3A_295 = vector.shape_cast %reduce_sum3A_294 : vector<512xf32> to vector<512x1xf32>
    %div3A = arith.constant 2.560000e+02 : f32
    %div3A_296 = vector.broadcast %div3A : f32 to vector<512x1xf32>
    %div3A_297 = arith.divf %broadcast_in_dim3A_295, %div3A_296 : vector<512x1xf32>
    %sub3A = vector.broadcast %div3A_297 : vector<512x1xf32> to vector<512x256xf32>
    %sub3A_298 = arith.subf %add3A_293, %sub3A : vector<512x256xf32>
    %sub3A_299 = vector.broadcast %div3A_297 : vector<512x1xf32> to vector<512x256xf32>
    %sub3A_300 = arith.subf %add3A_293, %sub3A_299 : vector<512x256xf32>
    %mul3A_301 = arith.mulf %sub3A_298, %sub3A_300 : vector<512x256xf32>
    %reduce_sum3A_302 = arith.constant dense<0.000000e+00> : vector<512xf32>
    %reduce_sum3A_303 = vector.multi_reduction <add>, %mul3A_301, %reduce_sum3A_302 [1] : vector<512x256xf32> to vector<512xf32>
    %broadcast_in_dim3A_304 = vector.shape_cast %reduce_sum3A_303 : vector<512xf32> to vector<512x1xf32>
    %div3A_305 = arith.constant 2.560000e+02 : f32
    %div3A_306 = vector.broadcast %div3A_305 : f32 to vector<512x1xf32>
    %div3A_307 = arith.divf %broadcast_in_dim3A_304, %div3A_306 : vector<512x1xf32>
    %sub3A_308 = vector.broadcast %div3A_297 : vector<512x1xf32> to vector<512x256xf32>
    %sub3A_309 = arith.subf %add3A_293, %sub3A_308 : vector<512x256xf32>
    %add3A_310 = arith.constant 9.99999974E-6 : f32
    %add3A_311 = vector.broadcast %add3A_310 : f32 to vector<512x1xf32>
    %add3A_312 = arith.addf %div3A_307, %add3A_311 : vector<512x1xf32>
    %sqrt3A = math.sqrt %add3A_312 : vector<512x1xf32>
    %div3A_313 = vector.broadcast %sqrt3A : vector<512x1xf32> to vector<512x256xf32>
    %div3A_314 = arith.divf %sub3A_309, %div3A_313 : vector<512x256xf32>
    %mul3A_315 = vector.broadcast %get3A_13 : vector<1x256xf32> to vector<512x256xf32>
    %mul3A_316 = arith.mulf %div3A_314, %mul3A_315 : vector<512x256xf32>
    %add3A_317 = vector.broadcast %get3A_16 : vector<1x256xf32> to vector<512x256xf32>
    %add3A_318 = arith.addf %mul3A_316, %add3A_317 : vector<512x256xf32>
    %gt3A = arith.constant 0.000000e+00 : f32
    %gt3A_319 = vector.broadcast %gt3A : f32 to vector<512x256xf32>
    %gt3A_320 = arith.cmpf ogt, %add3A_318, %gt3A_319 : vector<512x256xf32>
    %squeeze3A = vector.extract %get3A_19[0, 0] : f32 from vector<1x1xf32>
    %mul3A_321 = vector.broadcast %squeeze3A : f32 to vector<512x256xf32>
    %mul3A_322 = arith.mulf %mul3A_321, %add3A_318 : vector<512x256xf32>
    %select_n3A = arith.select %gt3A_320, %add3A_318, %mul3A_322 : vector<512x256xi1>, vector<512x256xf32>
    %convert_element_type3A_323 = arith.truncf %select_n3A : vector<512x256xf32> to vector<512x256xbf16>
    %convert_element_type3A_324 = arith.truncf %get3A_22 : vector<256x256xf32> to vector<256x256xbf16>
    %dot_general3A_325 = arith.constant dense<0.000000e+00> : vector<512x256xf32>
    %dot_general3A_326 = tpu.matmul %convert_element_type3A_323, %convert_element_type3A_324, %dot_general3A_325 {dimension_numbers = #tpu.dot_dimension_numbers<[1], [0], [0], [1], [0, 0, 1, 1], [], []>, transpose_lhs_hint = false} : vector<512x256xbf16>, vector<256x256xbf16>, vector<512x256xf32> -> vector<512x256xf32>
    %add3A_327 = vector.broadcast %get3A_25 : vector<1x256xf32> to vector<512x256xf32>
    %add3A_328 = arith.addf %dot_general3A_326, %add3A_327 : vector<512x256xf32>
    %add3A_329 = arith.addf %add3A_328, %add3A_287 : vector<512x256xf32>
    %convert_element_type3A_330 = arith.truncf %add3A_329 : vector<512x256xf32> to vector<512x256xbf16>
    %convert_element_type3A_331 = arith.truncf %get3A_28 : vector<256x128xf32> to vector<256x128xbf16>
    %dot_general3A_332 = arith.constant dense<0.000000e+00> : vector<512x128xf32>
    %dot_general3A_333 = tpu.matmul %convert_element_type3A_330, %convert_element_type3A_331, %dot_general3A_332 {dimension_numbers = #tpu.dot_dimension_numbers<[1], [0], [0], [1], [0, 0, 1, 1], [], []>, transpose_lhs_hint = false} : vector<512x256xbf16>, vector<256x128xbf16>, vector<512x128xf32> -> vector<512x128xf32>
    %add3A_334 = vector.broadcast %get3A_31 : vector<1x128xf32> to vector<512x128xf32>
    %add3A_335 = arith.addf %dot_general3A_333, %add3A_334 : vector<512x128xf32>
    %gt3A_336 = arith.constant 0.000000e+00 : f32
    %gt3A_337 = vector.broadcast %gt3A_336 : f32 to vector<512x128xf32>
    %gt3A_338 = arith.cmpf ogt, %add3A_335, %gt3A_337 : vector<512x128xf32>
    %squeeze3A_339 = vector.extract %get3A_34[0, 0] : f32 from vector<1x1xf32>
    %mul3A_340 = vector.broadcast %squeeze3A_339 : f32 to vector<512x128xf32>
    %mul3A_341 = arith.mulf %mul3A_340, %add3A_335 : vector<512x128xf32>
    %select_n3A_342 = arith.select %gt3A_338, %add3A_335, %mul3A_341 : vector<512x128xi1>, vector<512x128xf32>
    %convert_element_type3A_343 = arith.truncf %select_n3A_342 : vector<512x128xf32> to vector<512x128xbf16>
    %convert_element_type3A_344 = arith.truncf %get3A_145 : vector<128x128xf32> to vector<128x128xbf16>
    %dot_general3A_345 = arith.constant dense<0.000000e+00> : vector<512x128xf32>
    %dot_general3A_346 = tpu.matmul %convert_element_type3A_343, %convert_element_type3A_344, %dot_general3A_345 {dimension_numbers = #tpu.dot_dimension_numbers<[1], [0], [0], [1], [0, 0, 1, 1], [], []>, transpose_lhs_hint = false} : vector<512x128xbf16>, vector<128x128xbf16>, vector<512x128xf32> -> vector<512x128xf32>
    %slice3A = vector.extract_strided_slice %dot_general3A_346 {offsets = [0, 0], sizes = [512, 32], strides = [1, 1]} : vector<512x128xf32> to vector<512x32xf32>
    %slice3A_347 = vector.extract_strided_slice %get3A_148 {offsets = [0, 0], sizes = [1, 32], strides = [1, 1]} : vector<1x128xf32> to vector<1x32xf32>
    %slice3A_348 = vector.extract_strided_slice %get3A_151 {offsets = [0, 0], sizes = [1, 32], strides = [1, 1]} : vector<1x128xf32> to vector<1x32xf32>
    %dot_general3A_349 = arith.constant dense<0.000000e+00> : vector<1x512xf32>
    %dot_general3A_350 = tpu.matmul %slice3A_347, %slice3A, %dot_general3A_349 {dimension_numbers = #tpu.dot_dimension_numbers<[1], [1], [0], [0], [0, 0, 1, 0], [], []>, precision = #tpu.contract_precision<fp32>, transpose_lhs_hint = false} : vector<1x32xf32>, vector<512x32xf32>, vector<1x512xf32> -> vector<1x512xf32>
    %dot_general3A_351 = arith.constant dense<0.000000e+00> : vector<512x1xf32>
    %dot_general3A_352 = tpu.matmul %slice3A, %slice3A_348, %dot_general3A_351 {dimension_numbers = #tpu.dot_dimension_numbers<[1], [1], [0], [0], [0, 0, 1, 0], [], []>, precision = #tpu.contract_precision<fp32>, transpose_lhs_hint = false} : vector<512x32xf32>, vector<1x32xf32>, vector<512x1xf32> -> vector<512x1xf32>
    %add3A_353 = vector.broadcast %dot_general3A_352 : vector<512x1xf32> to vector<512x512xf32>
    %add3A_354 = vector.broadcast %dot_general3A_350 : vector<1x512xf32> to vector<512x512xf32>
    %add3A_355 = arith.addf %add3A_353, %add3A_354 : vector<512x512xf32>
    %gt3A_356 = arith.constant 0.000000e+00 : f32
    %gt3A_357 = vector.broadcast %gt3A_356 : f32 to vector<512x512xf32>
    %gt3A_358 = arith.cmpf ogt, %add3A_355, %gt3A_357 : vector<512x512xf32>
    %mul3A_359 = arith.constant 2.000000e-01 : f32
    %mul3A_360 = vector.broadcast %mul3A_359 : f32 to vector<512x512xf32>
    %mul3A_361 = arith.mulf %mul3A_360, %add3A_355 : vector<512x512xf32>
    %select_n3A_362 = arith.select %gt3A_358, %add3A_355, %mul3A_361 : vector<512x512xi1>, vector<512x512xf32>
    %reduce_max3A = arith.constant dense<0xFF800000> : vector<512xf32>
    %reduce_max3A_363 = vector.multi_reduction <maximumf>, %select_n3A_362, %reduce_max3A [1] : vector<512x512xf32> to vector<512xf32>
    %broadcast_in_dim3A_364 = vector.shape_cast %reduce_max3A_363 : vector<512xf32> to vector<512x1xf32>
    %sub3A_365 = vector.broadcast %broadcast_in_dim3A_364 : vector<512x1xf32> to vector<512x512xf32>
    %sub3A_366 = arith.subf %select_n3A_362, %sub3A_365 : vector<512x512xf32>
    %exp3A = math.exp %sub3A_366 : vector<512x512xf32>
    %reduce_sum3A_367 = arith.constant dense<0.000000e+00> : vector<512xf32>
    %reduce_sum3A_368 = vector.multi_reduction <add>, %exp3A, %reduce_sum3A_367 [1] : vector<512x512xf32> to vector<512xf32>
    %broadcast_in_dim3A_369 = vector.shape_cast %reduce_sum3A_368 : vector<512xf32> to vector<512x1xf32>
    %convert_element_type3A_370 = arith.truncf %exp3A : vector<512x512xf32> to vector<512x512xbf16>
    %convert_element_type3A_371 = arith.truncf %slice3A : vector<512x32xf32> to vector<512x32xbf16>
    %dot_general3A_372 = arith.constant dense<0.000000e+00> : vector<512x32xf32>
    %dot_general3A_373 = tpu.matmul %convert_element_type3A_370, %convert_element_type3A_371, %dot_general3A_372 {dimension_numbers = #tpu.dot_dimension_numbers<[1], [0], [0], [1], [0, 0, 1, 1], [], []>, transpose_lhs_hint = false} : vector<512x512xbf16>, vector<512x32xbf16>, vector<512x32xf32> -> vector<512x32xf32>
    %div3A_374 = vector.broadcast %broadcast_in_dim3A_369 : vector<512x1xf32> to vector<512x32xf32>
    %div3A_375 = arith.divf %dot_general3A_373, %div3A_374 : vector<512x32xf32>
    %slice3A_376 = vector.extract_strided_slice %dot_general3A_346 {offsets = [0, 32], sizes = [512, 32], strides = [1, 1]} : vector<512x128xf32> to vector<512x32xf32>
    %slice3A_377 = vector.extract_strided_slice %get3A_148 {offsets = [0, 32], sizes = [1, 32], strides = [1, 1]} : vector<1x128xf32> to vector<1x32xf32>
    %slice3A_378 = vector.extract_strided_slice %get3A_151 {offsets = [0, 32], sizes = [1, 32], strides = [1, 1]} : vector<1x128xf32> to vector<1x32xf32>
    %dot_general3A_379 = arith.constant dense<0.000000e+00> : vector<1x512xf32>
    %dot_general3A_380 = tpu.matmul %slice3A_377, %slice3A_376, %dot_general3A_379 {dimension_numbers = #tpu.dot_dimension_numbers<[1], [1], [0], [0], [0, 0, 1, 0], [], []>, precision = #tpu.contract_precision<fp32>, transpose_lhs_hint = false} : vector<1x32xf32>, vector<512x32xf32>, vector<1x512xf32> -> vector<1x512xf32>
    %dot_general3A_381 = arith.constant dense<0.000000e+00> : vector<512x1xf32>
    %dot_general3A_382 = tpu.matmul %slice3A_376, %slice3A_378, %dot_general3A_381 {dimension_numbers = #tpu.dot_dimension_numbers<[1], [1], [0], [0], [0, 0, 1, 0], [], []>, precision = #tpu.contract_precision<fp32>, transpose_lhs_hint = false} : vector<512x32xf32>, vector<1x32xf32>, vector<512x1xf32> -> vector<512x1xf32>
    %add3A_383 = vector.broadcast %dot_general3A_382 : vector<512x1xf32> to vector<512x512xf32>
    %add3A_384 = vector.broadcast %dot_general3A_380 : vector<1x512xf32> to vector<512x512xf32>
    %add3A_385 = arith.addf %add3A_383, %add3A_384 : vector<512x512xf32>
    %gt3A_386 = arith.constant 0.000000e+00 : f32
    %gt3A_387 = vector.broadcast %gt3A_386 : f32 to vector<512x512xf32>
    %gt3A_388 = arith.cmpf ogt, %add3A_385, %gt3A_387 : vector<512x512xf32>
    %mul3A_389 = arith.constant 2.000000e-01 : f32
    %mul3A_390 = vector.broadcast %mul3A_389 : f32 to vector<512x512xf32>
    %mul3A_391 = arith.mulf %mul3A_390, %add3A_385 : vector<512x512xf32>
    %select_n3A_392 = arith.select %gt3A_388, %add3A_385, %mul3A_391 : vector<512x512xi1>, vector<512x512xf32>
    %reduce_max3A_393 = arith.constant dense<0xFF800000> : vector<512xf32>
    %reduce_max3A_394 = vector.multi_reduction <maximumf>, %select_n3A_392, %reduce_max3A_393 [1] : vector<512x512xf32> to vector<512xf32>
    %broadcast_in_dim3A_395 = vector.shape_cast %reduce_max3A_394 : vector<512xf32> to vector<512x1xf32>
    %sub3A_396 = vector.broadcast %broadcast_in_dim3A_395 : vector<512x1xf32> to vector<512x512xf32>
    %sub3A_397 = arith.subf %select_n3A_392, %sub3A_396 : vector<512x512xf32>
    %exp3A_398 = math.exp %sub3A_397 : vector<512x512xf32>
    %reduce_sum3A_399 = arith.constant dense<0.000000e+00> : vector<512xf32>
    %reduce_sum3A_400 = vector.multi_reduction <add>, %exp3A_398, %reduce_sum3A_399 [1] : vector<512x512xf32> to vector<512xf32>
    %broadcast_in_dim3A_401 = vector.shape_cast %reduce_sum3A_400 : vector<512xf32> to vector<512x1xf32>
    %convert_element_type3A_402 = arith.truncf %exp3A_398 : vector<512x512xf32> to vector<512x512xbf16>
    %convert_element_type3A_403 = arith.truncf %slice3A_376 : vector<512x32xf32> to vector<512x32xbf16>
    %dot_general3A_404 = arith.constant dense<0.000000e+00> : vector<512x32xf32>
    %dot_general3A_405 = tpu.matmul %convert_element_type3A_402, %convert_element_type3A_403, %dot_general3A_404 {dimension_numbers = #tpu.dot_dimension_numbers<[1], [0], [0], [1], [0, 0, 1, 1], [], []>, transpose_lhs_hint = false} : vector<512x512xbf16>, vector<512x32xbf16>, vector<512x32xf32> -> vector<512x32xf32>
    %div3A_406 = vector.broadcast %broadcast_in_dim3A_401 : vector<512x1xf32> to vector<512x32xf32>
    %div3A_407 = arith.divf %dot_general3A_405, %div3A_406 : vector<512x32xf32>
    %slice3A_408 = vector.extract_strided_slice %dot_general3A_346 {offsets = [0, 64], sizes = [512, 32], strides = [1, 1]} : vector<512x128xf32> to vector<512x32xf32>
    %slice3A_409 = vector.extract_strided_slice %get3A_148 {offsets = [0, 64], sizes = [1, 32], strides = [1, 1]} : vector<1x128xf32> to vector<1x32xf32>
    %slice3A_410 = vector.extract_strided_slice %get3A_151 {offsets = [0, 64], sizes = [1, 32], strides = [1, 1]} : vector<1x128xf32> to vector<1x32xf32>
    %dot_general3A_411 = arith.constant dense<0.000000e+00> : vector<1x512xf32>
    %dot_general3A_412 = tpu.matmul %slice3A_409, %slice3A_408, %dot_general3A_411 {dimension_numbers = #tpu.dot_dimension_numbers<[1], [1], [0], [0], [0, 0, 1, 0], [], []>, precision = #tpu.contract_precision<fp32>, transpose_lhs_hint = false} : vector<1x32xf32>, vector<512x32xf32>, vector<1x512xf32> -> vector<1x512xf32>
    %dot_general3A_413 = arith.constant dense<0.000000e+00> : vector<512x1xf32>
    %dot_general3A_414 = tpu.matmul %slice3A_408, %slice3A_410, %dot_general3A_413 {dimension_numbers = #tpu.dot_dimension_numbers<[1], [1], [0], [0], [0, 0, 1, 0], [], []>, precision = #tpu.contract_precision<fp32>, transpose_lhs_hint = false} : vector<512x32xf32>, vector<1x32xf32>, vector<512x1xf32> -> vector<512x1xf32>
    %add3A_415 = vector.broadcast %dot_general3A_414 : vector<512x1xf32> to vector<512x512xf32>
    %add3A_416 = vector.broadcast %dot_general3A_412 : vector<1x512xf32> to vector<512x512xf32>
    %add3A_417 = arith.addf %add3A_415, %add3A_416 : vector<512x512xf32>
    %gt3A_418 = arith.constant 0.000000e+00 : f32
    %gt3A_419 = vector.broadcast %gt3A_418 : f32 to vector<512x512xf32>
    %gt3A_420 = arith.cmpf ogt, %add3A_417, %gt3A_419 : vector<512x512xf32>
    %mul3A_421 = arith.constant 2.000000e-01 : f32
    %mul3A_422 = vector.broadcast %mul3A_421 : f32 to vector<512x512xf32>
    %mul3A_423 = arith.mulf %mul3A_422, %add3A_417 : vector<512x512xf32>
    %select_n3A_424 = arith.select %gt3A_420, %add3A_417, %mul3A_423 : vector<512x512xi1>, vector<512x512xf32>
    %reduce_max3A_425 = arith.constant dense<0xFF800000> : vector<512xf32>
    %reduce_max3A_426 = vector.multi_reduction <maximumf>, %select_n3A_424, %reduce_max3A_425 [1] : vector<512x512xf32> to vector<512xf32>
    %broadcast_in_dim3A_427 = vector.shape_cast %reduce_max3A_426 : vector<512xf32> to vector<512x1xf32>
    %sub3A_428 = vector.broadcast %broadcast_in_dim3A_427 : vector<512x1xf32> to vector<512x512xf32>
    %sub3A_429 = arith.subf %select_n3A_424, %sub3A_428 : vector<512x512xf32>
    %exp3A_430 = math.exp %sub3A_429 : vector<512x512xf32>
    %reduce_sum3A_431 = arith.constant dense<0.000000e+00> : vector<512xf32>
    %reduce_sum3A_432 = vector.multi_reduction <add>, %exp3A_430, %reduce_sum3A_431 [1] : vector<512x512xf32> to vector<512xf32>
    %broadcast_in_dim3A_433 = vector.shape_cast %reduce_sum3A_432 : vector<512xf32> to vector<512x1xf32>
    %convert_element_type3A_434 = arith.truncf %exp3A_430 : vector<512x512xf32> to vector<512x512xbf16>
    %convert_element_type3A_435 = arith.truncf %slice3A_408 : vector<512x32xf32> to vector<512x32xbf16>
    %dot_general3A_436 = arith.constant dense<0.000000e+00> : vector<512x32xf32>
    %dot_general3A_437 = tpu.matmul %convert_element_type3A_434, %convert_element_type3A_435, %dot_general3A_436 {dimension_numbers = #tpu.dot_dimension_numbers<[1], [0], [0], [1], [0, 0, 1, 1], [], []>, transpose_lhs_hint = false} : vector<512x512xbf16>, vector<512x32xbf16>, vector<512x32xf32> -> vector<512x32xf32>
    %div3A_438 = vector.broadcast %broadcast_in_dim3A_433 : vector<512x1xf32> to vector<512x32xf32>
    %div3A_439 = arith.divf %dot_general3A_437, %div3A_438 : vector<512x32xf32>
    %slice3A_440 = vector.extract_strided_slice %dot_general3A_346 {offsets = [0, 96], sizes = [512, 32], strides = [1, 1]} : vector<512x128xf32> to vector<512x32xf32>
    %slice3A_441 = vector.extract_strided_slice %get3A_148 {offsets = [0, 96], sizes = [1, 32], strides = [1, 1]} : vector<1x128xf32> to vector<1x32xf32>
    %slice3A_442 = vector.extract_strided_slice %get3A_151 {offsets = [0, 96], sizes = [1, 32], strides = [1, 1]} : vector<1x128xf32> to vector<1x32xf32>
    %dot_general3A_443 = arith.constant dense<0.000000e+00> : vector<1x512xf32>
    %dot_general3A_444 = tpu.matmul %slice3A_441, %slice3A_440, %dot_general3A_443 {dimension_numbers = #tpu.dot_dimension_numbers<[1], [1], [0], [0], [0, 0, 1, 0], [], []>, precision = #tpu.contract_precision<fp32>, transpose_lhs_hint = false} : vector<1x32xf32>, vector<512x32xf32>, vector<1x512xf32> -> vector<1x512xf32>
    %dot_general3A_445 = arith.constant dense<0.000000e+00> : vector<512x1xf32>
    %dot_general3A_446 = tpu.matmul %slice3A_440, %slice3A_442, %dot_general3A_445 {dimension_numbers = #tpu.dot_dimension_numbers<[1], [1], [0], [0], [0, 0, 1, 0], [], []>, precision = #tpu.contract_precision<fp32>, transpose_lhs_hint = false} : vector<512x32xf32>, vector<1x32xf32>, vector<512x1xf32> -> vector<512x1xf32>
    %add3A_447 = vector.broadcast %dot_general3A_446 : vector<512x1xf32> to vector<512x512xf32>
    %add3A_448 = vector.broadcast %dot_general3A_444 : vector<1x512xf32> to vector<512x512xf32>
    %add3A_449 = arith.addf %add3A_447, %add3A_448 : vector<512x512xf32>
    %gt3A_450 = arith.constant 0.000000e+00 : f32
    %gt3A_451 = vector.broadcast %gt3A_450 : f32 to vector<512x512xf32>
    %gt3A_452 = arith.cmpf ogt, %add3A_449, %gt3A_451 : vector<512x512xf32>
    %mul3A_453 = arith.constant 2.000000e-01 : f32
    %mul3A_454 = vector.broadcast %mul3A_453 : f32 to vector<512x512xf32>
    %mul3A_455 = arith.mulf %mul3A_454, %add3A_449 : vector<512x512xf32>
    %select_n3A_456 = arith.select %gt3A_452, %add3A_449, %mul3A_455 : vector<512x512xi1>, vector<512x512xf32>
    %reduce_max3A_457 = arith.constant dense<0xFF800000> : vector<512xf32>
    %reduce_max3A_458 = vector.multi_reduction <maximumf>, %select_n3A_456, %reduce_max3A_457 [1] : vector<512x512xf32> to vector<512xf32>
    %broadcast_in_dim3A_459 = vector.shape_cast %reduce_max3A_458 : vector<512xf32> to vector<512x1xf32>
    %sub3A_460 = vector.broadcast %broadcast_in_dim3A_459 : vector<512x1xf32> to vector<512x512xf32>
    %sub3A_461 = arith.subf %select_n3A_456, %sub3A_460 : vector<512x512xf32>
    %exp3A_462 = math.exp %sub3A_461 : vector<512x512xf32>
    %reduce_sum3A_463 = arith.constant dense<0.000000e+00> : vector<512xf32>
    %reduce_sum3A_464 = vector.multi_reduction <add>, %exp3A_462, %reduce_sum3A_463 [1] : vector<512x512xf32> to vector<512xf32>
    %broadcast_in_dim3A_465 = vector.shape_cast %reduce_sum3A_464 : vector<512xf32> to vector<512x1xf32>
    %convert_element_type3A_466 = arith.truncf %exp3A_462 : vector<512x512xf32> to vector<512x512xbf16>
    %convert_element_type3A_467 = arith.truncf %slice3A_440 : vector<512x32xf32> to vector<512x32xbf16>
    %dot_general3A_468 = arith.constant dense<0.000000e+00> : vector<512x32xf32>
    %dot_general3A_469 = tpu.matmul %convert_element_type3A_466, %convert_element_type3A_467, %dot_general3A_468 {dimension_numbers = #tpu.dot_dimension_numbers<[1], [0], [0], [1], [0, 0, 1, 1], [], []>, transpose_lhs_hint = false} : vector<512x512xbf16>, vector<512x32xbf16>, vector<512x32xf32> -> vector<512x32xf32>
    %div3A_470 = vector.broadcast %broadcast_in_dim3A_465 : vector<512x1xf32> to vector<512x32xf32>
    %div3A_471 = arith.divf %dot_general3A_469, %div3A_470 : vector<512x32xf32>
    %concatenate3A = tpu.concatenate %div3A_375, %div3A_407, %div3A_439, %div3A_471 in 1 : vector<512x32xf32>, vector<512x32xf32>, vector<512x32xf32>, vector<512x32xf32> -> vector<512x128xf32>
    %add3A_472 = vector.broadcast %get3A_154 : vector<1x128xf32> to vector<512x128xf32>
    %add3A_473 = arith.addf %concatenate3A, %add3A_472 : vector<512x128xf32>
    %convert_element_type3A_474 = arith.truncf %add3A_473 : vector<512x128xf32> to vector<512x128xbf16>
    %convert_element_type3A_475 = arith.truncf %get3A_157 : vector<128x128xf32> to vector<128x128xbf16>
    %dot_general3A_476 = arith.constant dense<0.000000e+00> : vector<512x128xf32>
    %dot_general3A_477 = tpu.matmul %convert_element_type3A_474, %convert_element_type3A_475, %dot_general3A_476 {dimension_numbers = #tpu.dot_dimension_numbers<[1], [0], [0], [1], [0, 0, 1, 1], [], []>, transpose_lhs_hint = false} : vector<512x128xbf16>, vector<128x128xbf16>, vector<512x128xf32> -> vector<512x128xf32>
    %slice3A_478 = vector.extract_strided_slice %dot_general3A_477 {offsets = [0, 0], sizes = [512, 32], strides = [1, 1]} : vector<512x128xf32> to vector<512x32xf32>
    %slice3A_479 = vector.extract_strided_slice %get3A_160 {offsets = [0, 0], sizes = [1, 32], strides = [1, 1]} : vector<1x128xf32> to vector<1x32xf32>
    %slice3A_480 = vector.extract_strided_slice %get3A_163 {offsets = [0, 0], sizes = [1, 32], strides = [1, 1]} : vector<1x128xf32> to vector<1x32xf32>
    %dot_general3A_481 = arith.constant dense<0.000000e+00> : vector<1x512xf32>
    %dot_general3A_482 = tpu.matmul %slice3A_479, %slice3A_478, %dot_general3A_481 {dimension_numbers = #tpu.dot_dimension_numbers<[1], [1], [0], [0], [0, 0, 1, 0], [], []>, precision = #tpu.contract_precision<fp32>, transpose_lhs_hint = false} : vector<1x32xf32>, vector<512x32xf32>, vector<1x512xf32> -> vector<1x512xf32>
    %dot_general3A_483 = arith.constant dense<0.000000e+00> : vector<512x1xf32>
    %dot_general3A_484 = tpu.matmul %slice3A_478, %slice3A_480, %dot_general3A_483 {dimension_numbers = #tpu.dot_dimension_numbers<[1], [1], [0], [0], [0, 0, 1, 0], [], []>, precision = #tpu.contract_precision<fp32>, transpose_lhs_hint = false} : vector<512x32xf32>, vector<1x32xf32>, vector<512x1xf32> -> vector<512x1xf32>
    %add3A_485 = vector.broadcast %dot_general3A_484 : vector<512x1xf32> to vector<512x512xf32>
    %add3A_486 = vector.broadcast %dot_general3A_482 : vector<1x512xf32> to vector<512x512xf32>
    %add3A_487 = arith.addf %add3A_485, %add3A_486 : vector<512x512xf32>
    %gt3A_488 = arith.constant 0.000000e+00 : f32
    %gt3A_489 = vector.broadcast %gt3A_488 : f32 to vector<512x512xf32>
    %gt3A_490 = arith.cmpf ogt, %add3A_487, %gt3A_489 : vector<512x512xf32>
    %mul3A_491 = arith.constant 2.000000e-01 : f32
    %mul3A_492 = vector.broadcast %mul3A_491 : f32 to vector<512x512xf32>
    %mul3A_493 = arith.mulf %mul3A_492, %add3A_487 : vector<512x512xf32>
    %select_n3A_494 = arith.select %gt3A_490, %add3A_487, %mul3A_493 : vector<512x512xi1>, vector<512x512xf32>
    %reduce_max3A_495 = arith.constant dense<0xFF800000> : vector<512xf32>
    %reduce_max3A_496 = vector.multi_reduction <maximumf>, %select_n3A_494, %reduce_max3A_495 [1] : vector<512x512xf32> to vector<512xf32>
    %broadcast_in_dim3A_497 = vector.shape_cast %reduce_max3A_496 : vector<512xf32> to vector<512x1xf32>
    %sub3A_498 = vector.broadcast %broadcast_in_dim3A_497 : vector<512x1xf32> to vector<512x512xf32>
    %sub3A_499 = arith.subf %select_n3A_494, %sub3A_498 : vector<512x512xf32>
    %exp3A_500 = math.exp %sub3A_499 : vector<512x512xf32>
    %reduce_sum3A_501 = arith.constant dense<0.000000e+00> : vector<512xf32>
    %reduce_sum3A_502 = vector.multi_reduction <add>, %exp3A_500, %reduce_sum3A_501 [1] : vector<512x512xf32> to vector<512xf32>
    %broadcast_in_dim3A_503 = vector.shape_cast %reduce_sum3A_502 : vector<512xf32> to vector<512x1xf32>
    %convert_element_type3A_504 = arith.truncf %exp3A_500 : vector<512x512xf32> to vector<512x512xbf16>
    %convert_element_type3A_505 = arith.truncf %slice3A_478 : vector<512x32xf32> to vector<512x32xbf16>
    %dot_general3A_506 = arith.constant dense<0.000000e+00> : vector<512x32xf32>
    %dot_general3A_507 = tpu.matmul %convert_element_type3A_504, %convert_element_type3A_505, %dot_general3A_506 {dimension_numbers = #tpu.dot_dimension_numbers<[1], [0], [0], [1], [0, 0, 1, 1], [], []>, transpose_lhs_hint = false} : vector<512x512xbf16>, vector<512x32xbf16>, vector<512x32xf32> -> vector<512x32xf32>
    %div3A_508 = vector.broadcast %broadcast_in_dim3A_503 : vector<512x1xf32> to vector<512x32xf32>
    %div3A_509 = arith.divf %dot_general3A_507, %div3A_508 : vector<512x32xf32>
    %slice3A_510 = vector.extract_strided_slice %dot_general3A_477 {offsets = [0, 32], sizes = [512, 32], strides = [1, 1]} : vector<512x128xf32> to vector<512x32xf32>
    %slice3A_511 = vector.extract_strided_slice %get3A_160 {offsets = [0, 32], sizes = [1, 32], strides = [1, 1]} : vector<1x128xf32> to vector<1x32xf32>
    %slice3A_512 = vector.extract_strided_slice %get3A_163 {offsets = [0, 32], sizes = [1, 32], strides = [1, 1]} : vector<1x128xf32> to vector<1x32xf32>
    %dot_general3A_513 = arith.constant dense<0.000000e+00> : vector<1x512xf32>
    %dot_general3A_514 = tpu.matmul %slice3A_511, %slice3A_510, %dot_general3A_513 {dimension_numbers = #tpu.dot_dimension_numbers<[1], [1], [0], [0], [0, 0, 1, 0], [], []>, precision = #tpu.contract_precision<fp32>, transpose_lhs_hint = false} : vector<1x32xf32>, vector<512x32xf32>, vector<1x512xf32> -> vector<1x512xf32>
    %dot_general3A_515 = arith.constant dense<0.000000e+00> : vector<512x1xf32>
    %dot_general3A_516 = tpu.matmul %slice3A_510, %slice3A_512, %dot_general3A_515 {dimension_numbers = #tpu.dot_dimension_numbers<[1], [1], [0], [0], [0, 0, 1, 0], [], []>, precision = #tpu.contract_precision<fp32>, transpose_lhs_hint = false} : vector<512x32xf32>, vector<1x32xf32>, vector<512x1xf32> -> vector<512x1xf32>
    %add3A_517 = vector.broadcast %dot_general3A_516 : vector<512x1xf32> to vector<512x512xf32>
    %add3A_518 = vector.broadcast %dot_general3A_514 : vector<1x512xf32> to vector<512x512xf32>
    %add3A_519 = arith.addf %add3A_517, %add3A_518 : vector<512x512xf32>
    %gt3A_520 = arith.constant 0.000000e+00 : f32
    %gt3A_521 = vector.broadcast %gt3A_520 : f32 to vector<512x512xf32>
    %gt3A_522 = arith.cmpf ogt, %add3A_519, %gt3A_521 : vector<512x512xf32>
    %mul3A_523 = arith.constant 2.000000e-01 : f32
    %mul3A_524 = vector.broadcast %mul3A_523 : f32 to vector<512x512xf32>
    %mul3A_525 = arith.mulf %mul3A_524, %add3A_519 : vector<512x512xf32>
    %select_n3A_526 = arith.select %gt3A_522, %add3A_519, %mul3A_525 : vector<512x512xi1>, vector<512x512xf32>
    %reduce_max3A_527 = arith.constant dense<0xFF800000> : vector<512xf32>
    %reduce_max3A_528 = vector.multi_reduction <maximumf>, %select_n3A_526, %reduce_max3A_527 [1] : vector<512x512xf32> to vector<512xf32>
    %broadcast_in_dim3A_529 = vector.shape_cast %reduce_max3A_528 : vector<512xf32> to vector<512x1xf32>
    %sub3A_530 = vector.broadcast %broadcast_in_dim3A_529 : vector<512x1xf32> to vector<512x512xf32>
    %sub3A_531 = arith.subf %select_n3A_526, %sub3A_530 : vector<512x512xf32>
    %exp3A_532 = math.exp %sub3A_531 : vector<512x512xf32>
    %reduce_sum3A_533 = arith.constant dense<0.000000e+00> : vector<512xf32>
    %reduce_sum3A_534 = vector.multi_reduction <add>, %exp3A_532, %reduce_sum3A_533 [1] : vector<512x512xf32> to vector<512xf32>
    %broadcast_in_dim3A_535 = vector.shape_cast %reduce_sum3A_534 : vector<512xf32> to vector<512x1xf32>
    %convert_element_type3A_536 = arith.truncf %exp3A_532 : vector<512x512xf32> to vector<512x512xbf16>
    %convert_element_type3A_537 = arith.truncf %slice3A_510 : vector<512x32xf32> to vector<512x32xbf16>
    %dot_general3A_538 = arith.constant dense<0.000000e+00> : vector<512x32xf32>
    %dot_general3A_539 = tpu.matmul %convert_element_type3A_536, %convert_element_type3A_537, %dot_general3A_538 {dimension_numbers = #tpu.dot_dimension_numbers<[1], [0], [0], [1], [0, 0, 1, 1], [], []>, transpose_lhs_hint = false} : vector<512x512xbf16>, vector<512x32xbf16>, vector<512x32xf32> -> vector<512x32xf32>
    %div3A_540 = vector.broadcast %broadcast_in_dim3A_535 : vector<512x1xf32> to vector<512x32xf32>
    %div3A_541 = arith.divf %dot_general3A_539, %div3A_540 : vector<512x32xf32>
    %slice3A_542 = vector.extract_strided_slice %dot_general3A_477 {offsets = [0, 64], sizes = [512, 32], strides = [1, 1]} : vector<512x128xf32> to vector<512x32xf32>
    %slice3A_543 = vector.extract_strided_slice %get3A_160 {offsets = [0, 64], sizes = [1, 32], strides = [1, 1]} : vector<1x128xf32> to vector<1x32xf32>
    %slice3A_544 = vector.extract_strided_slice %get3A_163 {offsets = [0, 64], sizes = [1, 32], strides = [1, 1]} : vector<1x128xf32> to vector<1x32xf32>
    %dot_general3A_545 = arith.constant dense<0.000000e+00> : vector<1x512xf32>
    %dot_general3A_546 = tpu.matmul %slice3A_543, %slice3A_542, %dot_general3A_545 {dimension_numbers = #tpu.dot_dimension_numbers<[1], [1], [0], [0], [0, 0, 1, 0], [], []>, precision = #tpu.contract_precision<fp32>, transpose_lhs_hint = false} : vector<1x32xf32>, vector<512x32xf32>, vector<1x512xf32> -> vector<1x512xf32>
    %dot_general3A_547 = arith.constant dense<0.000000e+00> : vector<512x1xf32>
    %dot_general3A_548 = tpu.matmul %slice3A_542, %slice3A_544, %dot_general3A_547 {dimension_numbers = #tpu.dot_dimension_numbers<[1], [1], [0], [0], [0, 0, 1, 0], [], []>, precision = #tpu.contract_precision<fp32>, transpose_lhs_hint = false} : vector<512x32xf32>, vector<1x32xf32>, vector<512x1xf32> -> vector<512x1xf32>
    %add3A_549 = vector.broadcast %dot_general3A_548 : vector<512x1xf32> to vector<512x512xf32>
    %add3A_550 = vector.broadcast %dot_general3A_546 : vector<1x512xf32> to vector<512x512xf32>
    %add3A_551 = arith.addf %add3A_549, %add3A_550 : vector<512x512xf32>
    %gt3A_552 = arith.constant 0.000000e+00 : f32
    %gt3A_553 = vector.broadcast %gt3A_552 : f32 to vector<512x512xf32>
    %gt3A_554 = arith.cmpf ogt, %add3A_551, %gt3A_553 : vector<512x512xf32>
    %mul3A_555 = arith.constant 2.000000e-01 : f32
    %mul3A_556 = vector.broadcast %mul3A_555 : f32 to vector<512x512xf32>
    %mul3A_557 = arith.mulf %mul3A_556, %add3A_551 : vector<512x512xf32>
    %select_n3A_558 = arith.select %gt3A_554, %add3A_551, %mul3A_557 : vector<512x512xi1>, vector<512x512xf32>
    %reduce_max3A_559 = arith.constant dense<0xFF800000> : vector<512xf32>
    %reduce_max3A_560 = vector.multi_reduction <maximumf>, %select_n3A_558, %reduce_max3A_559 [1] : vector<512x512xf32> to vector<512xf32>
    %broadcast_in_dim3A_561 = vector.shape_cast %reduce_max3A_560 : vector<512xf32> to vector<512x1xf32>
    %sub3A_562 = vector.broadcast %broadcast_in_dim3A_561 : vector<512x1xf32> to vector<512x512xf32>
    %sub3A_563 = arith.subf %select_n3A_558, %sub3A_562 : vector<512x512xf32>
    %exp3A_564 = math.exp %sub3A_563 : vector<512x512xf32>
    %reduce_sum3A_565 = arith.constant dense<0.000000e+00> : vector<512xf32>
    %reduce_sum3A_566 = vector.multi_reduction <add>, %exp3A_564, %reduce_sum3A_565 [1] : vector<512x512xf32> to vector<512xf32>
    %broadcast_in_dim3A_567 = vector.shape_cast %reduce_sum3A_566 : vector<512xf32> to vector<512x1xf32>
    %convert_element_type3A_568 = arith.truncf %exp3A_564 : vector<512x512xf32> to vector<512x512xbf16>
    %convert_element_type3A_569 = arith.truncf %slice3A_542 : vector<512x32xf32> to vector<512x32xbf16>
    %dot_general3A_570 = arith.constant dense<0.000000e+00> : vector<512x32xf32>
    %dot_general3A_571 = tpu.matmul %convert_element_type3A_568, %convert_element_type3A_569, %dot_general3A_570 {dimension_numbers = #tpu.dot_dimension_numbers<[1], [0], [0], [1], [0, 0, 1, 1], [], []>, transpose_lhs_hint = false} : vector<512x512xbf16>, vector<512x32xbf16>, vector<512x32xf32> -> vector<512x32xf32>
    %div3A_572 = vector.broadcast %broadcast_in_dim3A_567 : vector<512x1xf32> to vector<512x32xf32>
    %div3A_573 = arith.divf %dot_general3A_571, %div3A_572 : vector<512x32xf32>
    %slice3A_574 = vector.extract_strided_slice %dot_general3A_477 {offsets = [0, 96], sizes = [512, 32], strides = [1, 1]} : vector<512x128xf32> to vector<512x32xf32>
    %slice3A_575 = vector.extract_strided_slice %get3A_160 {offsets = [0, 96], sizes = [1, 32], strides = [1, 1]} : vector<1x128xf32> to vector<1x32xf32>
    %slice3A_576 = vector.extract_strided_slice %get3A_163 {offsets = [0, 96], sizes = [1, 32], strides = [1, 1]} : vector<1x128xf32> to vector<1x32xf32>
    %dot_general3A_577 = arith.constant dense<0.000000e+00> : vector<1x512xf32>
    %dot_general3A_578 = tpu.matmul %slice3A_575, %slice3A_574, %dot_general3A_577 {dimension_numbers = #tpu.dot_dimension_numbers<[1], [1], [0], [0], [0, 0, 1, 0], [], []>, precision = #tpu.contract_precision<fp32>, transpose_lhs_hint = false} : vector<1x32xf32>, vector<512x32xf32>, vector<1x512xf32> -> vector<1x512xf32>
    %dot_general3A_579 = arith.constant dense<0.000000e+00> : vector<512x1xf32>
    %dot_general3A_580 = tpu.matmul %slice3A_574, %slice3A_576, %dot_general3A_579 {dimension_numbers = #tpu.dot_dimension_numbers<[1], [1], [0], [0], [0, 0, 1, 0], [], []>, precision = #tpu.contract_precision<fp32>, transpose_lhs_hint = false} : vector<512x32xf32>, vector<1x32xf32>, vector<512x1xf32> -> vector<512x1xf32>
    %add3A_581 = vector.broadcast %dot_general3A_580 : vector<512x1xf32> to vector<512x512xf32>
    %add3A_582 = vector.broadcast %dot_general3A_578 : vector<1x512xf32> to vector<512x512xf32>
    %add3A_583 = arith.addf %add3A_581, %add3A_582 : vector<512x512xf32>
    %gt3A_584 = arith.constant 0.000000e+00 : f32
    %gt3A_585 = vector.broadcast %gt3A_584 : f32 to vector<512x512xf32>
    %gt3A_586 = arith.cmpf ogt, %add3A_583, %gt3A_585 : vector<512x512xf32>
    %mul3A_587 = arith.constant 2.000000e-01 : f32
    %mul3A_588 = vector.broadcast %mul3A_587 : f32 to vector<512x512xf32>
    %mul3A_589 = arith.mulf %mul3A_588, %add3A_583 : vector<512x512xf32>
    %select_n3A_590 = arith.select %gt3A_586, %add3A_583, %mul3A_589 : vector<512x512xi1>, vector<512x512xf32>
    %reduce_max3A_591 = arith.constant dense<0xFF800000> : vector<512xf32>
    %reduce_max3A_592 = vector.multi_reduction <maximumf>, %select_n3A_590, %reduce_max3A_591 [1] : vector<512x512xf32> to vector<512xf32>
    %broadcast_in_dim3A_593 = vector.shape_cast %reduce_max3A_592 : vector<512xf32> to vector<512x1xf32>
    %sub3A_594 = vector.broadcast %broadcast_in_dim3A_593 : vector<512x1xf32> to vector<512x512xf32>
    %sub3A_595 = arith.subf %select_n3A_590, %sub3A_594 : vector<512x512xf32>
    %exp3A_596 = math.exp %sub3A_595 : vector<512x512xf32>
    %reduce_sum3A_597 = arith.constant dense<0.000000e+00> : vector<512xf32>
    %reduce_sum3A_598 = vector.multi_reduction <add>, %exp3A_596, %reduce_sum3A_597 [1] : vector<512x512xf32> to vector<512xf32>
    %broadcast_in_dim3A_599 = vector.shape_cast %reduce_sum3A_598 : vector<512xf32> to vector<512x1xf32>
    %convert_element_type3A_600 = arith.truncf %exp3A_596 : vector<512x512xf32> to vector<512x512xbf16>
    %convert_element_type3A_601 = arith.truncf %slice3A_574 : vector<512x32xf32> to vector<512x32xbf16>
    %dot_general3A_602 = arith.constant dense<0.000000e+00> : vector<512x32xf32>
    %dot_general3A_603 = tpu.matmul %convert_element_type3A_600, %convert_element_type3A_601, %dot_general3A_602 {dimension_numbers = #tpu.dot_dimension_numbers<[1], [0], [0], [1], [0, 0, 1, 1], [], []>, transpose_lhs_hint = false} : vector<512x512xbf16>, vector<512x32xbf16>, vector<512x32xf32> -> vector<512x32xf32>
    %div3A_604 = vector.broadcast %broadcast_in_dim3A_599 : vector<512x1xf32> to vector<512x32xf32>
    %div3A_605 = arith.divf %dot_general3A_603, %div3A_604 : vector<512x32xf32>
    %concatenate3A_606 = tpu.concatenate %div3A_509, %div3A_541, %div3A_573, %div3A_605 in 1 : vector<512x32xf32>, vector<512x32xf32>, vector<512x32xf32>, vector<512x32xf32> -> vector<512x128xf32>
    %add3A_607 = vector.broadcast %get3A_166 : vector<1x128xf32> to vector<512x128xf32>
    %add3A_608 = arith.addf %concatenate3A_606, %add3A_607 : vector<512x128xf32>
    %convert_element_type3A_609 = arith.truncf %add3A_608 : vector<512x128xf32> to vector<512x128xbf16>
    %convert_element_type3A_610 = arith.truncf %get3A_37 : vector<128x128xf32> to vector<128x128xbf16>
    %dot_general3A_611 = arith.constant dense<0.000000e+00> : vector<512x128xf32>
    %dot_general3A_612 = tpu.matmul %convert_element_type3A_609, %convert_element_type3A_610, %dot_general3A_611 {dimension_numbers = #tpu.dot_dimension_numbers<[1], [0], [0], [1], [0, 0, 1, 1], [], []>, transpose_lhs_hint = false} : vector<512x128xbf16>, vector<128x128xbf16>, vector<512x128xf32> -> vector<512x128xf32>
    %add3A_613 = vector.broadcast %get3A_40 : vector<1x128xf32> to vector<512x128xf32>
    %add3A_614 = arith.addf %dot_general3A_612, %add3A_613 : vector<512x128xf32>
    %convert_element_type3A_615 = arith.truncf %add3A_614 : vector<512x128xf32> to vector<512x128xbf16>
    %convert_element_type3A_616 = arith.truncf %get3A_43 : vector<128x128xf32> to vector<128x128xbf16>
    %dot_general3A_617 = arith.constant dense<0.000000e+00> : vector<512x128xf32>
    %dot_general3A_618 = tpu.matmul %convert_element_type3A_615, %convert_element_type3A_616, %dot_general3A_617 {dimension_numbers = #tpu.dot_dimension_numbers<[1], [0], [0], [1], [0, 0, 1, 1], [], []>, transpose_lhs_hint = false} : vector<512x128xbf16>, vector<128x128xbf16>, vector<512x128xf32> -> vector<512x128xf32>
    %add3A_619 = vector.broadcast %get3A_46 : vector<1x128xf32> to vector<512x128xf32>
    %add3A_620 = arith.addf %dot_general3A_618, %add3A_619 : vector<512x128xf32>
    %reduce_sum3A_621 = arith.constant dense<0.000000e+00> : vector<512xf32>
    %reduce_sum3A_622 = vector.multi_reduction <add>, %add3A_620, %reduce_sum3A_621 [1] : vector<512x128xf32> to vector<512xf32>
    %broadcast_in_dim3A_623 = vector.shape_cast %reduce_sum3A_622 : vector<512xf32> to vector<512x1xf32>
    %div3A_624 = arith.constant 1.280000e+02 : f32
    %div3A_625 = vector.broadcast %div3A_624 : f32 to vector<512x1xf32>
    %div3A_626 = arith.divf %broadcast_in_dim3A_623, %div3A_625 : vector<512x1xf32>
    %sub3A_627 = vector.broadcast %div3A_626 : vector<512x1xf32> to vector<512x128xf32>
    %sub3A_628 = arith.subf %add3A_620, %sub3A_627 : vector<512x128xf32>
    %sub3A_629 = vector.broadcast %div3A_626 : vector<512x1xf32> to vector<512x128xf32>
    %sub3A_630 = arith.subf %add3A_620, %sub3A_629 : vector<512x128xf32>
    %mul3A_631 = arith.mulf %sub3A_628, %sub3A_630 : vector<512x128xf32>
    %reduce_sum3A_632 = arith.constant dense<0.000000e+00> : vector<512xf32>
    %reduce_sum3A_633 = vector.multi_reduction <add>, %mul3A_631, %reduce_sum3A_632 [1] : vector<512x128xf32> to vector<512xf32>
    %broadcast_in_dim3A_634 = vector.shape_cast %reduce_sum3A_633 : vector<512xf32> to vector<512x1xf32>
    %div3A_635 = arith.constant 1.280000e+02 : f32
    %div3A_636 = vector.broadcast %div3A_635 : f32 to vector<512x1xf32>
    %div3A_637 = arith.divf %broadcast_in_dim3A_634, %div3A_636 : vector<512x1xf32>
    %sub3A_638 = vector.broadcast %div3A_626 : vector<512x1xf32> to vector<512x128xf32>
    %sub3A_639 = arith.subf %add3A_620, %sub3A_638 : vector<512x128xf32>
    %add3A_640 = arith.constant 9.99999974E-6 : f32
    %add3A_641 = vector.broadcast %add3A_640 : f32 to vector<512x1xf32>
    %add3A_642 = arith.addf %div3A_637, %add3A_641 : vector<512x1xf32>
    %sqrt3A_643 = math.sqrt %add3A_642 : vector<512x1xf32>
    %div3A_644 = vector.broadcast %sqrt3A_643 : vector<512x1xf32> to vector<512x128xf32>
    %div3A_645 = arith.divf %sub3A_639, %div3A_644 : vector<512x128xf32>
    %mul3A_646 = vector.broadcast %get3A_49 : vector<1x128xf32> to vector<512x128xf32>
    %mul3A_647 = arith.mulf %div3A_645, %mul3A_646 : vector<512x128xf32>
    %add3A_648 = vector.broadcast %get3A_52 : vector<1x128xf32> to vector<512x128xf32>
    %add3A_649 = arith.addf %mul3A_647, %add3A_648 : vector<512x128xf32>
    %gt3A_650 = arith.constant 0.000000e+00 : f32
    %gt3A_651 = vector.broadcast %gt3A_650 : f32 to vector<512x128xf32>
    %gt3A_652 = arith.cmpf ogt, %add3A_649, %gt3A_651 : vector<512x128xf32>
    %squeeze3A_653 = vector.extract %get3A_55[0, 0] : f32 from vector<1x1xf32>
    %mul3A_654 = vector.broadcast %squeeze3A_653 : f32 to vector<512x128xf32>
    %mul3A_655 = arith.mulf %mul3A_654, %add3A_649 : vector<512x128xf32>
    %select_n3A_656 = arith.select %gt3A_652, %add3A_649, %mul3A_655 : vector<512x128xi1>, vector<512x128xf32>
    %convert_element_type3A_657 = arith.truncf %select_n3A_656 : vector<512x128xf32> to vector<512x128xbf16>
    %convert_element_type3A_658 = arith.truncf %get3A_58 : vector<128x128xf32> to vector<128x128xbf16>
    %dot_general3A_659 = arith.constant dense<0.000000e+00> : vector<512x128xf32>
    %dot_general3A_660 = tpu.matmul %convert_element_type3A_657, %convert_element_type3A_658, %dot_general3A_659 {dimension_numbers = #tpu.dot_dimension_numbers<[1], [0], [0], [1], [0, 0, 1, 1], [], []>, transpose_lhs_hint = false} : vector<512x128xbf16>, vector<128x128xbf16>, vector<512x128xf32> -> vector<512x128xf32>
    %add3A_661 = vector.broadcast %get3A_61 : vector<1x128xf32> to vector<512x128xf32>
    %add3A_662 = arith.addf %dot_general3A_660, %add3A_661 : vector<512x128xf32>
    %add3A_663 = arith.addf %add3A_662, %add3A_614 : vector<512x128xf32>
    %convert_element_type3A_664 = arith.truncf %add3A_663 : vector<512x128xf32> to vector<512x128xbf16>
    %convert_element_type3A_665 = arith.truncf %get3A_64 : vector<128x128xf32> to vector<128x128xbf16>
    %dot_general3A_666 = arith.constant dense<0.000000e+00> : vector<512x128xf32>
    %dot_general3A_667 = tpu.matmul %convert_element_type3A_664, %convert_element_type3A_665, %dot_general3A_666 {dimension_numbers = #tpu.dot_dimension_numbers<[1], [0], [0], [1], [0, 0, 1, 1], [], []>, transpose_lhs_hint = false} : vector<512x128xbf16>, vector<128x128xbf16>, vector<512x128xf32> -> vector<512x128xf32>
    %add3A_668 = vector.broadcast %get3A_67 : vector<1x128xf32> to vector<512x128xf32>
    %add3A_669 = arith.addf %dot_general3A_667, %add3A_668 : vector<512x128xf32>
    %gt3A_670 = arith.constant 0.000000e+00 : f32
    %gt3A_671 = vector.broadcast %gt3A_670 : f32 to vector<512x128xf32>
    %gt3A_672 = arith.cmpf ogt, %add3A_669, %gt3A_671 : vector<512x128xf32>
    %squeeze3A_673 = vector.extract %get3A_70[0, 0] : f32 from vector<1x1xf32>
    %mul3A_674 = vector.broadcast %squeeze3A_673 : f32 to vector<512x128xf32>
    %mul3A_675 = arith.mulf %mul3A_674, %add3A_669 : vector<512x128xf32>
    %select_n3A_676 = arith.select %gt3A_672, %add3A_669, %mul3A_675 : vector<512x128xi1>, vector<512x128xf32>
    %add3A_677 = arith.addf %select_n3A_676, %add3A_608 : vector<512x128xf32>
    %convert_element_type3A_678 = arith.truncf %add3A_677 : vector<512x128xf32> to vector<512x128xbf16>
    %convert_element_type3A_679 = arith.truncf %get3A_169 : vector<128x128xf32> to vector<128x128xbf16>
    %dot_general3A_680 = arith.constant dense<0.000000e+00> : vector<512x128xf32>
    %dot_general3A_681 = tpu.matmul %convert_element_type3A_678, %convert_element_type3A_679, %dot_general3A_680 {dimension_numbers = #tpu.dot_dimension_numbers<[1], [0], [0], [1], [0, 0, 1, 1], [], []>, transpose_lhs_hint = false} : vector<512x128xbf16>, vector<128x128xbf16>, vector<512x128xf32> -> vector<512x128xf32>
    %slice3A_682 = vector.extract_strided_slice %dot_general3A_681 {offsets = [0, 0], sizes = [512, 32], strides = [1, 1]} : vector<512x128xf32> to vector<512x32xf32>
    %slice3A_683 = vector.extract_strided_slice %get3A_172 {offsets = [0, 0], sizes = [1, 32], strides = [1, 1]} : vector<1x128xf32> to vector<1x32xf32>
    %slice3A_684 = vector.extract_strided_slice %get3A_175 {offsets = [0, 0], sizes = [1, 32], strides = [1, 1]} : vector<1x128xf32> to vector<1x32xf32>
    %dot_general3A_685 = arith.constant dense<0.000000e+00> : vector<1x512xf32>
    %dot_general3A_686 = tpu.matmul %slice3A_683, %slice3A_682, %dot_general3A_685 {dimension_numbers = #tpu.dot_dimension_numbers<[1], [1], [0], [0], [0, 0, 1, 0], [], []>, precision = #tpu.contract_precision<fp32>, transpose_lhs_hint = false} : vector<1x32xf32>, vector<512x32xf32>, vector<1x512xf32> -> vector<1x512xf32>
    %dot_general3A_687 = arith.constant dense<0.000000e+00> : vector<512x1xf32>
    %dot_general3A_688 = tpu.matmul %slice3A_682, %slice3A_684, %dot_general3A_687 {dimension_numbers = #tpu.dot_dimension_numbers<[1], [1], [0], [0], [0, 0, 1, 0], [], []>, precision = #tpu.contract_precision<fp32>, transpose_lhs_hint = false} : vector<512x32xf32>, vector<1x32xf32>, vector<512x1xf32> -> vector<512x1xf32>
    %add3A_689 = vector.broadcast %dot_general3A_688 : vector<512x1xf32> to vector<512x512xf32>
    %add3A_690 = vector.broadcast %dot_general3A_686 : vector<1x512xf32> to vector<512x512xf32>
    %add3A_691 = arith.addf %add3A_689, %add3A_690 : vector<512x512xf32>
    %gt3A_692 = arith.constant 0.000000e+00 : f32
    %gt3A_693 = vector.broadcast %gt3A_692 : f32 to vector<512x512xf32>
    %gt3A_694 = arith.cmpf ogt, %add3A_691, %gt3A_693 : vector<512x512xf32>
    %mul3A_695 = arith.constant 2.000000e-01 : f32
    %mul3A_696 = vector.broadcast %mul3A_695 : f32 to vector<512x512xf32>
    %mul3A_697 = arith.mulf %mul3A_696, %add3A_691 : vector<512x512xf32>
    %select_n3A_698 = arith.select %gt3A_694, %add3A_691, %mul3A_697 : vector<512x512xi1>, vector<512x512xf32>
    %reduce_max3A_699 = arith.constant dense<0xFF800000> : vector<512xf32>
    %reduce_max3A_700 = vector.multi_reduction <maximumf>, %select_n3A_698, %reduce_max3A_699 [1] : vector<512x512xf32> to vector<512xf32>
    %broadcast_in_dim3A_701 = vector.shape_cast %reduce_max3A_700 : vector<512xf32> to vector<512x1xf32>
    %sub3A_702 = vector.broadcast %broadcast_in_dim3A_701 : vector<512x1xf32> to vector<512x512xf32>
    %sub3A_703 = arith.subf %select_n3A_698, %sub3A_702 : vector<512x512xf32>
    %exp3A_704 = math.exp %sub3A_703 : vector<512x512xf32>
    %reduce_sum3A_705 = arith.constant dense<0.000000e+00> : vector<512xf32>
    %reduce_sum3A_706 = vector.multi_reduction <add>, %exp3A_704, %reduce_sum3A_705 [1] : vector<512x512xf32> to vector<512xf32>
    %broadcast_in_dim3A_707 = vector.shape_cast %reduce_sum3A_706 : vector<512xf32> to vector<512x1xf32>
    %convert_element_type3A_708 = arith.truncf %exp3A_704 : vector<512x512xf32> to vector<512x512xbf16>
    %convert_element_type3A_709 = arith.truncf %slice3A_682 : vector<512x32xf32> to vector<512x32xbf16>
    %dot_general3A_710 = arith.constant dense<0.000000e+00> : vector<512x32xf32>
    %dot_general3A_711 = tpu.matmul %convert_element_type3A_708, %convert_element_type3A_709, %dot_general3A_710 {dimension_numbers = #tpu.dot_dimension_numbers<[1], [0], [0], [1], [0, 0, 1, 1], [], []>, transpose_lhs_hint = false} : vector<512x512xbf16>, vector<512x32xbf16>, vector<512x32xf32> -> vector<512x32xf32>
    %div3A_712 = vector.broadcast %broadcast_in_dim3A_707 : vector<512x1xf32> to vector<512x32xf32>
    %div3A_713 = arith.divf %dot_general3A_711, %div3A_712 : vector<512x32xf32>
    %slice3A_714 = vector.extract_strided_slice %dot_general3A_681 {offsets = [0, 32], sizes = [512, 32], strides = [1, 1]} : vector<512x128xf32> to vector<512x32xf32>
    %slice3A_715 = vector.extract_strided_slice %get3A_172 {offsets = [0, 32], sizes = [1, 32], strides = [1, 1]} : vector<1x128xf32> to vector<1x32xf32>
    %slice3A_716 = vector.extract_strided_slice %get3A_175 {offsets = [0, 32], sizes = [1, 32], strides = [1, 1]} : vector<1x128xf32> to vector<1x32xf32>
    %dot_general3A_717 = arith.constant dense<0.000000e+00> : vector<1x512xf32>
    %dot_general3A_718 = tpu.matmul %slice3A_715, %slice3A_714, %dot_general3A_717 {dimension_numbers = #tpu.dot_dimension_numbers<[1], [1], [0], [0], [0, 0, 1, 0], [], []>, precision = #tpu.contract_precision<fp32>, transpose_lhs_hint = false} : vector<1x32xf32>, vector<512x32xf32>, vector<1x512xf32> -> vector<1x512xf32>
    %dot_general3A_719 = arith.constant dense<0.000000e+00> : vector<512x1xf32>
    %dot_general3A_720 = tpu.matmul %slice3A_714, %slice3A_716, %dot_general3A_719 {dimension_numbers = #tpu.dot_dimension_numbers<[1], [1], [0], [0], [0, 0, 1, 0], [], []>, precision = #tpu.contract_precision<fp32>, transpose_lhs_hint = false} : vector<512x32xf32>, vector<1x32xf32>, vector<512x1xf32> -> vector<512x1xf32>
    %add3A_721 = vector.broadcast %dot_general3A_720 : vector<512x1xf32> to vector<512x512xf32>
    %add3A_722 = vector.broadcast %dot_general3A_718 : vector<1x512xf32> to vector<512x512xf32>
    %add3A_723 = arith.addf %add3A_721, %add3A_722 : vector<512x512xf32>
    %gt3A_724 = arith.constant 0.000000e+00 : f32
    %gt3A_725 = vector.broadcast %gt3A_724 : f32 to vector<512x512xf32>
    %gt3A_726 = arith.cmpf ogt, %add3A_723, %gt3A_725 : vector<512x512xf32>
    %mul3A_727 = arith.constant 2.000000e-01 : f32
    %mul3A_728 = vector.broadcast %mul3A_727 : f32 to vector<512x512xf32>
    %mul3A_729 = arith.mulf %mul3A_728, %add3A_723 : vector<512x512xf32>
    %select_n3A_730 = arith.select %gt3A_726, %add3A_723, %mul3A_729 : vector<512x512xi1>, vector<512x512xf32>
    %reduce_max3A_731 = arith.constant dense<0xFF800000> : vector<512xf32>
    %reduce_max3A_732 = vector.multi_reduction <maximumf>, %select_n3A_730, %reduce_max3A_731 [1] : vector<512x512xf32> to vector<512xf32>
    %broadcast_in_dim3A_733 = vector.shape_cast %reduce_max3A_732 : vector<512xf32> to vector<512x1xf32>
    %sub3A_734 = vector.broadcast %broadcast_in_dim3A_733 : vector<512x1xf32> to vector<512x512xf32>
    %sub3A_735 = arith.subf %select_n3A_730, %sub3A_734 : vector<512x512xf32>
    %exp3A_736 = math.exp %sub3A_735 : vector<512x512xf32>
    %reduce_sum3A_737 = arith.constant dense<0.000000e+00> : vector<512xf32>
    %reduce_sum3A_738 = vector.multi_reduction <add>, %exp3A_736, %reduce_sum3A_737 [1] : vector<512x512xf32> to vector<512xf32>
    %broadcast_in_dim3A_739 = vector.shape_cast %reduce_sum3A_738 : vector<512xf32> to vector<512x1xf32>
    %convert_element_type3A_740 = arith.truncf %exp3A_736 : vector<512x512xf32> to vector<512x512xbf16>
    %convert_element_type3A_741 = arith.truncf %slice3A_714 : vector<512x32xf32> to vector<512x32xbf16>
    %dot_general3A_742 = arith.constant dense<0.000000e+00> : vector<512x32xf32>
    %dot_general3A_743 = tpu.matmul %convert_element_type3A_740, %convert_element_type3A_741, %dot_general3A_742 {dimension_numbers = #tpu.dot_dimension_numbers<[1], [0], [0], [1], [0, 0, 1, 1], [], []>, transpose_lhs_hint = false} : vector<512x512xbf16>, vector<512x32xbf16>, vector<512x32xf32> -> vector<512x32xf32>
    %div3A_744 = vector.broadcast %broadcast_in_dim3A_739 : vector<512x1xf32> to vector<512x32xf32>
    %div3A_745 = arith.divf %dot_general3A_743, %div3A_744 : vector<512x32xf32>
    %slice3A_746 = vector.extract_strided_slice %dot_general3A_681 {offsets = [0, 64], sizes = [512, 32], strides = [1, 1]} : vector<512x128xf32> to vector<512x32xf32>
    %slice3A_747 = vector.extract_strided_slice %get3A_172 {offsets = [0, 64], sizes = [1, 32], strides = [1, 1]} : vector<1x128xf32> to vector<1x32xf32>
    %slice3A_748 = vector.extract_strided_slice %get3A_175 {offsets = [0, 64], sizes = [1, 32], strides = [1, 1]} : vector<1x128xf32> to vector<1x32xf32>
    %dot_general3A_749 = arith.constant dense<0.000000e+00> : vector<1x512xf32>
    %dot_general3A_750 = tpu.matmul %slice3A_747, %slice3A_746, %dot_general3A_749 {dimension_numbers = #tpu.dot_dimension_numbers<[1], [1], [0], [0], [0, 0, 1, 0], [], []>, precision = #tpu.contract_precision<fp32>, transpose_lhs_hint = false} : vector<1x32xf32>, vector<512x32xf32>, vector<1x512xf32> -> vector<1x512xf32>
    %dot_general3A_751 = arith.constant dense<0.000000e+00> : vector<512x1xf32>
    %dot_general3A_752 = tpu.matmul %slice3A_746, %slice3A_748, %dot_general3A_751 {dimension_numbers = #tpu.dot_dimension_numbers<[1], [1], [0], [0], [0, 0, 1, 0], [], []>, precision = #tpu.contract_precision<fp32>, transpose_lhs_hint = false} : vector<512x32xf32>, vector<1x32xf32>, vector<512x1xf32> -> vector<512x1xf32>
    %add3A_753 = vector.broadcast %dot_general3A_752 : vector<512x1xf32> to vector<512x512xf32>
    %add3A_754 = vector.broadcast %dot_general3A_750 : vector<1x512xf32> to vector<512x512xf32>
    %add3A_755 = arith.addf %add3A_753, %add3A_754 : vector<512x512xf32>
    %gt3A_756 = arith.constant 0.000000e+00 : f32
    %gt3A_757 = vector.broadcast %gt3A_756 : f32 to vector<512x512xf32>
    %gt3A_758 = arith.cmpf ogt, %add3A_755, %gt3A_757 : vector<512x512xf32>
    %mul3A_759 = arith.constant 2.000000e-01 : f32
    %mul3A_760 = vector.broadcast %mul3A_759 : f32 to vector<512x512xf32>
    %mul3A_761 = arith.mulf %mul3A_760, %add3A_755 : vector<512x512xf32>
    %select_n3A_762 = arith.select %gt3A_758, %add3A_755, %mul3A_761 : vector<512x512xi1>, vector<512x512xf32>
    %reduce_max3A_763 = arith.constant dense<0xFF800000> : vector<512xf32>
    %reduce_max3A_764 = vector.multi_reduction <maximumf>, %select_n3A_762, %reduce_max3A_763 [1] : vector<512x512xf32> to vector<512xf32>
    %broadcast_in_dim3A_765 = vector.shape_cast %reduce_max3A_764 : vector<512xf32> to vector<512x1xf32>
    %sub3A_766 = vector.broadcast %broadcast_in_dim3A_765 : vector<512x1xf32> to vector<512x512xf32>
    %sub3A_767 = arith.subf %select_n3A_762, %sub3A_766 : vector<512x512xf32>
    %exp3A_768 = math.exp %sub3A_767 : vector<512x512xf32>
    %reduce_sum3A_769 = arith.constant dense<0.000000e+00> : vector<512xf32>
    %reduce_sum3A_770 = vector.multi_reduction <add>, %exp3A_768, %reduce_sum3A_769 [1] : vector<512x512xf32> to vector<512xf32>
    %broadcast_in_dim3A_771 = vector.shape_cast %reduce_sum3A_770 : vector<512xf32> to vector<512x1xf32>
    %convert_element_type3A_772 = arith.truncf %exp3A_768 : vector<512x512xf32> to vector<512x512xbf16>
    %convert_element_type3A_773 = arith.truncf %slice3A_746 : vector<512x32xf32> to vector<512x32xbf16>
    %dot_general3A_774 = arith.constant dense<0.000000e+00> : vector<512x32xf32>
    %dot_general3A_775 = tpu.matmul %convert_element_type3A_772, %convert_element_type3A_773, %dot_general3A_774 {dimension_numbers = #tpu.dot_dimension_numbers<[1], [0], [0], [1], [0, 0, 1, 1], [], []>, transpose_lhs_hint = false} : vector<512x512xbf16>, vector<512x32xbf16>, vector<512x32xf32> -> vector<512x32xf32>
    %div3A_776 = vector.broadcast %broadcast_in_dim3A_771 : vector<512x1xf32> to vector<512x32xf32>
    %div3A_777 = arith.divf %dot_general3A_775, %div3A_776 : vector<512x32xf32>
    %slice3A_778 = vector.extract_strided_slice %dot_general3A_681 {offsets = [0, 96], sizes = [512, 32], strides = [1, 1]} : vector<512x128xf32> to vector<512x32xf32>
    %slice3A_779 = vector.extract_strided_slice %get3A_172 {offsets = [0, 96], sizes = [1, 32], strides = [1, 1]} : vector<1x128xf32> to vector<1x32xf32>
    %slice3A_780 = vector.extract_strided_slice %get3A_175 {offsets = [0, 96], sizes = [1, 32], strides = [1, 1]} : vector<1x128xf32> to vector<1x32xf32>
    %dot_general3A_781 = arith.constant dense<0.000000e+00> : vector<1x512xf32>
    %dot_general3A_782 = tpu.matmul %slice3A_779, %slice3A_778, %dot_general3A_781 {dimension_numbers = #tpu.dot_dimension_numbers<[1], [1], [0], [0], [0, 0, 1, 0], [], []>, precision = #tpu.contract_precision<fp32>, transpose_lhs_hint = false} : vector<1x32xf32>, vector<512x32xf32>, vector<1x512xf32> -> vector<1x512xf32>
    %dot_general3A_783 = arith.constant dense<0.000000e+00> : vector<512x1xf32>
    %dot_general3A_784 = tpu.matmul %slice3A_778, %slice3A_780, %dot_general3A_783 {dimension_numbers = #tpu.dot_dimension_numbers<[1], [1], [0], [0], [0, 0, 1, 0], [], []>, precision = #tpu.contract_precision<fp32>, transpose_lhs_hint = false} : vector<512x32xf32>, vector<1x32xf32>, vector<512x1xf32> -> vector<512x1xf32>
    %add3A_785 = vector.broadcast %dot_general3A_784 : vector<512x1xf32> to vector<512x512xf32>
    %add3A_786 = vector.broadcast %dot_general3A_782 : vector<1x512xf32> to vector<512x512xf32>
    %add3A_787 = arith.addf %add3A_785, %add3A_786 : vector<512x512xf32>
    %gt3A_788 = arith.constant 0.000000e+00 : f32
    %gt3A_789 = vector.broadcast %gt3A_788 : f32 to vector<512x512xf32>
    %gt3A_790 = arith.cmpf ogt, %add3A_787, %gt3A_789 : vector<512x512xf32>
    %mul3A_791 = arith.constant 2.000000e-01 : f32
    %mul3A_792 = vector.broadcast %mul3A_791 : f32 to vector<512x512xf32>
    %mul3A_793 = arith.mulf %mul3A_792, %add3A_787 : vector<512x512xf32>
    %select_n3A_794 = arith.select %gt3A_790, %add3A_787, %mul3A_793 : vector<512x512xi1>, vector<512x512xf32>
    %reduce_max3A_795 = arith.constant dense<0xFF800000> : vector<512xf32>
    %reduce_max3A_796 = vector.multi_reduction <maximumf>, %select_n3A_794, %reduce_max3A_795 [1] : vector<512x512xf32> to vector<512xf32>
    %broadcast_in_dim3A_797 = vector.shape_cast %reduce_max3A_796 : vector<512xf32> to vector<512x1xf32>
    %sub3A_798 = vector.broadcast %broadcast_in_dim3A_797 : vector<512x1xf32> to vector<512x512xf32>
    %sub3A_799 = arith.subf %select_n3A_794, %sub3A_798 : vector<512x512xf32>
    %exp3A_800 = math.exp %sub3A_799 : vector<512x512xf32>
    %reduce_sum3A_801 = arith.constant dense<0.000000e+00> : vector<512xf32>
    %reduce_sum3A_802 = vector.multi_reduction <add>, %exp3A_800, %reduce_sum3A_801 [1] : vector<512x512xf32> to vector<512xf32>
    %broadcast_in_dim3A_803 = vector.shape_cast %reduce_sum3A_802 : vector<512xf32> to vector<512x1xf32>
    %convert_element_type3A_804 = arith.truncf %exp3A_800 : vector<512x512xf32> to vector<512x512xbf16>
    %convert_element_type3A_805 = arith.truncf %slice3A_778 : vector<512x32xf32> to vector<512x32xbf16>
    %dot_general3A_806 = arith.constant dense<0.000000e+00> : vector<512x32xf32>
    %dot_general3A_807 = tpu.matmul %convert_element_type3A_804, %convert_element_type3A_805, %dot_general3A_806 {dimension_numbers = #tpu.dot_dimension_numbers<[1], [0], [0], [1], [0, 0, 1, 1], [], []>, transpose_lhs_hint = false} : vector<512x512xbf16>, vector<512x32xbf16>, vector<512x32xf32> -> vector<512x32xf32>
    %div3A_808 = vector.broadcast %broadcast_in_dim3A_803 : vector<512x1xf32> to vector<512x32xf32>
    %div3A_809 = arith.divf %dot_general3A_807, %div3A_808 : vector<512x32xf32>
    %concatenate3A_810 = tpu.concatenate %div3A_713, %div3A_745, %div3A_777, %div3A_809 in 1 : vector<512x32xf32>, vector<512x32xf32>, vector<512x32xf32>, vector<512x32xf32> -> vector<512x128xf32>
    %add3A_811 = vector.broadcast %get3A_178 : vector<1x128xf32> to vector<512x128xf32>
    %add3A_812 = arith.addf %concatenate3A_810, %add3A_811 : vector<512x128xf32>
    %add3A_813 = arith.addf %add3A_812, %add3A_473 : vector<512x128xf32>
    %convert_element_type3A_814 = arith.truncf %add3A_813 : vector<512x128xf32> to vector<512x128xbf16>
    %convert_element_type3A_815 = arith.truncf %get3A_181 : vector<128x128xf32> to vector<128x128xbf16>
    %dot_general3A_816 = arith.constant dense<0.000000e+00> : vector<512x128xf32>
    %dot_general3A_817 = tpu.matmul %convert_element_type3A_814, %convert_element_type3A_815, %dot_general3A_816 {dimension_numbers = #tpu.dot_dimension_numbers<[1], [0], [0], [1], [0, 0, 1, 1], [], []>, transpose_lhs_hint = false} : vector<512x128xbf16>, vector<128x128xbf16>, vector<512x128xf32> -> vector<512x128xf32>
    %gt3A_818 = arith.constant 0.000000e+00 : f32
    %gt3A_819 = vector.broadcast %gt3A_818 : f32 to vector<512x512xf32>
    %gt3A_820 = arith.cmpf ogt, %get3A_193, %gt3A_819 : vector<512x512xf32>
    %jit3A_821 = arith.constant 0.000000e+00 : f32
    %jit3A_822 = arith.constant 0xFF800000 : f32
    %broadcast_in_dim3A_823 = vector.broadcast %jit3A_821 : f32 to vector<512x512xf32>
    %broadcast_in_dim3A_824 = vector.broadcast %jit3A_822 : f32 to vector<512x512xf32>
    %select_n3A_825 = arith.select %gt3A_820, %broadcast_in_dim3A_823, %broadcast_in_dim3A_824 : vector<512x512xi1>, vector<512x512xf32>
    %slice3A_826 = vector.extract_strided_slice %dot_general3A_817 {offsets = [0, 0], sizes = [512, 32], strides = [1, 1]} : vector<512x128xf32> to vector<512x32xf32>
    %slice3A_827 = vector.extract_strided_slice %get3A_184 {offsets = [0, 0], sizes = [1, 32], strides = [1, 1]} : vector<1x128xf32> to vector<1x32xf32>
    %slice3A_828 = vector.extract_strided_slice %get3A_187 {offsets = [0, 0], sizes = [1, 32], strides = [1, 1]} : vector<1x128xf32> to vector<1x32xf32>
    %dot_general3A_829 = arith.constant dense<0.000000e+00> : vector<1x512xf32>
    %dot_general3A_830 = tpu.matmul %slice3A_827, %slice3A_826, %dot_general3A_829 {dimension_numbers = #tpu.dot_dimension_numbers<[1], [1], [0], [0], [0, 0, 1, 0], [], []>, precision = #tpu.contract_precision<fp32>, transpose_lhs_hint = false} : vector<1x32xf32>, vector<512x32xf32>, vector<1x512xf32> -> vector<1x512xf32>
    %dot_general3A_831 = arith.constant dense<0.000000e+00> : vector<512x1xf32>
    %dot_general3A_832 = tpu.matmul %slice3A_826, %slice3A_828, %dot_general3A_831 {dimension_numbers = #tpu.dot_dimension_numbers<[1], [1], [0], [0], [0, 0, 1, 0], [], []>, precision = #tpu.contract_precision<fp32>, transpose_lhs_hint = false} : vector<512x32xf32>, vector<1x32xf32>, vector<512x1xf32> -> vector<512x1xf32>
    %add3A_833 = vector.broadcast %dot_general3A_832 : vector<512x1xf32> to vector<512x512xf32>
    %add3A_834 = vector.broadcast %dot_general3A_830 : vector<1x512xf32> to vector<512x512xf32>
    %add3A_835 = arith.addf %add3A_833, %add3A_834 : vector<512x512xf32>
    %gt3A_836 = arith.constant 0.000000e+00 : f32
    %gt3A_837 = vector.broadcast %gt3A_836 : f32 to vector<512x512xf32>
    %gt3A_838 = arith.cmpf ogt, %add3A_835, %gt3A_837 : vector<512x512xf32>
    %mul3A_839 = arith.constant 2.000000e-01 : f32
    %mul3A_840 = vector.broadcast %mul3A_839 : f32 to vector<512x512xf32>
    %mul3A_841 = arith.mulf %mul3A_840, %add3A_835 : vector<512x512xf32>
    %select_n3A_842 = arith.select %gt3A_838, %add3A_835, %mul3A_841 : vector<512x512xi1>, vector<512x512xf32>
    %add3A_843 = arith.addf %select_n3A_842, %select_n3A_825 : vector<512x512xf32>
    %reduce_max3A_844 = arith.constant dense<0xFF800000> : vector<512xf32>
    %reduce_max3A_845 = vector.multi_reduction <maximumf>, %add3A_843, %reduce_max3A_844 [1] : vector<512x512xf32> to vector<512xf32>
    %broadcast_in_dim3A_846 = vector.shape_cast %reduce_max3A_845 : vector<512xf32> to vector<512x1xf32>
    %gt3A_847 = arith.constant -9.99999968E+37 : f32
    %gt3A_848 = vector.broadcast %gt3A_847 : f32 to vector<512x1xf32>
    %gt3A_849 = arith.cmpf ogt, %broadcast_in_dim3A_846, %gt3A_848 : vector<512x1xf32>
    %jit3A_850 = arith.constant 0.000000e+00 : f32
    %broadcast_in_dim3A_851 = vector.broadcast %jit3A_850 : f32 to vector<512x1xf32>
    %select_n3A_852 = arith.select %gt3A_849, %broadcast_in_dim3A_846, %broadcast_in_dim3A_851 : vector<512x1xi1>, vector<512x1xf32>
    %sub3A_853 = vector.broadcast %select_n3A_852 : vector<512x1xf32> to vector<512x512xf32>
    %sub3A_854 = arith.subf %select_n3A_842, %sub3A_853 : vector<512x512xf32>
    %min3A_855 = arith.constant 0.000000e+00 : f32
    %min3A_856 = vector.broadcast %min3A_855 : f32 to vector<512x512xf32>
    %min3A_857 = arith.minimumf %sub3A_854, %min3A_856 : vector<512x512xf32>
    %exp3A_858 = math.exp %min3A_857 : vector<512x512xf32>
    %mul3A_859 = arith.mulf %get3A_193, %exp3A_858 : vector<512x512xf32>
    %reduce_sum3A_860 = arith.constant dense<0.000000e+00> : vector<512xf32>
    %reduce_sum3A_861 = vector.multi_reduction <add>, %mul3A_859, %reduce_sum3A_860 [1] : vector<512x512xf32> to vector<512xf32>
    %broadcast_in_dim3A_862 = vector.shape_cast %reduce_sum3A_861 : vector<512xf32> to vector<512x1xf32>
    %dot_general3A_863 = arith.constant dense<0.000000e+00> : vector<512x32xf32>
    %dot_general3A_864 = tpu.matmul %mul3A_859, %slice3A_826, %dot_general3A_863 {dimension_numbers = #tpu.dot_dimension_numbers<[1], [0], [0], [1], [0, 0, 1, 1], [], []>, precision = #tpu.contract_precision<fp32>, transpose_lhs_hint = false} : vector<512x512xf32>, vector<512x32xf32>, vector<512x32xf32> -> vector<512x32xf32>
    %add3A_865 = arith.constant 9.99999971E-10 : f32
    %add3A_866 = vector.broadcast %add3A_865 : f32 to vector<512x1xf32>
    %add3A_867 = arith.addf %broadcast_in_dim3A_862, %add3A_866 : vector<512x1xf32>
    %div3A_868 = vector.broadcast %add3A_867 : vector<512x1xf32> to vector<512x32xf32>
    %div3A_869 = arith.divf %dot_general3A_864, %div3A_868 : vector<512x32xf32>
    %slice3A_870 = vector.extract_strided_slice %dot_general3A_817 {offsets = [0, 32], sizes = [512, 32], strides = [1, 1]} : vector<512x128xf32> to vector<512x32xf32>
    %slice3A_871 = vector.extract_strided_slice %get3A_184 {offsets = [0, 32], sizes = [1, 32], strides = [1, 1]} : vector<1x128xf32> to vector<1x32xf32>
    %slice3A_872 = vector.extract_strided_slice %get3A_187 {offsets = [0, 32], sizes = [1, 32], strides = [1, 1]} : vector<1x128xf32> to vector<1x32xf32>
    %dot_general3A_873 = arith.constant dense<0.000000e+00> : vector<1x512xf32>
    %dot_general3A_874 = tpu.matmul %slice3A_871, %slice3A_870, %dot_general3A_873 {dimension_numbers = #tpu.dot_dimension_numbers<[1], [1], [0], [0], [0, 0, 1, 0], [], []>, precision = #tpu.contract_precision<fp32>, transpose_lhs_hint = false} : vector<1x32xf32>, vector<512x32xf32>, vector<1x512xf32> -> vector<1x512xf32>
    %dot_general3A_875 = arith.constant dense<0.000000e+00> : vector<512x1xf32>
    %dot_general3A_876 = tpu.matmul %slice3A_870, %slice3A_872, %dot_general3A_875 {dimension_numbers = #tpu.dot_dimension_numbers<[1], [1], [0], [0], [0, 0, 1, 0], [], []>, precision = #tpu.contract_precision<fp32>, transpose_lhs_hint = false} : vector<512x32xf32>, vector<1x32xf32>, vector<512x1xf32> -> vector<512x1xf32>
    %add3A_877 = vector.broadcast %dot_general3A_876 : vector<512x1xf32> to vector<512x512xf32>
    %add3A_878 = vector.broadcast %dot_general3A_874 : vector<1x512xf32> to vector<512x512xf32>
    %add3A_879 = arith.addf %add3A_877, %add3A_878 : vector<512x512xf32>
    %gt3A_880 = arith.constant 0.000000e+00 : f32
    %gt3A_881 = vector.broadcast %gt3A_880 : f32 to vector<512x512xf32>
    %gt3A_882 = arith.cmpf ogt, %add3A_879, %gt3A_881 : vector<512x512xf32>
    %mul3A_883 = arith.constant 2.000000e-01 : f32
    %mul3A_884 = vector.broadcast %mul3A_883 : f32 to vector<512x512xf32>
    %mul3A_885 = arith.mulf %mul3A_884, %add3A_879 : vector<512x512xf32>
    %select_n3A_886 = arith.select %gt3A_882, %add3A_879, %mul3A_885 : vector<512x512xi1>, vector<512x512xf32>
    %add3A_887 = arith.addf %select_n3A_886, %select_n3A_825 : vector<512x512xf32>
    %reduce_max3A_888 = arith.constant dense<0xFF800000> : vector<512xf32>
    %reduce_max3A_889 = vector.multi_reduction <maximumf>, %add3A_887, %reduce_max3A_888 [1] : vector<512x512xf32> to vector<512xf32>
    %broadcast_in_dim3A_890 = vector.shape_cast %reduce_max3A_889 : vector<512xf32> to vector<512x1xf32>
    %gt3A_891 = arith.constant -9.99999968E+37 : f32
    %gt3A_892 = vector.broadcast %gt3A_891 : f32 to vector<512x1xf32>
    %gt3A_893 = arith.cmpf ogt, %broadcast_in_dim3A_890, %gt3A_892 : vector<512x1xf32>
    %jit3A_894 = arith.constant 0.000000e+00 : f32
    %broadcast_in_dim3A_895 = vector.broadcast %jit3A_894 : f32 to vector<512x1xf32>
    %select_n3A_896 = arith.select %gt3A_893, %broadcast_in_dim3A_890, %broadcast_in_dim3A_895 : vector<512x1xi1>, vector<512x1xf32>
    %sub3A_897 = vector.broadcast %select_n3A_896 : vector<512x1xf32> to vector<512x512xf32>
    %sub3A_898 = arith.subf %select_n3A_886, %sub3A_897 : vector<512x512xf32>
    %min3A_899 = arith.constant 0.000000e+00 : f32
    %min3A_900 = vector.broadcast %min3A_899 : f32 to vector<512x512xf32>
    %min3A_901 = arith.minimumf %sub3A_898, %min3A_900 : vector<512x512xf32>
    %exp3A_902 = math.exp %min3A_901 : vector<512x512xf32>
    %mul3A_903 = arith.mulf %get3A_193, %exp3A_902 : vector<512x512xf32>
    %reduce_sum3A_904 = arith.constant dense<0.000000e+00> : vector<512xf32>
    %reduce_sum3A_905 = vector.multi_reduction <add>, %mul3A_903, %reduce_sum3A_904 [1] : vector<512x512xf32> to vector<512xf32>
    %broadcast_in_dim3A_906 = vector.shape_cast %reduce_sum3A_905 : vector<512xf32> to vector<512x1xf32>
    %dot_general3A_907 = arith.constant dense<0.000000e+00> : vector<512x32xf32>
    %dot_general3A_908 = tpu.matmul %mul3A_903, %slice3A_870, %dot_general3A_907 {dimension_numbers = #tpu.dot_dimension_numbers<[1], [0], [0], [1], [0, 0, 1, 1], [], []>, precision = #tpu.contract_precision<fp32>, transpose_lhs_hint = false} : vector<512x512xf32>, vector<512x32xf32>, vector<512x32xf32> -> vector<512x32xf32>
    %add3A_909 = arith.constant 9.99999971E-10 : f32
    %add3A_910 = vector.broadcast %add3A_909 : f32 to vector<512x1xf32>
    %add3A_911 = arith.addf %broadcast_in_dim3A_906, %add3A_910 : vector<512x1xf32>
    %div3A_912 = vector.broadcast %add3A_911 : vector<512x1xf32> to vector<512x32xf32>
    %div3A_913 = arith.divf %dot_general3A_908, %div3A_912 : vector<512x32xf32>
    %slice3A_914 = vector.extract_strided_slice %dot_general3A_817 {offsets = [0, 64], sizes = [512, 32], strides = [1, 1]} : vector<512x128xf32> to vector<512x32xf32>
    %slice3A_915 = vector.extract_strided_slice %get3A_184 {offsets = [0, 64], sizes = [1, 32], strides = [1, 1]} : vector<1x128xf32> to vector<1x32xf32>
    %slice3A_916 = vector.extract_strided_slice %get3A_187 {offsets = [0, 64], sizes = [1, 32], strides = [1, 1]} : vector<1x128xf32> to vector<1x32xf32>
    %dot_general3A_917 = arith.constant dense<0.000000e+00> : vector<1x512xf32>
    %dot_general3A_918 = tpu.matmul %slice3A_915, %slice3A_914, %dot_general3A_917 {dimension_numbers = #tpu.dot_dimension_numbers<[1], [1], [0], [0], [0, 0, 1, 0], [], []>, precision = #tpu.contract_precision<fp32>, transpose_lhs_hint = false} : vector<1x32xf32>, vector<512x32xf32>, vector<1x512xf32> -> vector<1x512xf32>
    %dot_general3A_919 = arith.constant dense<0.000000e+00> : vector<512x1xf32>
    %dot_general3A_920 = tpu.matmul %slice3A_914, %slice3A_916, %dot_general3A_919 {dimension_numbers = #tpu.dot_dimension_numbers<[1], [1], [0], [0], [0, 0, 1, 0], [], []>, precision = #tpu.contract_precision<fp32>, transpose_lhs_hint = false} : vector<512x32xf32>, vector<1x32xf32>, vector<512x1xf32> -> vector<512x1xf32>
    %add3A_921 = vector.broadcast %dot_general3A_920 : vector<512x1xf32> to vector<512x512xf32>
    %add3A_922 = vector.broadcast %dot_general3A_918 : vector<1x512xf32> to vector<512x512xf32>
    %add3A_923 = arith.addf %add3A_921, %add3A_922 : vector<512x512xf32>
    %gt3A_924 = arith.constant 0.000000e+00 : f32
    %gt3A_925 = vector.broadcast %gt3A_924 : f32 to vector<512x512xf32>
    %gt3A_926 = arith.cmpf ogt, %add3A_923, %gt3A_925 : vector<512x512xf32>
    %mul3A_927 = arith.constant 2.000000e-01 : f32
    %mul3A_928 = vector.broadcast %mul3A_927 : f32 to vector<512x512xf32>
    %mul3A_929 = arith.mulf %mul3A_928, %add3A_923 : vector<512x512xf32>
    %select_n3A_930 = arith.select %gt3A_926, %add3A_923, %mul3A_929 : vector<512x512xi1>, vector<512x512xf32>
    %add3A_931 = arith.addf %select_n3A_930, %select_n3A_825 : vector<512x512xf32>
    %reduce_max3A_932 = arith.constant dense<0xFF800000> : vector<512xf32>
    %reduce_max3A_933 = vector.multi_reduction <maximumf>, %add3A_931, %reduce_max3A_932 [1] : vector<512x512xf32> to vector<512xf32>
    %broadcast_in_dim3A_934 = vector.shape_cast %reduce_max3A_933 : vector<512xf32> to vector<512x1xf32>
    %gt3A_935 = arith.constant -9.99999968E+37 : f32
    %gt3A_936 = vector.broadcast %gt3A_935 : f32 to vector<512x1xf32>
    %gt3A_937 = arith.cmpf ogt, %broadcast_in_dim3A_934, %gt3A_936 : vector<512x1xf32>
    %jit3A_938 = arith.constant 0.000000e+00 : f32
    %broadcast_in_dim3A_939 = vector.broadcast %jit3A_938 : f32 to vector<512x1xf32>
    %select_n3A_940 = arith.select %gt3A_937, %broadcast_in_dim3A_934, %broadcast_in_dim3A_939 : vector<512x1xi1>, vector<512x1xf32>
    %sub3A_941 = vector.broadcast %select_n3A_940 : vector<512x1xf32> to vector<512x512xf32>
    %sub3A_942 = arith.subf %select_n3A_930, %sub3A_941 : vector<512x512xf32>
    %min3A_943 = arith.constant 0.000000e+00 : f32
    %min3A_944 = vector.broadcast %min3A_943 : f32 to vector<512x512xf32>
    %min3A_945 = arith.minimumf %sub3A_942, %min3A_944 : vector<512x512xf32>
    %exp3A_946 = math.exp %min3A_945 : vector<512x512xf32>
    %mul3A_947 = arith.mulf %get3A_193, %exp3A_946 : vector<512x512xf32>
    %reduce_sum3A_948 = arith.constant dense<0.000000e+00> : vector<512xf32>
    %reduce_sum3A_949 = vector.multi_reduction <add>, %mul3A_947, %reduce_sum3A_948 [1] : vector<512x512xf32> to vector<512xf32>
    %broadcast_in_dim3A_950 = vector.shape_cast %reduce_sum3A_949 : vector<512xf32> to vector<512x1xf32>
    %dot_general3A_951 = arith.constant dense<0.000000e+00> : vector<512x32xf32>
    %dot_general3A_952 = tpu.matmul %mul3A_947, %slice3A_914, %dot_general3A_951 {dimension_numbers = #tpu.dot_dimension_numbers<[1], [0], [0], [1], [0, 0, 1, 1], [], []>, precision = #tpu.contract_precision<fp32>, transpose_lhs_hint = false} : vector<512x512xf32>, vector<512x32xf32>, vector<512x32xf32> -> vector<512x32xf32>
    %add3A_953 = arith.constant 9.99999971E-10 : f32
    %add3A_954 = vector.broadcast %add3A_953 : f32 to vector<512x1xf32>
    %add3A_955 = arith.addf %broadcast_in_dim3A_950, %add3A_954 : vector<512x1xf32>
    %div3A_956 = vector.broadcast %add3A_955 : vector<512x1xf32> to vector<512x32xf32>
    %div3A_957 = arith.divf %dot_general3A_952, %div3A_956 : vector<512x32xf32>
    %slice3A_958 = vector.extract_strided_slice %dot_general3A_817 {offsets = [0, 96], sizes = [512, 32], strides = [1, 1]} : vector<512x128xf32> to vector<512x32xf32>
    %slice3A_959 = vector.extract_strided_slice %get3A_184 {offsets = [0, 96], sizes = [1, 32], strides = [1, 1]} : vector<1x128xf32> to vector<1x32xf32>
    %slice3A_960 = vector.extract_strided_slice %get3A_187 {offsets = [0, 96], sizes = [1, 32], strides = [1, 1]} : vector<1x128xf32> to vector<1x32xf32>
    %dot_general3A_961 = arith.constant dense<0.000000e+00> : vector<1x512xf32>
    %dot_general3A_962 = tpu.matmul %slice3A_959, %slice3A_958, %dot_general3A_961 {dimension_numbers = #tpu.dot_dimension_numbers<[1], [1], [0], [0], [0, 0, 1, 0], [], []>, precision = #tpu.contract_precision<fp32>, transpose_lhs_hint = false} : vector<1x32xf32>, vector<512x32xf32>, vector<1x512xf32> -> vector<1x512xf32>
    %dot_general3A_963 = arith.constant dense<0.000000e+00> : vector<512x1xf32>
    %dot_general3A_964 = tpu.matmul %slice3A_958, %slice3A_960, %dot_general3A_963 {dimension_numbers = #tpu.dot_dimension_numbers<[1], [1], [0], [0], [0, 0, 1, 0], [], []>, precision = #tpu.contract_precision<fp32>, transpose_lhs_hint = false} : vector<512x32xf32>, vector<1x32xf32>, vector<512x1xf32> -> vector<512x1xf32>
    %add3A_965 = vector.broadcast %dot_general3A_964 : vector<512x1xf32> to vector<512x512xf32>
    %add3A_966 = vector.broadcast %dot_general3A_962 : vector<1x512xf32> to vector<512x512xf32>
    %add3A_967 = arith.addf %add3A_965, %add3A_966 : vector<512x512xf32>
    %gt3A_968 = arith.constant 0.000000e+00 : f32
    %gt3A_969 = vector.broadcast %gt3A_968 : f32 to vector<512x512xf32>
    %gt3A_970 = arith.cmpf ogt, %add3A_967, %gt3A_969 : vector<512x512xf32>
    %mul3A_971 = arith.constant 2.000000e-01 : f32
    %mul3A_972 = vector.broadcast %mul3A_971 : f32 to vector<512x512xf32>
    %mul3A_973 = arith.mulf %mul3A_972, %add3A_967 : vector<512x512xf32>
    %select_n3A_974 = arith.select %gt3A_970, %add3A_967, %mul3A_973 : vector<512x512xi1>, vector<512x512xf32>
    %add3A_975 = arith.addf %select_n3A_974, %select_n3A_825 : vector<512x512xf32>
    %reduce_max3A_976 = arith.constant dense<0xFF800000> : vector<512xf32>
    %reduce_max3A_977 = vector.multi_reduction <maximumf>, %add3A_975, %reduce_max3A_976 [1] : vector<512x512xf32> to vector<512xf32>
    %broadcast_in_dim3A_978 = vector.shape_cast %reduce_max3A_977 : vector<512xf32> to vector<512x1xf32>
    %gt3A_979 = arith.constant -9.99999968E+37 : f32
    %gt3A_980 = vector.broadcast %gt3A_979 : f32 to vector<512x1xf32>
    %gt3A_981 = arith.cmpf ogt, %broadcast_in_dim3A_978, %gt3A_980 : vector<512x1xf32>
    %jit3A_982 = arith.constant 0.000000e+00 : f32
    %broadcast_in_dim3A_983 = vector.broadcast %jit3A_982 : f32 to vector<512x1xf32>
    %select_n3A_984 = arith.select %gt3A_981, %broadcast_in_dim3A_978, %broadcast_in_dim3A_983 : vector<512x1xi1>, vector<512x1xf32>
    %sub3A_985 = vector.broadcast %select_n3A_984 : vector<512x1xf32> to vector<512x512xf32>
    %sub3A_986 = arith.subf %select_n3A_974, %sub3A_985 : vector<512x512xf32>
    %min3A_987 = arith.constant 0.000000e+00 : f32
    %min3A_988 = vector.broadcast %min3A_987 : f32 to vector<512x512xf32>
    %min3A_989 = arith.minimumf %sub3A_986, %min3A_988 : vector<512x512xf32>
    %exp3A_990 = math.exp %min3A_989 : vector<512x512xf32>
    %mul3A_991 = arith.mulf %get3A_193, %exp3A_990 : vector<512x512xf32>
    %reduce_sum3A_992 = arith.constant dense<0.000000e+00> : vector<512xf32>
    %reduce_sum3A_993 = vector.multi_reduction <add>, %mul3A_991, %reduce_sum3A_992 [1] : vector<512x512xf32> to vector<512xf32>
    %broadcast_in_dim3A_994 = vector.shape_cast %reduce_sum3A_993 : vector<512xf32> to vector<512x1xf32>
    %dot_general3A_995 = arith.constant dense<0.000000e+00> : vector<512x32xf32>
    %dot_general3A_996 = tpu.matmul %mul3A_991, %slice3A_958, %dot_general3A_995 {dimension_numbers = #tpu.dot_dimension_numbers<[1], [0], [0], [1], [0, 0, 1, 1], [], []>, precision = #tpu.contract_precision<fp32>, transpose_lhs_hint = false} : vector<512x512xf32>, vector<512x32xf32>, vector<512x32xf32> -> vector<512x32xf32>
    %add3A_997 = arith.constant 9.99999971E-10 : f32
    %add3A_998 = vector.broadcast %add3A_997 : f32 to vector<512x1xf32>
    %add3A_999 = arith.addf %broadcast_in_dim3A_994, %add3A_998 : vector<512x1xf32>
    %div3A_1000 = vector.broadcast %add3A_999 : vector<512x1xf32> to vector<512x32xf32>
    %div3A_1001 = arith.divf %dot_general3A_996, %div3A_1000 : vector<512x32xf32>
    %concatenate3A_1002 = tpu.concatenate %div3A_869, %div3A_913, %div3A_957, %div3A_1001 in 1 : vector<512x32xf32>, vector<512x32xf32>, vector<512x32xf32>, vector<512x32xf32> -> vector<512x128xf32>
    %add3A_1003 = vector.broadcast %get3A_190 : vector<1x128xf32> to vector<512x128xf32>
    %add3A_1004 = arith.addf %concatenate3A_1002, %add3A_1003 : vector<512x128xf32>
    %convert_element_type3A_1005 = arith.truncf %add3A_813 : vector<512x128xf32> to vector<512x128xbf16>
    %convert_element_type3A_1006 = arith.truncf %get3A_181 : vector<128x128xf32> to vector<128x128xbf16>
    %dot_general3A_1007 = arith.constant dense<0.000000e+00> : vector<512x128xf32>
    %dot_general3A_1008 = tpu.matmul %convert_element_type3A_1005, %convert_element_type3A_1006, %dot_general3A_1007 {dimension_numbers = #tpu.dot_dimension_numbers<[1], [0], [0], [1], [0, 0, 1, 1], [], []>, transpose_lhs_hint = false} : vector<512x128xbf16>, vector<128x128xbf16>, vector<512x128xf32> -> vector<512x128xf32>
    %gt3A_1009 = arith.constant 0.000000e+00 : f32
    %gt3A_1010 = vector.broadcast %gt3A_1009 : f32 to vector<512x512xf32>
    %gt3A_1011 = arith.cmpf ogt, %get3A_196, %gt3A_1010 : vector<512x512xf32>
    %jit3A_1012 = arith.constant 0.000000e+00 : f32
    %jit3A_1013 = arith.constant 0xFF800000 : f32
    %broadcast_in_dim3A_1014 = vector.broadcast %jit3A_1012 : f32 to vector<512x512xf32>
    %broadcast_in_dim3A_1015 = vector.broadcast %jit3A_1013 : f32 to vector<512x512xf32>
    %select_n3A_1016 = arith.select %gt3A_1011, %broadcast_in_dim3A_1014, %broadcast_in_dim3A_1015 : vector<512x512xi1>, vector<512x512xf32>
    %slice3A_1017 = vector.extract_strided_slice %dot_general3A_1008 {offsets = [0, 0], sizes = [512, 32], strides = [1, 1]} : vector<512x128xf32> to vector<512x32xf32>
    %slice3A_1018 = vector.extract_strided_slice %get3A_184 {offsets = [0, 0], sizes = [1, 32], strides = [1, 1]} : vector<1x128xf32> to vector<1x32xf32>
    %slice3A_1019 = vector.extract_strided_slice %get3A_187 {offsets = [0, 0], sizes = [1, 32], strides = [1, 1]} : vector<1x128xf32> to vector<1x32xf32>
    %dot_general3A_1020 = arith.constant dense<0.000000e+00> : vector<1x512xf32>
    %dot_general3A_1021 = tpu.matmul %slice3A_1018, %slice3A_1017, %dot_general3A_1020 {dimension_numbers = #tpu.dot_dimension_numbers<[1], [1], [0], [0], [0, 0, 1, 0], [], []>, precision = #tpu.contract_precision<fp32>, transpose_lhs_hint = false} : vector<1x32xf32>, vector<512x32xf32>, vector<1x512xf32> -> vector<1x512xf32>
    %dot_general3A_1022 = arith.constant dense<0.000000e+00> : vector<512x1xf32>
    %dot_general3A_1023 = tpu.matmul %slice3A_1017, %slice3A_1019, %dot_general3A_1022 {dimension_numbers = #tpu.dot_dimension_numbers<[1], [1], [0], [0], [0, 0, 1, 0], [], []>, precision = #tpu.contract_precision<fp32>, transpose_lhs_hint = false} : vector<512x32xf32>, vector<1x32xf32>, vector<512x1xf32> -> vector<512x1xf32>
    %add3A_1024 = vector.broadcast %dot_general3A_1023 : vector<512x1xf32> to vector<512x512xf32>
    %add3A_1025 = vector.broadcast %dot_general3A_1021 : vector<1x512xf32> to vector<512x512xf32>
    %add3A_1026 = arith.addf %add3A_1024, %add3A_1025 : vector<512x512xf32>
    %gt3A_1027 = arith.constant 0.000000e+00 : f32
    %gt3A_1028 = vector.broadcast %gt3A_1027 : f32 to vector<512x512xf32>
    %gt3A_1029 = arith.cmpf ogt, %add3A_1026, %gt3A_1028 : vector<512x512xf32>
    %mul3A_1030 = arith.constant 2.000000e-01 : f32
    %mul3A_1031 = vector.broadcast %mul3A_1030 : f32 to vector<512x512xf32>
    %mul3A_1032 = arith.mulf %mul3A_1031, %add3A_1026 : vector<512x512xf32>
    %select_n3A_1033 = arith.select %gt3A_1029, %add3A_1026, %mul3A_1032 : vector<512x512xi1>, vector<512x512xf32>
    %add3A_1034 = arith.addf %select_n3A_1033, %select_n3A_1016 : vector<512x512xf32>
    %reduce_max3A_1035 = arith.constant dense<0xFF800000> : vector<512xf32>
    %reduce_max3A_1036 = vector.multi_reduction <maximumf>, %add3A_1034, %reduce_max3A_1035 [1] : vector<512x512xf32> to vector<512xf32>
    %broadcast_in_dim3A_1037 = vector.shape_cast %reduce_max3A_1036 : vector<512xf32> to vector<512x1xf32>
    %gt3A_1038 = arith.constant -9.99999968E+37 : f32
    %gt3A_1039 = vector.broadcast %gt3A_1038 : f32 to vector<512x1xf32>
    %gt3A_1040 = arith.cmpf ogt, %broadcast_in_dim3A_1037, %gt3A_1039 : vector<512x1xf32>
    %jit3A_1041 = arith.constant 0.000000e+00 : f32
    %broadcast_in_dim3A_1042 = vector.broadcast %jit3A_1041 : f32 to vector<512x1xf32>
    %select_n3A_1043 = arith.select %gt3A_1040, %broadcast_in_dim3A_1037, %broadcast_in_dim3A_1042 : vector<512x1xi1>, vector<512x1xf32>
    %sub3A_1044 = vector.broadcast %select_n3A_1043 : vector<512x1xf32> to vector<512x512xf32>
    %sub3A_1045 = arith.subf %select_n3A_1033, %sub3A_1044 : vector<512x512xf32>
    %min3A_1046 = arith.constant 0.000000e+00 : f32
    %min3A_1047 = vector.broadcast %min3A_1046 : f32 to vector<512x512xf32>
    %min3A_1048 = arith.minimumf %sub3A_1045, %min3A_1047 : vector<512x512xf32>
    %exp3A_1049 = math.exp %min3A_1048 : vector<512x512xf32>
    %mul3A_1050 = arith.mulf %get3A_196, %exp3A_1049 : vector<512x512xf32>
    %reduce_sum3A_1051 = arith.constant dense<0.000000e+00> : vector<512xf32>
    %reduce_sum3A_1052 = vector.multi_reduction <add>, %mul3A_1050, %reduce_sum3A_1051 [1] : vector<512x512xf32> to vector<512xf32>
    %broadcast_in_dim3A_1053 = vector.shape_cast %reduce_sum3A_1052 : vector<512xf32> to vector<512x1xf32>
    %dot_general3A_1054 = arith.constant dense<0.000000e+00> : vector<512x32xf32>
    %dot_general3A_1055 = tpu.matmul %mul3A_1050, %slice3A_1017, %dot_general3A_1054 {dimension_numbers = #tpu.dot_dimension_numbers<[1], [0], [0], [1], [0, 0, 1, 1], [], []>, precision = #tpu.contract_precision<fp32>, transpose_lhs_hint = false} : vector<512x512xf32>, vector<512x32xf32>, vector<512x32xf32> -> vector<512x32xf32>
    %add3A_1056 = arith.constant 9.99999971E-10 : f32
    %add3A_1057 = vector.broadcast %add3A_1056 : f32 to vector<512x1xf32>
    %add3A_1058 = arith.addf %broadcast_in_dim3A_1053, %add3A_1057 : vector<512x1xf32>
    %div3A_1059 = vector.broadcast %add3A_1058 : vector<512x1xf32> to vector<512x32xf32>
    %div3A_1060 = arith.divf %dot_general3A_1055, %div3A_1059 : vector<512x32xf32>
    %slice3A_1061 = vector.extract_strided_slice %dot_general3A_1008 {offsets = [0, 32], sizes = [512, 32], strides = [1, 1]} : vector<512x128xf32> to vector<512x32xf32>
    %slice3A_1062 = vector.extract_strided_slice %get3A_184 {offsets = [0, 32], sizes = [1, 32], strides = [1, 1]} : vector<1x128xf32> to vector<1x32xf32>
    %slice3A_1063 = vector.extract_strided_slice %get3A_187 {offsets = [0, 32], sizes = [1, 32], strides = [1, 1]} : vector<1x128xf32> to vector<1x32xf32>
    %dot_general3A_1064 = arith.constant dense<0.000000e+00> : vector<1x512xf32>
    %dot_general3A_1065 = tpu.matmul %slice3A_1062, %slice3A_1061, %dot_general3A_1064 {dimension_numbers = #tpu.dot_dimension_numbers<[1], [1], [0], [0], [0, 0, 1, 0], [], []>, precision = #tpu.contract_precision<fp32>, transpose_lhs_hint = false} : vector<1x32xf32>, vector<512x32xf32>, vector<1x512xf32> -> vector<1x512xf32>
    %dot_general3A_1066 = arith.constant dense<0.000000e+00> : vector<512x1xf32>
    %dot_general3A_1067 = tpu.matmul %slice3A_1061, %slice3A_1063, %dot_general3A_1066 {dimension_numbers = #tpu.dot_dimension_numbers<[1], [1], [0], [0], [0, 0, 1, 0], [], []>, precision = #tpu.contract_precision<fp32>, transpose_lhs_hint = false} : vector<512x32xf32>, vector<1x32xf32>, vector<512x1xf32> -> vector<512x1xf32>
    %add3A_1068 = vector.broadcast %dot_general3A_1067 : vector<512x1xf32> to vector<512x512xf32>
    %add3A_1069 = vector.broadcast %dot_general3A_1065 : vector<1x512xf32> to vector<512x512xf32>
    %add3A_1070 = arith.addf %add3A_1068, %add3A_1069 : vector<512x512xf32>
    %gt3A_1071 = arith.constant 0.000000e+00 : f32
    %gt3A_1072 = vector.broadcast %gt3A_1071 : f32 to vector<512x512xf32>
    %gt3A_1073 = arith.cmpf ogt, %add3A_1070, %gt3A_1072 : vector<512x512xf32>
    %mul3A_1074 = arith.constant 2.000000e-01 : f32
    %mul3A_1075 = vector.broadcast %mul3A_1074 : f32 to vector<512x512xf32>
    %mul3A_1076 = arith.mulf %mul3A_1075, %add3A_1070 : vector<512x512xf32>
    %select_n3A_1077 = arith.select %gt3A_1073, %add3A_1070, %mul3A_1076 : vector<512x512xi1>, vector<512x512xf32>
    %add3A_1078 = arith.addf %select_n3A_1077, %select_n3A_1016 : vector<512x512xf32>
    %reduce_max3A_1079 = arith.constant dense<0xFF800000> : vector<512xf32>
    %reduce_max3A_1080 = vector.multi_reduction <maximumf>, %add3A_1078, %reduce_max3A_1079 [1] : vector<512x512xf32> to vector<512xf32>
    %broadcast_in_dim3A_1081 = vector.shape_cast %reduce_max3A_1080 : vector<512xf32> to vector<512x1xf32>
    %gt3A_1082 = arith.constant -9.99999968E+37 : f32
    %gt3A_1083 = vector.broadcast %gt3A_1082 : f32 to vector<512x1xf32>
    %gt3A_1084 = arith.cmpf ogt, %broadcast_in_dim3A_1081, %gt3A_1083 : vector<512x1xf32>
    %jit3A_1085 = arith.constant 0.000000e+00 : f32
    %broadcast_in_dim3A_1086 = vector.broadcast %jit3A_1085 : f32 to vector<512x1xf32>
    %select_n3A_1087 = arith.select %gt3A_1084, %broadcast_in_dim3A_1081, %broadcast_in_dim3A_1086 : vector<512x1xi1>, vector<512x1xf32>
    %sub3A_1088 = vector.broadcast %select_n3A_1087 : vector<512x1xf32> to vector<512x512xf32>
    %sub3A_1089 = arith.subf %select_n3A_1077, %sub3A_1088 : vector<512x512xf32>
    %min3A_1090 = arith.constant 0.000000e+00 : f32
    %min3A_1091 = vector.broadcast %min3A_1090 : f32 to vector<512x512xf32>
    %min3A_1092 = arith.minimumf %sub3A_1089, %min3A_1091 : vector<512x512xf32>
    %exp3A_1093 = math.exp %min3A_1092 : vector<512x512xf32>
    %mul3A_1094 = arith.mulf %get3A_196, %exp3A_1093 : vector<512x512xf32>
    %reduce_sum3A_1095 = arith.constant dense<0.000000e+00> : vector<512xf32>
    %reduce_sum3A_1096 = vector.multi_reduction <add>, %mul3A_1094, %reduce_sum3A_1095 [1] : vector<512x512xf32> to vector<512xf32>
    %broadcast_in_dim3A_1097 = vector.shape_cast %reduce_sum3A_1096 : vector<512xf32> to vector<512x1xf32>
    %dot_general3A_1098 = arith.constant dense<0.000000e+00> : vector<512x32xf32>
    %dot_general3A_1099 = tpu.matmul %mul3A_1094, %slice3A_1061, %dot_general3A_1098 {dimension_numbers = #tpu.dot_dimension_numbers<[1], [0], [0], [1], [0, 0, 1, 1], [], []>, precision = #tpu.contract_precision<fp32>, transpose_lhs_hint = false} : vector<512x512xf32>, vector<512x32xf32>, vector<512x32xf32> -> vector<512x32xf32>
    %add3A_1100 = arith.constant 9.99999971E-10 : f32
    %add3A_1101 = vector.broadcast %add3A_1100 : f32 to vector<512x1xf32>
    %add3A_1102 = arith.addf %broadcast_in_dim3A_1097, %add3A_1101 : vector<512x1xf32>
    %div3A_1103 = vector.broadcast %add3A_1102 : vector<512x1xf32> to vector<512x32xf32>
    %div3A_1104 = arith.divf %dot_general3A_1099, %div3A_1103 : vector<512x32xf32>
    %slice3A_1105 = vector.extract_strided_slice %dot_general3A_1008 {offsets = [0, 64], sizes = [512, 32], strides = [1, 1]} : vector<512x128xf32> to vector<512x32xf32>
    %slice3A_1106 = vector.extract_strided_slice %get3A_184 {offsets = [0, 64], sizes = [1, 32], strides = [1, 1]} : vector<1x128xf32> to vector<1x32xf32>
    %slice3A_1107 = vector.extract_strided_slice %get3A_187 {offsets = [0, 64], sizes = [1, 32], strides = [1, 1]} : vector<1x128xf32> to vector<1x32xf32>
    %dot_general3A_1108 = arith.constant dense<0.000000e+00> : vector<1x512xf32>
    %dot_general3A_1109 = tpu.matmul %slice3A_1106, %slice3A_1105, %dot_general3A_1108 {dimension_numbers = #tpu.dot_dimension_numbers<[1], [1], [0], [0], [0, 0, 1, 0], [], []>, precision = #tpu.contract_precision<fp32>, transpose_lhs_hint = false} : vector<1x32xf32>, vector<512x32xf32>, vector<1x512xf32> -> vector<1x512xf32>
    %dot_general3A_1110 = arith.constant dense<0.000000e+00> : vector<512x1xf32>
    %dot_general3A_1111 = tpu.matmul %slice3A_1105, %slice3A_1107, %dot_general3A_1110 {dimension_numbers = #tpu.dot_dimension_numbers<[1], [1], [0], [0], [0, 0, 1, 0], [], []>, precision = #tpu.contract_precision<fp32>, transpose_lhs_hint = false} : vector<512x32xf32>, vector<1x32xf32>, vector<512x1xf32> -> vector<512x1xf32>
    %add3A_1112 = vector.broadcast %dot_general3A_1111 : vector<512x1xf32> to vector<512x512xf32>
    %add3A_1113 = vector.broadcast %dot_general3A_1109 : vector<1x512xf32> to vector<512x512xf32>
    %add3A_1114 = arith.addf %add3A_1112, %add3A_1113 : vector<512x512xf32>
    %gt3A_1115 = arith.constant 0.000000e+00 : f32
    %gt3A_1116 = vector.broadcast %gt3A_1115 : f32 to vector<512x512xf32>
    %gt3A_1117 = arith.cmpf ogt, %add3A_1114, %gt3A_1116 : vector<512x512xf32>
    %mul3A_1118 = arith.constant 2.000000e-01 : f32
    %mul3A_1119 = vector.broadcast %mul3A_1118 : f32 to vector<512x512xf32>
    %mul3A_1120 = arith.mulf %mul3A_1119, %add3A_1114 : vector<512x512xf32>
    %select_n3A_1121 = arith.select %gt3A_1117, %add3A_1114, %mul3A_1120 : vector<512x512xi1>, vector<512x512xf32>
    %add3A_1122 = arith.addf %select_n3A_1121, %select_n3A_1016 : vector<512x512xf32>
    %reduce_max3A_1123 = arith.constant dense<0xFF800000> : vector<512xf32>
    %reduce_max3A_1124 = vector.multi_reduction <maximumf>, %add3A_1122, %reduce_max3A_1123 [1] : vector<512x512xf32> to vector<512xf32>
    %broadcast_in_dim3A_1125 = vector.shape_cast %reduce_max3A_1124 : vector<512xf32> to vector<512x1xf32>
    %gt3A_1126 = arith.constant -9.99999968E+37 : f32
    %gt3A_1127 = vector.broadcast %gt3A_1126 : f32 to vector<512x1xf32>
    %gt3A_1128 = arith.cmpf ogt, %broadcast_in_dim3A_1125, %gt3A_1127 : vector<512x1xf32>
    %jit3A_1129 = arith.constant 0.000000e+00 : f32
    %broadcast_in_dim3A_1130 = vector.broadcast %jit3A_1129 : f32 to vector<512x1xf32>
    %select_n3A_1131 = arith.select %gt3A_1128, %broadcast_in_dim3A_1125, %broadcast_in_dim3A_1130 : vector<512x1xi1>, vector<512x1xf32>
    %sub3A_1132 = vector.broadcast %select_n3A_1131 : vector<512x1xf32> to vector<512x512xf32>
    %sub3A_1133 = arith.subf %select_n3A_1121, %sub3A_1132 : vector<512x512xf32>
    %min3A_1134 = arith.constant 0.000000e+00 : f32
    %min3A_1135 = vector.broadcast %min3A_1134 : f32 to vector<512x512xf32>
    %min3A_1136 = arith.minimumf %sub3A_1133, %min3A_1135 : vector<512x512xf32>
    %exp3A_1137 = math.exp %min3A_1136 : vector<512x512xf32>
    %mul3A_1138 = arith.mulf %get3A_196, %exp3A_1137 : vector<512x512xf32>
    %reduce_sum3A_1139 = arith.constant dense<0.000000e+00> : vector<512xf32>
    %reduce_sum3A_1140 = vector.multi_reduction <add>, %mul3A_1138, %reduce_sum3A_1139 [1] : vector<512x512xf32> to vector<512xf32>
    %broadcast_in_dim3A_1141 = vector.shape_cast %reduce_sum3A_1140 : vector<512xf32> to vector<512x1xf32>
    %dot_general3A_1142 = arith.constant dense<0.000000e+00> : vector<512x32xf32>
    %dot_general3A_1143 = tpu.matmul %mul3A_1138, %slice3A_1105, %dot_general3A_1142 {dimension_numbers = #tpu.dot_dimension_numbers<[1], [0], [0], [1], [0, 0, 1, 1], [], []>, precision = #tpu.contract_precision<fp32>, transpose_lhs_hint = false} : vector<512x512xf32>, vector<512x32xf32>, vector<512x32xf32> -> vector<512x32xf32>
    %add3A_1144 = arith.constant 9.99999971E-10 : f32
    %add3A_1145 = vector.broadcast %add3A_1144 : f32 to vector<512x1xf32>
    %add3A_1146 = arith.addf %broadcast_in_dim3A_1141, %add3A_1145 : vector<512x1xf32>
    %div3A_1147 = vector.broadcast %add3A_1146 : vector<512x1xf32> to vector<512x32xf32>
    %div3A_1148 = arith.divf %dot_general3A_1143, %div3A_1147 : vector<512x32xf32>
    %slice3A_1149 = vector.extract_strided_slice %dot_general3A_1008 {offsets = [0, 96], sizes = [512, 32], strides = [1, 1]} : vector<512x128xf32> to vector<512x32xf32>
    %slice3A_1150 = vector.extract_strided_slice %get3A_184 {offsets = [0, 96], sizes = [1, 32], strides = [1, 1]} : vector<1x128xf32> to vector<1x32xf32>
    %slice3A_1151 = vector.extract_strided_slice %get3A_187 {offsets = [0, 96], sizes = [1, 32], strides = [1, 1]} : vector<1x128xf32> to vector<1x32xf32>
    %dot_general3A_1152 = arith.constant dense<0.000000e+00> : vector<1x512xf32>
    %dot_general3A_1153 = tpu.matmul %slice3A_1150, %slice3A_1149, %dot_general3A_1152 {dimension_numbers = #tpu.dot_dimension_numbers<[1], [1], [0], [0], [0, 0, 1, 0], [], []>, precision = #tpu.contract_precision<fp32>, transpose_lhs_hint = false} : vector<1x32xf32>, vector<512x32xf32>, vector<1x512xf32> -> vector<1x512xf32>
    %dot_general3A_1154 = arith.constant dense<0.000000e+00> : vector<512x1xf32>
    %dot_general3A_1155 = tpu.matmul %slice3A_1149, %slice3A_1151, %dot_general3A_1154 {dimension_numbers = #tpu.dot_dimension_numbers<[1], [1], [0], [0], [0, 0, 1, 0], [], []>, precision = #tpu.contract_precision<fp32>, transpose_lhs_hint = false} : vector<512x32xf32>, vector<1x32xf32>, vector<512x1xf32> -> vector<512x1xf32>
    %add3A_1156 = vector.broadcast %dot_general3A_1155 : vector<512x1xf32> to vector<512x512xf32>
    %add3A_1157 = vector.broadcast %dot_general3A_1153 : vector<1x512xf32> to vector<512x512xf32>
    %add3A_1158 = arith.addf %add3A_1156, %add3A_1157 : vector<512x512xf32>
    %gt3A_1159 = arith.constant 0.000000e+00 : f32
    %gt3A_1160 = vector.broadcast %gt3A_1159 : f32 to vector<512x512xf32>
    %gt3A_1161 = arith.cmpf ogt, %add3A_1158, %gt3A_1160 : vector<512x512xf32>
    %mul3A_1162 = arith.constant 2.000000e-01 : f32
    %mul3A_1163 = vector.broadcast %mul3A_1162 : f32 to vector<512x512xf32>
    %mul3A_1164 = arith.mulf %mul3A_1163, %add3A_1158 : vector<512x512xf32>
    %select_n3A_1165 = arith.select %gt3A_1161, %add3A_1158, %mul3A_1164 : vector<512x512xi1>, vector<512x512xf32>
    %add3A_1166 = arith.addf %select_n3A_1165, %select_n3A_1016 : vector<512x512xf32>
    %reduce_max3A_1167 = arith.constant dense<0xFF800000> : vector<512xf32>
    %reduce_max3A_1168 = vector.multi_reduction <maximumf>, %add3A_1166, %reduce_max3A_1167 [1] : vector<512x512xf32> to vector<512xf32>
    %broadcast_in_dim3A_1169 = vector.shape_cast %reduce_max3A_1168 : vector<512xf32> to vector<512x1xf32>
    %gt3A_1170 = arith.constant -9.99999968E+37 : f32
    %gt3A_1171 = vector.broadcast %gt3A_1170 : f32 to vector<512x1xf32>
    %gt3A_1172 = arith.cmpf ogt, %broadcast_in_dim3A_1169, %gt3A_1171 : vector<512x1xf32>
    %jit3A_1173 = arith.constant 0.000000e+00 : f32
    %broadcast_in_dim3A_1174 = vector.broadcast %jit3A_1173 : f32 to vector<512x1xf32>
    %select_n3A_1175 = arith.select %gt3A_1172, %broadcast_in_dim3A_1169, %broadcast_in_dim3A_1174 : vector<512x1xi1>, vector<512x1xf32>
    %sub3A_1176 = vector.broadcast %select_n3A_1175 : vector<512x1xf32> to vector<512x512xf32>
    %sub3A_1177 = arith.subf %select_n3A_1165, %sub3A_1176 : vector<512x512xf32>
    %min3A_1178 = arith.constant 0.000000e+00 : f32
    %min3A_1179 = vector.broadcast %min3A_1178 : f32 to vector<512x512xf32>
    %min3A_1180 = arith.minimumf %sub3A_1177, %min3A_1179 : vector<512x512xf32>
    %exp3A_1181 = math.exp %min3A_1180 : vector<512x512xf32>
    %mul3A_1182 = arith.mulf %get3A_196, %exp3A_1181 : vector<512x512xf32>
    %reduce_sum3A_1183 = arith.constant dense<0.000000e+00> : vector<512xf32>
    %reduce_sum3A_1184 = vector.multi_reduction <add>, %mul3A_1182, %reduce_sum3A_1183 [1] : vector<512x512xf32> to vector<512xf32>
    %broadcast_in_dim3A_1185 = vector.shape_cast %reduce_sum3A_1184 : vector<512xf32> to vector<512x1xf32>
    %dot_general3A_1186 = arith.constant dense<0.000000e+00> : vector<512x32xf32>
    %dot_general3A_1187 = tpu.matmul %mul3A_1182, %slice3A_1149, %dot_general3A_1186 {dimension_numbers = #tpu.dot_dimension_numbers<[1], [0], [0], [1], [0, 0, 1, 1], [], []>, precision = #tpu.contract_precision<fp32>, transpose_lhs_hint = false} : vector<512x512xf32>, vector<512x32xf32>, vector<512x32xf32> -> vector<512x32xf32>
    %add3A_1188 = arith.constant 9.99999971E-10 : f32
    %add3A_1189 = vector.broadcast %add3A_1188 : f32 to vector<512x1xf32>
    %add3A_1190 = arith.addf %broadcast_in_dim3A_1185, %add3A_1189 : vector<512x1xf32>
    %div3A_1191 = vector.broadcast %add3A_1190 : vector<512x1xf32> to vector<512x32xf32>
    %div3A_1192 = arith.divf %dot_general3A_1187, %div3A_1191 : vector<512x32xf32>
    %concatenate3A_1193 = tpu.concatenate %div3A_1060, %div3A_1104, %div3A_1148, %div3A_1192 in 1 : vector<512x32xf32>, vector<512x32xf32>, vector<512x32xf32>, vector<512x32xf32> -> vector<512x128xf32>
    %add3A_1194 = vector.broadcast %get3A_190 : vector<1x128xf32> to vector<512x128xf32>
    %add3A_1195 = arith.addf %concatenate3A_1193, %add3A_1194 : vector<512x128xf32>
    %swap3A_1196 = arith.constant 0 : index
    %swap3A_1197 = arith.constant 0 : index
    %swap3A_1198 = vector.load %arg74[%swap3A_1196, %swap3A_1197] : memref<512x128xf32, #tpu.memory_space<vmem>>, vector<512x128xf32>
    tpu.vector_store %arg74[%swap3A_1196, %swap3A_1197], %add3A_1004 {strides = array<i32>} : memref<512x128xf32, #tpu.memory_space<vmem>>, vector<512x128xf32>,
    %swap3A_1199 = arith.constant 0 : index
    %swap3A_1200 = arith.constant 0 : index
    %swap3A_1201 = vector.load %arg75[%swap3A_1199, %swap3A_1200] : memref<512x128xf32, #tpu.memory_space<vmem>>, vector<512x128xf32>
    tpu.vector_store %arg75[%swap3A_1199, %swap3A_1200], %add3A_1195 {strides = array<i32>} : memref<512x128xf32, #tpu.memory_space<vmem>>, vector<512x128xf32>,
    %convert_element_type3A_1202 = arith.truncf %add3A_1004 : vector<512x128xf32> to vector<512x128xbf16>
    %convert_element_type3A_1203 = arith.truncf %get3A_73 : vector<128x128xf32> to vector<128x128xbf16>
    %dot_general3A_1204 = arith.constant dense<0.000000e+00> : vector<512x128xf32>
    %dot_general3A_1205 = tpu.matmul %convert_element_type3A_1202, %convert_element_type3A_1203, %dot_general3A_1204 {dimension_numbers = #tpu.dot_dimension_numbers<[1], [0], [0], [1], [0, 0, 1, 1], [], []>, transpose_lhs_hint = false} : vector<512x128xbf16>, vector<128x128xbf16>, vector<512x128xf32> -> vector<512x128xf32>
    %add3A_1206 = vector.broadcast %get3A_76 : vector<1x128xf32> to vector<512x128xf32>
    %add3A_1207 = arith.addf %dot_general3A_1205, %add3A_1206 : vector<512x128xf32>
    %convert_element_type3A_1208 = arith.truncf %add3A_1207 : vector<512x128xf32> to vector<512x128xbf16>
    %convert_element_type3A_1209 = arith.truncf %get3A_79 : vector<128x128xf32> to vector<128x128xbf16>
    %dot_general3A_1210 = arith.constant dense<0.000000e+00> : vector<512x128xf32>
    %dot_general3A_1211 = tpu.matmul %convert_element_type3A_1208, %convert_element_type3A_1209, %dot_general3A_1210 {dimension_numbers = #tpu.dot_dimension_numbers<[1], [0], [0], [1], [0, 0, 1, 1], [], []>, transpose_lhs_hint = false} : vector<512x128xbf16>, vector<128x128xbf16>, vector<512x128xf32> -> vector<512x128xf32>
    %add3A_1212 = vector.broadcast %get3A_82 : vector<1x128xf32> to vector<512x128xf32>
    %add3A_1213 = arith.addf %dot_general3A_1211, %add3A_1212 : vector<512x128xf32>
    %reduce_sum3A_1214 = arith.constant dense<0.000000e+00> : vector<512xf32>
    %reduce_sum3A_1215 = vector.multi_reduction <add>, %add3A_1213, %reduce_sum3A_1214 [1] : vector<512x128xf32> to vector<512xf32>
    %broadcast_in_dim3A_1216 = vector.shape_cast %reduce_sum3A_1215 : vector<512xf32> to vector<512x1xf32>
    %div3A_1217 = arith.constant 1.280000e+02 : f32
    %div3A_1218 = vector.broadcast %div3A_1217 : f32 to vector<512x1xf32>
    %div3A_1219 = arith.divf %broadcast_in_dim3A_1216, %div3A_1218 : vector<512x1xf32>
    %sub3A_1220 = vector.broadcast %div3A_1219 : vector<512x1xf32> to vector<512x128xf32>
    %sub3A_1221 = arith.subf %add3A_1213, %sub3A_1220 : vector<512x128xf32>
    %sub3A_1222 = vector.broadcast %div3A_1219 : vector<512x1xf32> to vector<512x128xf32>
    %sub3A_1223 = arith.subf %add3A_1213, %sub3A_1222 : vector<512x128xf32>
    %mul3A_1224 = arith.mulf %sub3A_1221, %sub3A_1223 : vector<512x128xf32>
    %reduce_sum3A_1225 = arith.constant dense<0.000000e+00> : vector<512xf32>
    %reduce_sum3A_1226 = vector.multi_reduction <add>, %mul3A_1224, %reduce_sum3A_1225 [1] : vector<512x128xf32> to vector<512xf32>
    %broadcast_in_dim3A_1227 = vector.shape_cast %reduce_sum3A_1226 : vector<512xf32> to vector<512x1xf32>
    %div3A_1228 = arith.constant 1.280000e+02 : f32
    %div3A_1229 = vector.broadcast %div3A_1228 : f32 to vector<512x1xf32>
    %div3A_1230 = arith.divf %broadcast_in_dim3A_1227, %div3A_1229 : vector<512x1xf32>
    %sub3A_1231 = vector.broadcast %div3A_1219 : vector<512x1xf32> to vector<512x128xf32>
    %sub3A_1232 = arith.subf %add3A_1213, %sub3A_1231 : vector<512x128xf32>
    %add3A_1233 = arith.constant 9.99999974E-6 : f32
    %add3A_1234 = vector.broadcast %add3A_1233 : f32 to vector<512x1xf32>
    %add3A_1235 = arith.addf %div3A_1230, %add3A_1234 : vector<512x1xf32>
    %sqrt3A_1236 = math.sqrt %add3A_1235 : vector<512x1xf32>
    %div3A_1237 = vector.broadcast %sqrt3A_1236 : vector<512x1xf32> to vector<512x128xf32>
    %div3A_1238 = arith.divf %sub3A_1232, %div3A_1237 : vector<512x128xf32>
    %mul3A_1239 = vector.broadcast %get3A_85 : vector<1x128xf32> to vector<512x128xf32>
    %mul3A_1240 = arith.mulf %div3A_1238, %mul3A_1239 : vector<512x128xf32>
    %add3A_1241 = vector.broadcast %get3A_88 : vector<1x128xf32> to vector<512x128xf32>
    %add3A_1242 = arith.addf %mul3A_1240, %add3A_1241 : vector<512x128xf32>
    %gt3A_1243 = arith.constant 0.000000e+00 : f32
    %gt3A_1244 = vector.broadcast %gt3A_1243 : f32 to vector<512x128xf32>
    %gt3A_1245 = arith.cmpf ogt, %add3A_1242, %gt3A_1244 : vector<512x128xf32>
    %squeeze3A_1246 = vector.extract %get3A_91[0, 0] : f32 from vector<1x1xf32>
    %mul3A_1247 = vector.broadcast %squeeze3A_1246 : f32 to vector<512x128xf32>
    %mul3A_1248 = arith.mulf %mul3A_1247, %add3A_1242 : vector<512x128xf32>
    %select_n3A_1249 = arith.select %gt3A_1245, %add3A_1242, %mul3A_1248 : vector<512x128xi1>, vector<512x128xf32>
    %convert_element_type3A_1250 = arith.truncf %select_n3A_1249 : vector<512x128xf32> to vector<512x128xbf16>
    %convert_element_type3A_1251 = arith.truncf %get3A_94 : vector<128x128xf32> to vector<128x128xbf16>
    %dot_general3A_1252 = arith.constant dense<0.000000e+00> : vector<512x128xf32>
    %dot_general3A_1253 = tpu.matmul %convert_element_type3A_1250, %convert_element_type3A_1251, %dot_general3A_1252 {dimension_numbers = #tpu.dot_dimension_numbers<[1], [0], [0], [1], [0, 0, 1, 1], [], []>, transpose_lhs_hint = false} : vector<512x128xbf16>, vector<128x128xbf16>, vector<512x128xf32> -> vector<512x128xf32>
    %add3A_1254 = vector.broadcast %get3A_97 : vector<1x128xf32> to vector<512x128xf32>
    %add3A_1255 = arith.addf %dot_general3A_1253, %add3A_1254 : vector<512x128xf32>
    %add3A_1256 = arith.addf %add3A_1255, %add3A_1207 : vector<512x128xf32>
    %convert_element_type3A_1257 = arith.truncf %add3A_1256 : vector<512x128xf32> to vector<512x128xbf16>
    %convert_element_type3A_1258 = arith.truncf %get3A_100 : vector<128x128xf32> to vector<128x128xbf16>
    %dot_general3A_1259 = arith.constant dense<0.000000e+00> : vector<512x128xf32>
    %dot_general3A_1260 = tpu.matmul %convert_element_type3A_1257, %convert_element_type3A_1258, %dot_general3A_1259 {dimension_numbers = #tpu.dot_dimension_numbers<[1], [0], [0], [1], [0, 0, 1, 1], [], []>, transpose_lhs_hint = false} : vector<512x128xbf16>, vector<128x128xbf16>, vector<512x128xf32> -> vector<512x128xf32>
    %add3A_1261 = vector.broadcast %get3A_103 : vector<1x128xf32> to vector<512x128xf32>
    %add3A_1262 = arith.addf %dot_general3A_1260, %add3A_1261 : vector<512x128xf32>
    %gt3A_1263 = arith.constant 0.000000e+00 : f32
    %gt3A_1264 = vector.broadcast %gt3A_1263 : f32 to vector<512x128xf32>
    %gt3A_1265 = arith.cmpf ogt, %add3A_1262, %gt3A_1264 : vector<512x128xf32>
    %squeeze3A_1266 = vector.extract %get3A_106[0, 0] : f32 from vector<1x1xf32>
    %mul3A_1267 = vector.broadcast %squeeze3A_1266 : f32 to vector<512x128xf32>
    %mul3A_1268 = arith.mulf %mul3A_1267, %add3A_1262 : vector<512x128xf32>
    %select_n3A_1269 = arith.select %gt3A_1265, %add3A_1262, %mul3A_1268 : vector<512x128xi1>, vector<512x128xf32>
    %swap3A_1270 = arith.constant 0 : index
    %swap3A_1271 = arith.constant 0 : index
    %swap3A_1272 = vector.load %arg72[%swap3A_1270, %swap3A_1271] : memref<512x128xf32, #tpu.memory_space<vmem>>, vector<512x128xf32>
    tpu.vector_store %arg72[%swap3A_1270, %swap3A_1271], %select_n3A_1269 {strides = array<i32>} : memref<512x128xf32, #tpu.memory_space<vmem>>, vector<512x128xf32>,
    %convert_element_type3A_1273 = arith.truncf %add3A_1195 : vector<512x128xf32> to vector<512x128xbf16>
    %convert_element_type3A_1274 = arith.truncf %get3A_109 : vector<128x128xf32> to vector<128x128xbf16>
    %dot_general3A_1275 = arith.constant dense<0.000000e+00> : vector<512x128xf32>
    %dot_general3A_1276 = tpu.matmul %convert_element_type3A_1273, %convert_element_type3A_1274, %dot_general3A_1275 {dimension_numbers = #tpu.dot_dimension_numbers<[1], [0], [0], [1], [0, 0, 1, 1], [], []>, transpose_lhs_hint = false} : vector<512x128xbf16>, vector<128x128xbf16>, vector<512x128xf32> -> vector<512x128xf32>
    %add3A_1277 = vector.broadcast %get3A_112 : vector<1x128xf32> to vector<512x128xf32>
    %add3A_1278 = arith.addf %dot_general3A_1276, %add3A_1277 : vector<512x128xf32>
    %convert_element_type3A_1279 = arith.truncf %add3A_1278 : vector<512x128xf32> to vector<512x128xbf16>
    %convert_element_type3A_1280 = arith.truncf %get3A_115 : vector<128x128xf32> to vector<128x128xbf16>
    %dot_general3A_1281 = arith.constant dense<0.000000e+00> : vector<512x128xf32>
    %dot_general3A_1282 = tpu.matmul %convert_element_type3A_1279, %convert_element_type3A_1280, %dot_general3A_1281 {dimension_numbers = #tpu.dot_dimension_numbers<[1], [0], [0], [1], [0, 0, 1, 1], [], []>, transpose_lhs_hint = false} : vector<512x128xbf16>, vector<128x128xbf16>, vector<512x128xf32> -> vector<512x128xf32>
    %add3A_1283 = vector.broadcast %get3A_118 : vector<1x128xf32> to vector<512x128xf32>
    %add3A_1284 = arith.addf %dot_general3A_1282, %add3A_1283 : vector<512x128xf32>
    %reduce_sum3A_1285 = arith.constant dense<0.000000e+00> : vector<512xf32>
    %reduce_sum3A_1286 = vector.multi_reduction <add>, %add3A_1284, %reduce_sum3A_1285 [1] : vector<512x128xf32> to vector<512xf32>
    %broadcast_in_dim3A_1287 = vector.shape_cast %reduce_sum3A_1286 : vector<512xf32> to vector<512x1xf32>
    %div3A_1288 = arith.constant 1.280000e+02 : f32
    %div3A_1289 = vector.broadcast %div3A_1288 : f32 to vector<512x1xf32>
    %div3A_1290 = arith.divf %broadcast_in_dim3A_1287, %div3A_1289 : vector<512x1xf32>
    %sub3A_1291 = vector.broadcast %div3A_1290 : vector<512x1xf32> to vector<512x128xf32>
    %sub3A_1292 = arith.subf %add3A_1284, %sub3A_1291 : vector<512x128xf32>
    %sub3A_1293 = vector.broadcast %div3A_1290 : vector<512x1xf32> to vector<512x128xf32>
    %sub3A_1294 = arith.subf %add3A_1284, %sub3A_1293 : vector<512x128xf32>
    %mul3A_1295 = arith.mulf %sub3A_1292, %sub3A_1294 : vector<512x128xf32>
    %reduce_sum3A_1296 = arith.constant dense<0.000000e+00> : vector<512xf32>
    %reduce_sum3A_1297 = vector.multi_reduction <add>, %mul3A_1295, %reduce_sum3A_1296 [1] : vector<512x128xf32> to vector<512xf32>
    %broadcast_in_dim3A_1298 = vector.shape_cast %reduce_sum3A_1297 : vector<512xf32> to vector<512x1xf32>
    %div3A_1299 = arith.constant 1.280000e+02 : f32
    %div3A_1300 = vector.broadcast %div3A_1299 : f32 to vector<512x1xf32>
    %div3A_1301 = arith.divf %broadcast_in_dim3A_1298, %div3A_1300 : vector<512x1xf32>
    %sub3A_1302 = vector.broadcast %div3A_1290 : vector<512x1xf32> to vector<512x128xf32>
    %sub3A_1303 = arith.subf %add3A_1284, %sub3A_1302 : vector<512x128xf32>
    %add3A_1304 = arith.constant 9.99999974E-6 : f32
    %add3A_1305 = vector.broadcast %add3A_1304 : f32 to vector<512x1xf32>
    %add3A_1306 = arith.addf %div3A_1301, %add3A_1305 : vector<512x1xf32>
    %sqrt3A_1307 = math.sqrt %add3A_1306 : vector<512x1xf32>
    %div3A_1308 = vector.broadcast %sqrt3A_1307 : vector<512x1xf32> to vector<512x128xf32>
    %div3A_1309 = arith.divf %sub3A_1303, %div3A_1308 : vector<512x128xf32>
    %mul3A_1310 = vector.broadcast %get3A_121 : vector<1x128xf32> to vector<512x128xf32>
    %mul3A_1311 = arith.mulf %div3A_1309, %mul3A_1310 : vector<512x128xf32>
    %add3A_1312 = vector.broadcast %get3A_124 : vector<1x128xf32> to vector<512x128xf32>
    %add3A_1313 = arith.addf %mul3A_1311, %add3A_1312 : vector<512x128xf32>
    %gt3A_1314 = arith.constant 0.000000e+00 : f32
    %gt3A_1315 = vector.broadcast %gt3A_1314 : f32 to vector<512x128xf32>
    %gt3A_1316 = arith.cmpf ogt, %add3A_1313, %gt3A_1315 : vector<512x128xf32>
    %squeeze3A_1317 = vector.extract %get3A_127[0, 0] : f32 from vector<1x1xf32>
    %mul3A_1318 = vector.broadcast %squeeze3A_1317 : f32 to vector<512x128xf32>
    %mul3A_1319 = arith.mulf %mul3A_1318, %add3A_1313 : vector<512x128xf32>
    %select_n3A_1320 = arith.select %gt3A_1316, %add3A_1313, %mul3A_1319 : vector<512x128xi1>, vector<512x128xf32>
    %convert_element_type3A_1321 = arith.truncf %select_n3A_1320 : vector<512x128xf32> to vector<512x128xbf16>
    %convert_element_type3A_1322 = arith.truncf %get3A_130 : vector<128x128xf32> to vector<128x128xbf16>
    %dot_general3A_1323 = arith.constant dense<0.000000e+00> : vector<512x128xf32>
    %dot_general3A_1324 = tpu.matmul %convert_element_type3A_1321, %convert_element_type3A_1322, %dot_general3A_1323 {dimension_numbers = #tpu.dot_dimension_numbers<[1], [0], [0], [1], [0, 0, 1, 1], [], []>, transpose_lhs_hint = false} : vector<512x128xbf16>, vector<128x128xbf16>, vector<512x128xf32> -> vector<512x128xf32>
    %add3A_1325 = vector.broadcast %get3A_133 : vector<1x128xf32> to vector<512x128xf32>
    %add3A_1326 = arith.addf %dot_general3A_1324, %add3A_1325 : vector<512x128xf32>
    %add3A_1327 = arith.addf %add3A_1326, %add3A_1278 : vector<512x128xf32>
    %convert_element_type3A_1328 = arith.truncf %add3A_1327 : vector<512x128xf32> to vector<512x128xbf16>
    %convert_element_type3A_1329 = arith.truncf %get3A_136 : vector<128x128xf32> to vector<128x128xbf16>
    %dot_general3A_1330 = arith.constant dense<0.000000e+00> : vector<512x128xf32>
    %dot_general3A_1331 = tpu.matmul %convert_element_type3A_1328, %convert_element_type3A_1329, %dot_general3A_1330 {dimension_numbers = #tpu.dot_dimension_numbers<[1], [0], [0], [1], [0, 0, 1, 1], [], []>, transpose_lhs_hint = false} : vector<512x128xbf16>, vector<128x128xbf16>, vector<512x128xf32> -> vector<512x128xf32>
    %add3A_1332 = vector.broadcast %get3A_139 : vector<1x128xf32> to vector<512x128xf32>
    %add3A_1333 = arith.addf %dot_general3A_1331, %add3A_1332 : vector<512x128xf32>
    %gt3A_1334 = arith.constant 0.000000e+00 : f32
    %gt3A_1335 = vector.broadcast %gt3A_1334 : f32 to vector<512x128xf32>
    %gt3A_1336 = arith.cmpf ogt, %add3A_1333, %gt3A_1335 : vector<512x128xf32>
    %squeeze3A_1337 = vector.extract %get3A_142[0, 0] : f32 from vector<1x1xf32>
    %mul3A_1338 = vector.broadcast %squeeze3A_1337 : f32 to vector<512x128xf32>
    %mul3A_1339 = arith.mulf %mul3A_1338, %add3A_1333 : vector<512x128xf32>
    %select_n3A_1340 = arith.select %gt3A_1336, %add3A_1333, %mul3A_1339 : vector<512x128xi1>, vector<512x128xf32>
    %swap3A_1341 = arith.constant 0 : index
    %swap3A_1342 = arith.constant 0 : index
    %swap3A_1343 = vector.load %arg73[%swap3A_1341, %swap3A_1342] : memref<512x128xf32, #tpu.memory_space<vmem>>, vector<512x128xf32>
    tpu.vector_store %arg73[%swap3A_1341, %swap3A_1342], %select_n3A_1340 {strides = array<i32>} : memref<512x128xf32, #tpu.memory_space<vmem>>, vector<512x128xf32>,
    return
  }
}

</mosaic_0001>

<sc_bundles>
// kernel: kernel.4.cloned.1.call-start
scs
__scs_entry_jumppad:
0x0: {  	(pc) =	sbr.rel $0x88, $3  }
0x1: {  	(tag) =	ssettag $0x0;
	lr =	simm.s32 $0x1  }
0x2: {  	[smem:$0x3F59] =	sst lr;
	_ =	strace $0xD0000000  }
0x3: {  	_ = 	snop  }
0x4: {  	_ = 	snop  }
0x5: {  	_ = 	snop  }
0x6: {  	_ = 	snop  }
0x7: {  	_ = 	snop  }
__scs_overlays_trampoline_lowered:
0x8: {  	[smem:$0x3F68] =	sst s0  }
0x9: {  	[smem:$0x3F69] =	sst s1  }
0xa: {  	[smem:$0x3F6A] =	sst s2  }
0xb: {  	[smem:$0x3F6B] =	sst s3  }
0xc: {  	[smem:$0x3F6C] =	sst s4  }
0xd: {  	[smem:$0x3F6D] =	sst s5  }
0xe: {  	[smem:$0x3F6E] =	sst s6  }
0xf: {  	[smem:$0x3F6F] =	sst s7  }
0x10: {  	[smem:$0x3F70] =	sst s8  }
0x11: {  	[smem:$0x3F71] =	sst s9;
	s0 =	simm.s32 @!p0 $0x0  }
0x12: {  	s1 =	sld [smem:$0x3F57];
	s0 =	simm.s32 @p0 $0x1  }
0x13: {  	[smem:$0x3F72] =	sst s0;
	s0 =	simm.s32 @!p1 $0x0  }
0x14: {  	s2 =	sld [smem:$0x3F56];
	s0 =	simm.s32 @p1 $0x1  }
0x15: {  	[smem:$0x3F73] =	sst s0;
	s0 =	simm.s32 @!p2 $0x0  }
0x16: {  	s3 =	sld [smem:$0x3FDB];
	s0 =	simm.s32 @p2 $0x1  }
0x17: {  	s4 =	simm.s32 $0x1BF5;
	[smem:$0x3F75] =	sst s0  }
0x18: {  	s0 =	sld [smem:$0x3F58];
	_ =	swait.ge [sflag:s4], $0x0  }
0x19: {  	s7 =	sld [smem:$0x3F59]  }
0x1a: {  	s8 =	sadd.s32 $0xFFFFE003, lr  }
0x1b: {  	s9 =	sadd.s32 $0xFFFFFEF7, lr;
	s5 =	simm.s32 $0xFFFFFFFF;
	p2 =	slt.u32 s8, $0xFFFFF086  }
0x1c: {  	p1 =	slt.u32 s9, $0xF7A;
	s5 =	simm.s32 @!p2 $0x0  }
0x1d: {  	s5 =	simm.s32 @p1 $0x1;
	p0 =	seq.s32 s7, s2  }
0x1e: {  	s7 =	smul.u32 @!p0 $0xF7A, s2;
	p2 =	seq.s32 @!p0 s5, $0x0  }
0x1f: {  	s9 =	smul.u32 $0xF7A, s1;
	s8 =	simm.s32 @!p0 $0x1BF5;
	p2 =	por !p2, p0  }
0x20: {  	[sflag:s8] =	ssyncset.s32 @!p0 $0xFFFFF086;
	s6 =	sadd.s32 @!p0 s3, s7;
	s7 =	simm.s32 @!p0 $0x108  }
0x21: {  	s3 =	sadd.s32 s3, s9;
	s6 =	sadd.s32 @!p0 $0x88, s6;
	s7 =	simm.s32 @p2 $0x1082  }
0x22: {  	[simem:s7], [sflag:s8] =	dma.local @!p0 [hbm:s6], $0xF7A  }
0x23: {  	s9 =	sor.u32 $0xD0000000, s2;
	s6 =	simm.s32 $0x108;
	_ =	swait.ge @!p0 [sflag:s8], $0x0  }
0x24: {  	s3 =	sadd.s32 $0x88, s3;
	s6 =	simm.s32 @!p1 $0x1082;
	[sflag:s4] =	ssyncset.s32 $0xFFFFF086  }
0x25: {  	[simem:s6], [sflag:s4] =	dma.local [hbm:s3], $0xF7A  }
0x26: {  	[smem:$0x3F59] =	sst s1;
	(tag) =	ssettag s2;
	_ =	strace s9  }
0x27: {  	s1 =	sld [smem:$0x3F69]  }
0x28: {  	s2 =	sld [smem:$0x3F6A]  }
0x29: {  	s4 =	sld [smem:$0x3F6C]  }
0x2a: {  	p0 =	seq.s32 s5, $0x0;
	s5 =	sld [smem:$0x3F6D]  }
0x2b: {  	s6 =	sld [smem:$0x3F6E]  }
0x2c: {  	s7 =	sld [smem:$0x3F6F]  }
0x2d: {  	s3 =	simm.s32 $0x108;
	s8 =	sld [smem:$0x3F70]  }
0x2e: {  	s3 =	simm.s32 @!p0 $0x1082;
	s9 =	sld [smem:$0x3F71]  }
0x2f: {  	lr =	sadd.s32 s0, s3;
	s0 =	sld [smem:$0x3F68]  }
0x30: {  	s3 =	sld [smem:$0x3F6B]  }
0x31: {  	[smem:$0x3F74] =	sst s10  }
0x32: {  	s10 =	sld [smem:$0x3F72];
	_ =	sdelay $0x3  }
0x33: {  	p0 =	seq.s32 s10, $0x1;
	s10 =	sld [smem:$0x3F74];
	_ =	sdelay $0x3  }
0x34: {  	[smem:$0x3F74] =	sst s10  }
0x35: {  	s10 =	sld [smem:$0x3F73];
	_ =	sdelay $0x3  }
0x36: {  	p1 =	seq.s32 s10, $0x1;
	s10 =	sld [smem:$0x3F74];
	_ =	sdelay $0x3  }
0x37: {  	[smem:$0x3F74] =	sst s10  }
0x38: {  	s10 =	sld [smem:$0x3F75]  }
0x39: {  	_ = 	snop;
	(pc) =	sbr.ind lr, $3  }
0x3a: {  	_ = 	snop  }
0x3b: {  	_ = 	snop  }
0x3c: {  	p2 =	seq.s32 s10, $0x1;
	s10 =	sld [smem:$0x3F74]  }
0x3d: {  	_ =	shalt  }
0x3e: {  	_ =	shalt  }
0x3f: {  	_ =	shalt  }
0x40: {  	_ =	shalt  }
0x41: {  	_ =	shalt  }
0x42: {  	_ =	shalt  }
0x43: {  	_ =	shalt  }
0x44: {  	_ =	shalt  }
0x45: {  	_ =	shalt  }
0x46: {  	_ =	shalt  }
0x47: {  	_ =	shalt  }
0x48: {  	_ =	shalt  }
0x49: {  	_ =	shalt  }
0x4a: {  	_ =	shalt  }
0x4b: {  	_ =	shalt  }
0x4c: {  	_ =	shalt  }
0x4d: {  	_ =	shalt  }
0x4e: {  	_ =	shalt  }
0x4f: {  	_ =	shalt  }
0x50: {  	_ =	shalt  }
0x51: {  	_ =	shalt  }
0x52: {  	_ =	shalt  }
0x53: {  	_ =	shalt  }
0x54: {  	_ =	shalt  }
0x55: {  	_ =	shalt  }
0x56: {  	_ =	shalt  }
0x57: {  	_ =	shalt  }
0x58: {  	_ =	shalt  }
0x59: {  	_ =	shalt  }
0x5a: {  	_ =	shalt  }
0x5b: {  	_ =	shalt  }
0x5c: {  	_ =	shalt  }
0x5d: {  	_ =	shalt  }
0x5e: {  	_ =	shalt  }
0x5f: {  	_ =	shalt  }
0x60: {  	_ =	shalt  }
0x61: {  	_ =	shalt  }
0x62: {  	_ =	shalt  }
0x63: {  	_ =	shalt  }
0x64: {  	_ =	shalt  }
0x65: {  	_ =	shalt  }
0x66: {  	_ =	shalt  }
0x67: {  	_ =	shalt  }
0x68: {  	_ =	shalt  }
0x69: {  	_ =	shalt  }
0x6a: {  	_ =	shalt  }
0x6b: {  	_ =	shalt  }
0x6c: {  	_ =	shalt  }
0x6d: {  	_ =	shalt  }
0x6e: {  	_ =	shalt  }
0x6f: {  	_ =	shalt  }
0x70: {  	_ =	shalt  }
0x71: {  	_ =	shalt  }
0x72: {  	_ =	shalt  }
0x73: {  	_ =	shalt  }
0x74: {  	_ =	shalt  }
0x75: {  	_ =	shalt  }
0x76: {  	_ =	shalt  }
0x77: {  	_ =	shalt  }
0x78: {  	_ =	shalt  }
0x79: {  	_ =	shalt  }
0x7a: {  	_ =	shalt  }
0x7b: {  	_ =	shalt  }
0x7c: {  	_ =	shalt  }
0x7d: {  	_ =	shalt  }
0x7e: {  	_ =	shalt  }
0x7f: {  	_ =	shalt  }
0x80: {  	_ =	shalt  }
0x81: {  	_ =	shalt  }
0x82: {  	_ =	shalt  }
0x83: {  	_ =	shalt  }
0x84: {  	_ =	shalt  }
0x85: {  	_ =	shalt  }
0x86: {  	_ =	shalt  }
0x87: {  	_ =	shalt  }
.Lfunc_end0:
.L_simem_size_0:
called_computation_lowered:
.L_overlay_start_0:
0x88: {  	s2 =	sld [smem:$0x3FD9]  }
0x89: {  	s3 =	sld [smem:$0x3FFE];
	_ =	sdelay $0x1  }
0x8a: {  	s1 =	srdreg.scid  }
0x8b: {  	s0 =	sand.u32 $0x1, s1  }
0x8c: {  	s14 =	sshll.u32 s0, $0xA;
	s2 =	sadd.s32 s3, s2  }
0x8d: {  	s2 =	sadd.s32 s2, s14  }
0x8e: {  	[smem:$0x3F80] =	sst s2  }
0x8f: {  	_ = 	snop  }
0x90: {  	s2 =	sld [smem:$0x3FD0];
	_ =	sdelay $0x2  }
0x91: {  	s15 =	simm.s32 $0xA;
	s4 =	simm.s32 $0x10  }
0x92: {  	[smem:s4], [sflag:s15] =	dma.local [hbm:s2], $0x1  }
0x93: {  	_ =	swait.eq [sflag:s15], $0x1  }
0x94: {  	s16 =	sld [smem:$0x10]  }
0x95: {  	s17 =	sld [smem:$0x11];
	[sflag:s15] =	ssyncset.done $0x0  }
0x96: {  	s5 =	sld [smem:$0x12];
	[sflag:s15] =	ssyncadd.s32 $0xFFFFFFFF  }
0x97: {  	s18 =	sld [smem:$0x13];
	(tm) =	ssettm $0x1  }
0x98: {  	s6 =	sld [smem:$0x3FFB];
	_ =	sdelay $0x3  }
0x99: {  	_ =	strace s6  }
0x9a: {  	s6 =	sld [smem:$0x3FFC];
	_ =	sdelay $0x3  }
0x9b: {  	_ =	strace s6  }
0x9c: {  	s6 =	sld [smem:$0x3FFD];
	_ =	sdelay $0x3  }
0x9d: {  	_ =	strace s6  }
0x9e: {  	_ =	strace $0x8FFFFFFF  }
0x9f: {  	s19 =	sld [smem:$0x3FDB];
	_ =	sdelay $0x1  }
0xa0: {  	s7 =	simm.s32 $_scs_section_size  }
0xa1: {  	s8 =	simm.s32 $_size__tile_overlayer_lowered;
	s9 =	simm.s32 $_tile_overlayer_lowered  }
0xa2: {  	s22 =	simm.s32 $0x1BFF;
	s21 =	sshll.u32 s9, $0x1;
	s6 =	sadd.s32 s7, s19  }
0xa3: {  	s10 =	simm.s32 $0x0;
	s20 =	sshll.u32 s8, $0x1;
	s8 =	sadd.s32 s21, s6  }
0xa4: {  	[timem:s10], [sflag:s22] =	dma.local [hbm:s8], s20  }
0xa5: {  	_ =	swait.ge [sflag:s22], s20  }
0xa6: {  	s7 =	ssub.s32 $0x0, s20;
	[sflag:s22] =	ssyncset.done $0x0  }
0xa7: {  	[sflag:s22] =	ssyncadd.s32 s7;
	_ =	sdelay $0x1  }
0xa8: {  	s23 =	simm.s32 $0x1B8B  }
0xa9: {  	_ =	swait.ge [sflag:s23], $0x1  }
0xaa: {  	[sflag:s23] =	ssyncset.done $0x0  }
0xab: {  	s25 =	simm.s32 $0x1B8E;
	s24 =	sld [smem:$0x3FFE];
	[sflag:s23] =	ssyncadd.s32 $0xFFFFFFFF  }
0xac: {  	s26 =	simm.s32 $execute0_lowered;
	[smem:$0x3FD2] =	sst s25  }
0xad: {  	s8 =	sshll.u32 s26, $0x1;
	_ =	strace $0x80000046;
	[dreg:$0x1] =	wrdreg $0xFFFFFFFF  }
0xae: {  	s28 =	simm.s32 $_size_execute0_lowered;
	s6 =	sadd.s32 s6, s8;
	[dreg:$0x0] =	wrdreg $0x0  }
0xaf: {  	s8 =	sshll.u32 s28, $0x1;
	[dreg:$0x2] =	wrdreg s6  }
0xb0: {  	[dreg:$0x3] =	wrdreg s8  }
0xb1: {  	[dreg:$0x4] =	wrdreg $0xC0  }
0xb2: {  	_ =	task [dreg:s10], $0x5FFFF  }
0xb3: {  	[dreg:$0x1] =	wrdreg $0xFFFFFFFF  }
0xb4: {  	[dreg:$0x0] =	wrdreg $0x60  }
0xb5: {  	[dreg:$0x2] =	wrdreg s16  }
0xb6: {  	[dreg:$0x3] =	wrdreg s17  }
0xb7: {  	[dreg:$0x4] =	wrdreg s24  }
0xb8: {  	[dreg:$0x5] =	wrdreg s5  }
0xb9: {  	[dreg:$0x6] =	wrdreg s18  }
0xba: {  	[dreg:$0x7] =	wrdreg $0x9  }
0xbb: {  	_ =	task.clear_ibuf [dreg:s10], $0x8FFFF;
	_ =	strace $0x90000046  }
0xbc: {  	s29 =	simm.s32 $0x9;
	_ =	strace $0x80000048  }
0xbd: {  	_ =	swait.ge [sflag:s29], $0x1  }
0xbe: {  	[sflag:s29] =	ssyncadd.s32 $0xFFFFFFFF  }
0xbf: {  	_ =	strace $0x90000048  }
0xc0: {  	_ =	sfence  }
0xc1: {  	s30 =	sld [smem:$0x0];
	_ =	sdelay $0x2  }
0xc2: {  	s31 =	sshll.u32 s1, $0xD;
	s1 =	sshrl.u32 s1, $0x2  }
0xc3: {  	s3 =	sand.u32 $0x4000, s31;
	s1 =	sadd.s32 s1, s30  }
0xc4: {  	s0 =	sor.u32 s3, s0;
	s1 =	sshll.u32 s1, $0x11  }
0xc5: {  	s0 =	sor.u32 s1, s0  }
0xc6: {  	s0 =	sadd.s32 $0x8F2B, s0  }
0xc7: {  	[sflag:s0] =	ssyncadd.remote.s32 $0x1  }
0xc8: {  	_ =	sfence.sel $0xFFFF  }
0xc9: {  	[dreg:$0x0] =	wrdreg $0xFFFFFFFF;
	(pc) =	sbr.abs _section_cstart, $3  }
0xca: {  	[dreg:$0x1] =	wrdreg $0xFFFFFFFF  }
0xcb: {  	_ =	task.clear_ibuf [dreg:s10], $0x2FFFF;
	_ =	strace $0x9FFFFFFF  }
0xcc: {  	(tm) =	ssettm $0x7FFFFFFF  }
0xcd: {  	_ =	shalt  }
tec
execute0_lowered:
.L_overlay_start_1:
0x0: {  	(tag) =	ssettag $0x1  }
0x1: {  	s1 =	rddreg [dreg:$0x0]  }
0x2: {  	s2 =	rddreg [dreg:$0x1]  }
0x3: {  	s8 =	rddreg [dreg:$0x2]  }
0x4: {  	s4 =	rddreg [dreg:$0x3]  }
0x5: {  	s5 =	rddreg [dreg:$0x4]  }
0x6: {  	s0 =	rddreg [dreg:$0x5];
	s3 =	stileid.u32;
	s6 =	simm.s32 $0x0  }
0x7: {  	s7 =	srdreg.scid;
	s13 =	simm.s32 $0x2;
	s15 =	simm.s32 $0x3  }
0x8: {  	s16 =	simm.s32 $0x0;
	s9 =	sshll.u32 s3, $0x1;
	[smem:$0x7FF] =	sst s6  }
0x9: {  	s7 =	sand.u32 $0x1, s7;
	p0 =	sgt.u32 s3, $0x7;
	s9 =	sand.u32 $0xE, s9  }
.Ltmp0:
0xa: {  	_ =	strace $0x80000047;
	s10 =	ssub.s32 $0x2, s7;
	(pc) =	sbr.rel .LBB2_1-.Ltmp0, $4  }
0xb: {  	s9 =	sor.u32 s7, s9;
	s7 =	sadd.s32 $0x8A00, s8;
	s11 =	sshrl.u32 s10, $0x1  }
0xc: {  	s8 =	sadd.s32 $0x9200, s8;
	s12 =	sshll.u32 s9, $0x5;
	s10 =	ssub.s32 s10, s11  }
0xd: {  	v2 =	vimm.f32 $0.0e+00;
	s9 =	sshll.u32 s9, $0xB;
	s11 =	simm.s32 $0x4000;
	s14 =	sadd.s32 $0x20, s12  }
0xe: {  	v3 =	vimm.f32 $1.000000000e+00;
	s10 =	smax.u32 s10, $0x1;
	v0 =	vmov s12;
	s12 =	simm.s32 $0x1;
	v1 =	vmov s14;
	s14 =	simm.s32 $0x8000  }
.LBB2_12:
0xf: {  	s16 =	sadd.s32 $0x1, s16  }
0x10: {  	p1 =	sne.s32 s16, s10  }
.Ltmp1:
0x11: {  	s17 =	sadd.s32 s17, s9;
	(pc) =	sbr.rel @!p1 .LBB2_13-.Ltmp1, $4  }
0x12: {  	[hbm4b:s17+s6] =	stream.linear.scatter [tilespmem:s14], [sflag:$0x3], $0x4000, $0x38;
	[tilespmem:$0xC000] =	vst v63  }
0x13: {  	_ =	swait.ge [sflag:s15], $0x4000  }
0x14: {  	[sflag:s15] =	ssyncset.done $0x0  }
0x15: {  	[sflag:s15] =	ssyncadd.s32 $0xFFFFC000  }
.LBB2_1:
.Ltmp2:
0x16: {  	(pc) =	sbr.rel @p0 .LBB2_7-.Ltmp2, $1  }
0x17: {  	_ =	sdelay $0x3  }
0x18: {  	[tilespmem:s6], [sflag:$0x1] =	stream.linear.gather [hbm4b:s1+s6], $0x4000, $0x38;
	[tilespmem:$0xC000] =	vst v63  }
0x19: {  	s17 =	simm.s32 $0x8040  }
0x1a: {  	[tilespmem:s11], [sflag:$0x2] =	stream.linear.gather [hbm4b:s2+s6], $0x4000, $0x38;
	[tilespmem:$0xC000] =	vst v63  }
0x1b: {  	[tilespmem:s17+$0xFFFFFFC0] =	vst v2  }
0x1c: {  	[tilespmem:s17+$0x30] =	vst v2  }
0x1d: {  	[tilespmem:s17+$0x20] =	vst v2  }
0x1e: {  	[tilespmem:s17+$0x10] =	vst v2  }
0x1f: {  	[tilespmem:s17+$0x0] =	vst v2  }
0x20: {  	[tilespmem:s17+$0xFFFFFFF0] =	vst v2  }
0x21: {  	s18 =	simm.s32 $0x0;
	[tilespmem:s17+$0xFFFFFFE0] =	vst v2  }
.LBB2_3:
0x22: {  	s18 =	sadd.s32 $0x8, s18;
	[tilespmem:s17+$0xFFFFFFD0] =	vst v2;
	s17 =	sadd.s32 $0x80, s17  }
0x23: {  	[tilespmem:s17+$0xFFFFFFC0] =	vst v2;
	p1 =	slt.u32 s18, $0x3F8  }
0x24: {  	[tilespmem:s17+$0x30] =	vst v2  }
.Ltmp3:
0x25: {  	[tilespmem:s17+$0x20] =	vst v2;
	(pc) =	sbr.rel @p1 .LBB2_3-.Ltmp3, $4  }
0x26: {  	[tilespmem:s17+$0x10] =	vst v2  }
0x27: {  	[tilespmem:s17+$0x0] =	vst v2  }
0x28: {  	[tilespmem:s17+$0xFFFFFFF0] =	vst v2  }
0x29: {  	[tilespmem:s17+$0xFFFFFFE0] =	vst v2  }
0x2a: {  	[tilespmem:s17+$0xFFFFFFD0] =	vst v2  }
0x2b: {  	_ =	swait.ge [sflag:s12], $0x4000  }
0x2c: {  	[sflag:s12] =	ssyncset.done $0x0  }
0x2d: {  	[sflag:s12] =	ssyncadd.s32 $0xFFFFC000  }
0x2e: {  	_ =	swait.ge [sflag:s13], $0x4000  }
0x2f: {  	[sflag:s13] =	ssyncset.done $0x0  }
0x30: {  	s17 =	simm.s32 $0x0;
	[sflag:s13] =	ssyncadd.s32 $0xFFFFC000  }
.LBB2_5:
0x31: {  	s18 =	sshra.s32 s17, $0x2  }
0x32: {  	v4 =	vld [tilespmem:s18+$0x4000];
	_ =	sdelay $0x1  }
0x33: {  	v5 =	vld [tilespmem:s18+$0x0];
	_ =	sdelay $0x2  }
0x34: {  	vm0 =	vge.s32 v4, v0;
	vm1 =	vlt.s32 v4, v1;
	v4 =	vsub.s32 v4, v0  }
0x35: {  	vm0 =	vmand vm0, vm1;
	v4 =	vshll.u32 v4, $0x9  }
0x36: {  	v4 =	vadd.s32 v5, v4;
	_ =	sdelay $0x4  }
0x37: {  	[tilespmem:v4+s14+$0x0] =	vst.idx.add.f32.msk vm0, v3  }
0x38: {  	v4 =	vld [tilespmem:s18+$0x4010];
	_ =	sdelay $0x1  }
0x39: {  	v5 =	vld [tilespmem:s18+$0x10];
	_ =	sdelay $0x2  }
0x3a: {  	vm14 =	vge.s32 v4, v0;
	vm15 =	vlt.s32 v4, v1;
	v4 =	vsub.s32 v4, v0  }
0x3b: {  	vm0 =	vmand vm14, vm15;
	v4 =	vshll.u32 v4, $0x9  }
0x3c: {  	v4 =	vadd.s32 v5, v4;
	_ =	sdelay $0x4  }
0x3d: {  	[tilespmem:v4+s14+$0x0] =	vst.idx.add.f32.msk vm0, v3  }
0x3e: {  	v4 =	vld [tilespmem:s18+$0x4020];
	_ =	sdelay $0x1  }
0x3f: {  	v5 =	vld [tilespmem:s18+$0x20];
	_ =	sdelay $0x2  }
0x40: {  	vm4 =	vge.s32 v4, v0;
	vm5 =	vlt.s32 v4, v1;
	v4 =	vsub.s32 v4, v0  }
0x41: {  	vm0 =	vmand vm4, vm5;
	v4 =	vshll.u32 v4, $0x9  }
0x42: {  	v4 =	vadd.s32 v5, v4;
	_ =	sdelay $0x4  }
0x43: {  	[tilespmem:v4+s14+$0x0] =	vst.idx.add.f32.msk vm0, v3  }
0x44: {  	v4 =	vld [tilespmem:s18+$0x4030];
	_ =	sdelay $0x1  }
0x45: {  	v5 =	vld [tilespmem:s18+$0x30];
	_ =	sdelay $0x2  }
0x46: {  	vm6 =	vge.s32 v4, v0;
	vm7 =	vlt.s32 v4, v1;
	v4 =	vsub.s32 v4, v0  }
0x47: {  	vm0 =	vmand vm6, vm7;
	v4 =	vshll.u32 v4, $0x9  }
0x48: {  	v4 =	vadd.s32 v5, v4;
	_ =	sdelay $0x4  }
0x49: {  	[tilespmem:v4+s14+$0x0] =	vst.idx.add.f32.msk vm0, v3  }
0x4a: {  	v4 =	vld [tilespmem:s18+$0x4040];
	_ =	sdelay $0x1  }
0x4b: {  	v5 =	vld [tilespmem:s18+$0x40];
	_ =	sdelay $0x2  }
0x4c: {  	vm8 =	vge.s32 v4, v0;
	vm9 =	vlt.s32 v4, v1;
	v4 =	vsub.s32 v4, v0  }
0x4d: {  	vm0 =	vmand vm8, vm9;
	v4 =	vshll.u32 v4, $0x9  }
0x4e: {  	v4 =	vadd.s32 v5, v4;
	_ =	sdelay $0x4  }
0x4f: {  	[tilespmem:v4+s14+$0x0] =	vst.idx.add.f32.msk vm0, v3  }
0x50: {  	v4 =	vld [tilespmem:s18+$0x4050];
	_ =	sdelay $0x1  }
0x51: {  	v5 =	vld [tilespmem:s18+$0x50];
	_ =	sdelay $0x2  }
0x52: {  	vm10 =	vge.s32 v4, v0;
	vm11 =	vlt.s32 v4, v1;
	v4 =	vsub.s32 v4, v0  }
0x53: {  	vm0 =	vmand vm10, vm11;
	v4 =	vshll.u32 v4, $0x9  }
0x54: {  	v4 =	vadd.s32 v5, v4;
	_ =	sdelay $0x4  }
0x55: {  	[tilespmem:v4+s14+$0x0] =	vst.idx.add.f32.msk vm0, v3  }
0x56: {  	v4 =	vld [tilespmem:s18+$0x4060];
	_ =	sdelay $0x1  }
0x57: {  	v5 =	vld [tilespmem:s18+$0x60];
	_ =	sdelay $0x2  }
0x58: {  	vm12 =	vge.s32 v4, v0;
	vm13 =	vlt.s32 v4, v1;
	v4 =	vsub.s32 v4, v0  }
0x59: {  	vm0 =	vmand vm12, vm13;
	v4 =	vshll.u32 v4, $0x9  }
0x5a: {  	v4 =	vadd.s32 v5, v4;
	_ =	sdelay $0x4  }
0x5b: {  	[tilespmem:v4+s14+$0x0] =	vst.idx.add.f32.msk vm0, v3  }
0x5c: {  	v4 =	vld [tilespmem:s18+$0x4070];
	_ =	sdelay $0x1  }
0x5d: {  	v5 =	vld [tilespmem:s18+$0x70];
	_ =	sdelay $0x2  }
0x5e: {  	vm14 =	vge.s32 v4, v0;
	vm15 =	vlt.s32 v4, v1;
	v4 =	vsub.s32 v4, v0  }
0x5f: {  	vm0 =	vmand vm14, vm15;
	v4 =	vshll.u32 v4, $0x9  }
0x60: {  	p1 =	seq.s32 s17, $0xFE00;
	v4 =	vadd.s32 v5, v4  }
.Ltmp4:
0x61: {  	_ = 	snop;
	(pc) =	sbr.rel @!p1 .LBB2_5-.Ltmp4, $2  }
0x62: {  	_ =	sdelay $0x2  }
0x63: {  	s17 =	sadd.s32 $0x200, s17;
	[tilespmem:v4+s14+$0x0] =	vst.idx.add.f32.msk vm0, v3  }
.Ltmp5:
0x64: {  	(pc) =	sbr.rel .LBB2_12-.Ltmp5, $2  }
0x65: {  	_ =	sdelay $0x2  }
0x66: {  	s17 =	smov.u32 s5  }
.LBB2_7:
0x67: {  	[tilespmem:s6], [sflag:$0x1] =	stream.linear.gather [hbm4b:s7+s6], $0x4000, $0x38;
	[tilespmem:$0xC000] =	vst v63  }
0x68: {  	s17 =	simm.s32 $0x8040  }
0x69: {  	[tilespmem:s11], [sflag:$0x2] =	stream.linear.gather [hbm4b:s4+s6], $0x4000, $0x38;
	[tilespmem:$0xC000] =	vst v63  }
0x6a: {  	[tilespmem:s17+$0xFFFFFFC0] =	vst v2  }
0x6b: {  	[tilespmem:s17+$0x30] =	vst v2  }
0x6c: {  	[tilespmem:s17+$0x20] =	vst v2  }
0x6d: {  	[tilespmem:s17+$0x10] =	vst v2  }
0x6e: {  	[tilespmem:s17+$0x0] =	vst v2  }
0x6f: {  	[tilespmem:s17+$0xFFFFFFF0] =	vst v2  }
0x70: {  	s18 =	simm.s32 $0x0;
	[tilespmem:s17+$0xFFFFFFE0] =	vst v2  }
.LBB2_8:
0x71: {  	s18 =	sadd.s32 $0x8, s18;
	[tilespmem:s17+$0xFFFFFFD0] =	vst v2;
	s17 =	sadd.s32 $0x80, s17  }
0x72: {  	[tilespmem:s17+$0xFFFFFFC0] =	vst v2;
	p1 =	slt.u32 s18, $0x3F8  }
0x73: {  	[tilespmem:s17+$0x30] =	vst v2  }
.Ltmp6:
0x74: {  	[tilespmem:s17+$0x20] =	vst v2;
	(pc) =	sbr.rel @p1 .LBB2_8-.Ltmp6, $4  }
0x75: {  	[tilespmem:s17+$0x10] =	vst v2  }
0x76: {  	[tilespmem:s17+$0x0] =	vst v2  }
0x77: {  	[tilespmem:s17+$0xFFFFFFF0] =	vst v2  }
0x78: {  	[tilespmem:s17+$0xFFFFFFE0] =	vst v2  }
0x79: {  	[tilespmem:s17+$0xFFFFFFD0] =	vst v2  }
0x7a: {  	_ =	swait.ge [sflag:s12], $0x4000  }
0x7b: {  	[sflag:s12] =	ssyncset.done $0x0  }
0x7c: {  	[sflag:s12] =	ssyncadd.s32 $0xFFFFC000  }
0x7d: {  	_ =	swait.ge [sflag:s13], $0x4000  }
0x7e: {  	[sflag:s13] =	ssyncset.done $0x0  }
0x7f: {  	s17 =	simm.s32 $0x0;
	[sflag:s13] =	ssyncadd.s32 $0xFFFFC000  }
.LBB2_10:
0x80: {  	s18 =	sshra.s32 s17, $0x2  }
0x81: {  	v4 =	vld [tilespmem:s18+$0x4000];
	_ =	sdelay $0x1  }
0x82: {  	v5 =	vld [tilespmem:s18+$0x0];
	_ =	sdelay $0x2  }
0x83: {  	vm0 =	vge.s32 v4, v0;
	vm1 =	vlt.s32 v4, v1;
	v4 =	vsub.s32 v4, v0  }
0x84: {  	vm0 =	vmand vm0, vm1;
	v4 =	vshll.u32 v4, $0x9  }
0x85: {  	v4 =	vadd.s32 v5, v4;
	_ =	sdelay $0x4  }
0x86: {  	[tilespmem:v4+s14+$0x0] =	vst.idx.add.f32.msk vm0, v3  }
0x87: {  	v4 =	vld [tilespmem:s18+$0x4010];
	_ =	sdelay $0x1  }
0x88: {  	v5 =	vld [tilespmem:s18+$0x10];
	_ =	sdelay $0x2  }
0x89: {  	vm14 =	vge.s32 v4, v0;
	vm15 =	vlt.s32 v4, v1;
	v4 =	vsub.s32 v4, v0  }
0x8a: {  	vm0 =	vmand vm14, vm15;
	v4 =	vshll.u32 v4, $0x9  }
0x8b: {  	v4 =	vadd.s32 v5, v4;
	_ =	sdelay $0x4  }
0x8c: {  	[tilespmem:v4+s14+$0x0] =	vst.idx.add.f32.msk vm0, v3  }
0x8d: {  	v4 =	vld [tilespmem:s18+$0x4020];
	_ =	sdelay $0x1  }
0x8e: {  	v5 =	vld [tilespmem:s18+$0x20];
	_ =	sdelay $0x2  }
0x8f: {  	vm4 =	vge.s32 v4, v0;
	vm5 =	vlt.s32 v4, v1;
	v4 =	vsub.s32 v4, v0  }
0x90: {  	vm0 =	vmand vm4, vm5;
	v4 =	vshll.u32 v4, $0x9  }
0x91: {  	v4 =	vadd.s32 v5, v4;
	_ =	sdelay $0x4  }
0x92: {  	[tilespmem:v4+s14+$0x0] =	vst.idx.add.f32.msk vm0, v3  }
0x93: {  	v4 =	vld [tilespmem:s18+$0x4030];
	_ =	sdelay $0x1  }
0x94: {  	v5 =	vld [tilespmem:s18+$0x30];
	_ =	sdelay $0x2  }
0x95: {  	vm6 =	vge.s32 v4, v0;
	vm7 =	vlt.s32 v4, v1;
	v4 =	vsub.s32 v4, v0  }
0x96: {  	vm0 =	vmand vm6, vm7;
	v4 =	vshll.u32 v4, $0x9  }
0x97: {  	v4 =	vadd.s32 v5, v4;
	_ =	sdelay $0x4  }
0x98: {  	[tilespmem:v4+s14+$0x0] =	vst.idx.add.f32.msk vm0, v3  }
0x99: {  	v4 =	vld [tilespmem:s18+$0x4040];
	_ =	sdelay $0x1  }
0x9a: {  	v5 =	vld [tilespmem:s18+$0x40];
	_ =	sdelay $0x2  }
0x9b: {  	vm8 =	vge.s32 v4, v0;
	vm9 =	vlt.s32 v4, v1;
	v4 =	vsub.s32 v4, v0  }
0x9c: {  	vm0 =	vmand vm8, vm9;
	v4 =	vshll.u32 v4, $0x9  }
0x9d: {  	v4 =	vadd.s32 v5, v4;
	_ =	sdelay $0x4  }
0x9e: {  	[tilespmem:v4+s14+$0x0] =	vst.idx.add.f32.msk vm0, v3  }
0x9f: {  	v4 =	vld [tilespmem:s18+$0x4050];
	_ =	sdelay $0x1  }
0xa0: {  	v5 =	vld [tilespmem:s18+$0x50];
	_ =	sdelay $0x2  }
0xa1: {  	vm10 =	vge.s32 v4, v0;
	vm11 =	vlt.s32 v4, v1;
	v4 =	vsub.s32 v4, v0  }
0xa2: {  	vm0 =	vmand vm10, vm11;
	v4 =	vshll.u32 v4, $0x9  }
0xa3: {  	v4 =	vadd.s32 v5, v4;
	_ =	sdelay $0x4  }
0xa4: {  	[tilespmem:v4+s14+$0x0] =	vst.idx.add.f32.msk vm0, v3  }
0xa5: {  	v4 =	vld [tilespmem:s18+$0x4060];
	_ =	sdelay $0x1  }
0xa6: {  	v5 =	vld [tilespmem:s18+$0x60];
	_ =	sdelay $0x2  }
0xa7: {  	vm12 =	vge.s32 v4, v0;
	vm13 =	vlt.s32 v4, v1;
	v4 =	vsub.s32 v4, v0  }
0xa8: {  	vm0 =	vmand vm12, vm13;
	v4 =	vshll.u32 v4, $0x9  }
0xa9: {  	v4 =	vadd.s32 v5, v4;
	_ =	sdelay $0x4  }
0xaa: {  	[tilespmem:v4+s14+$0x0] =	vst.idx.add.f32.msk vm0, v3  }
0xab: {  	v4 =	vld [tilespmem:s18+$0x4070];
	_ =	sdelay $0x1  }
0xac: {  	v5 =	vld [tilespmem:s18+$0x70];
	_ =	sdelay $0x2  }
0xad: {  	vm14 =	vge.s32 v4, v0;
	vm15 =	vlt.s32 v4, v1;
	v4 =	vsub.s32 v4, v0  }
0xae: {  	vm0 =	vmand vm14, vm15;
	v4 =	vshll.u32 v4, $0x9  }
0xaf: {  	p1 =	sne.s32 s17, $0xFE00;
	v4 =	vadd.s32 v5, v4  }
.Ltmp7:
0xb0: {  	_ = 	snop;
	(pc) =	sbr.rel @p1 .LBB2_10-.Ltmp7, $2  }
0xb1: {  	_ =	sdelay $0x2  }
0xb2: {  	s17 =	sadd.s32 $0x200, s17;
	[tilespmem:v4+s14+$0x0] =	vst.idx.add.f32.msk vm0, v3  }
.Ltmp8:
0xb3: {  	(pc) =	sbr.rel .LBB2_12-.Ltmp8, $2  }
0xb4: {  	_ =	sdelay $0x2  }
0xb5: {  	s17 =	smov.u32 s8  }
.LBB2_13:
0xb6: {  	_ =	sfence.sel $0x180000  }
0xb7: {  	[bflag:$0x0] =	sbarrier.arrive $0xFFFF  }
0xb8: {  	p0 =	sne.s32 s3, $0x0;
	_ =	strace $0x90000047  }
0xb9: {  	s0 =	sadd.s32 @!p0 $0x100000, s0;
	[bflag:$0x2] =	sbarrier.arrive $0xFFFF  }
0xba: {  	[sflag:s0] =	ssyncadd.tile.s32 @!p0 $0x1;
	_ =	shalt  }
.Lfunc_end2:
_tile_overlayer_lowered:
.L_overlay_start_2:
0xbb: {  	(tag) =	ssettag $0x2  }
0xbc: {  	s0 =	rddreg [dreg:$0x0];
	s2 =	stileid.u32  }
0xbd: {  	s1 =	rddreg [dreg:$0x1];
	p0 =	sne.s32 s2, $0x0  }
0xbe: {  	s3 =	rddreg [dreg:$0x2];
	[bflag:$0x3] =	sbarrier.arrive $0xFFFF;
	s2 =	simm.s32 @!p0 $0x1C03  }
0xbf: {  	[timem:s3], [sflag:s2] =	dma.local @!p0 [hbm:s0], s1  }
0xc0: {  	s0 =	simm.s32 @!p0 $0x3  }
0xc1: {  	_ =	swait.ge @!p0 [sflag:s0], s1  }
0xc2: {  	s1 =	ssub.s32 @!p0 $0x0, s1;
	[sflag:s0] =	ssyncset.done @!p0 $0x0  }
0xc3: {  	[sflag:s0] =	ssyncadd.s32 @!p0 s1  }
0xc4: {  	[bflag:$0x3] =	sbarrier.arrive $0xFFFF  }
0xc5: {  	_ =	shalt  }

</sc_bundles>
